<compile_context>
chip_gen: v7x
topology: tpu7x:2x2x1
jax: 0.10.2.dev20260603
libtpu: 0.0.44.dev20260713+nightly
codegen_flags: <defaults>
</compile_context>

<pallas_src>
import functools

import jax
import jax.numpy as jnp
from jax import lax
from jax.experimental import pallas as pl
from jax.experimental.pallas import tpu as pltpu
from jax.experimental.pallas import tpu_sc as plsc

NUM_FIELDS = 26
CARD = 100000
ROWS_PER_TABLE = CARD + 1
DIM = 50
BATCH = 16384

N = BATCH * NUM_FIELDS
NW = 32
NPW = N // NW
GROUP = 4
GDIM = GROUP * DIM
TOTAL = NUM_FIELDS * ROWS_PER_TABLE * DIM
NGROUPS = TOTAL // GDIM + 1
PAD = NGROUPS * GDIM - TOTAL

SR = 32
NBUF = 8
STEPS = NPW // SR
ROUNDS = STEPS // NBUF - 1
LANES = 16
SGROUPS = SR // LANES


def _body(table_hbm, x_hbm, out_hbm, xbuf, gidx, obuf, gbuf, stg,
          gsem, wsem):
    core = lax.axis_index("c")
    sub = lax.axis_index("s")
    wid = sub * 2 + core
    base = wid * NPW

    pltpu.sync_copy(x_hbm.at[pl.ds(base, NPW)], xbuf)

    iot = lax.iota(jnp.int32, LANES)

    def prep(step, b):
        for c in range(SGROUPS):
            p = step * SR + c * LANES
            xv = xbuf[pl.ds(p, LANES)]
            f = lax.rem(p + iot, NUM_FIELDS)
            r = xv + f * ROWS_PER_TABLE
            gidx[b][pl.ds(c * LANES, LANES)] = lax.shift_right_logical(r, 2)
            obuf[b][pl.ds(c * LANES, LANES)] = (r & 3) * DIM

    def issue(step, b):
        prep(step, b)
        pltpu.async_copy(table_hbm.at[gidx[b]], gbuf[b], gsem[b])

    def wait_gather(b):
        pltpu.make_async_copy(table_hbm.at[gidx[b]], gbuf[b], gsem[b]).wait()

    def extract(b, w):
        for c in range(SGROUPS):
            rows = iot + c * LANES
            ovec = obuf[b][pl.ds(c * LANES, LANES)]
            dst0 = rows * DIM

            def col(k, carry):
                v = plsc.load_gather(gbuf[b], [rows, ovec + k])
                plsc.store_scatter(stg[w], [dst0 + k], v)
                return carry

            lax.fori_loop(0, DIM, col, None)

    def write_out(step, w):
        pltpu.async_copy(stg[w],
                         out_hbm.at[pl.ds((base + step * SR) * DIM, SR * DIM)],
                         wsem[w])

    def wait_write(step, w):
        pltpu.make_async_copy(
            stg[w],
            out_hbm.at[pl.ds((base + (step - 2) * SR) * DIM, SR * DIM)],
            wsem[w]).wait()

    for b in range(NBUF):
        issue(b, b)

    def round_body(rd, carry):
        for b in range(NBUF):
            step = rd * NBUF + b
            w = b % 2
            wait_gather(b)

            @pl.when(step >= 2)
            def _():
                wait_write(step, w)

            extract(b, w)
            write_out(step, w)
            issue(step + NBUF, b)
        return carry

    lax.fori_loop(0, ROUNDS, round_body, None)

    for b in range(NBUF):
        step = ROUNDS * NBUF + b
        w = b % 2
        wait_gather(b)
        wait_write(step, w)
        extract(b, w)
        write_out(step, w)

    for b in (NBUF - 2, NBUF - 1):
        step = ROUNDS * NBUF + b
        pltpu.make_async_copy(
            stg[b % 2],
            out_hbm.at[pl.ds((base + step * SR) * DIM, SR * DIM)],
            wsem[b % 2]).wait()


@jax.jit
def _run(big_table, x_flat):
    mesh = plsc.VectorSubcoreMesh(core_axis_name="c", subcore_axis_name="s")
    f = functools.partial(
        pl.kernel,
        mesh=mesh,
        compiler_params=pltpu.CompilerParams(use_tc_tiling_on_sc=False,
                                             needs_layout_passes=False),
        out_type=jax.ShapeDtypeStruct((N * DIM,), jnp.float32),
        scratch_types=[
            pltpu.VMEM((NPW,), jnp.int32),
            [pltpu.VMEM((SR,), jnp.int32) for _ in range(NBUF)],
            [pltpu.VMEM((SR,), jnp.int32) for _ in range(NBUF)],
            [pltpu.VMEM((SR, GDIM), jnp.float32) for _ in range(NBUF)],
            [pltpu.VMEM((SR * DIM,), jnp.float32) for _ in range(2)],
            [pltpu.SemaphoreType.DMA for _ in range(NBUF)],
            [pltpu.SemaphoreType.DMA for _ in range(2)],
        ],
    )(_body)
    return f(big_table, x_flat)


def kernel(x, tables):
    big_table = jnp.pad(tables.reshape(-1), (0, PAD)).reshape(NGROUPS, GDIM)
    out = _run(big_table, x.reshape(-1))
    return out.reshape(BATCH, NUM_FIELDS * DIM)

# --- scband reference (transcript-rebuilt; emitter-appended) ---
"""Pipeline reference for scband-embedding-block-33466385170807 (READ-ONLY COPY).

The authoritative reference and input builder live on the scoring server;
editing this copy changes nothing except your own understanding.
"""

import jax, jax.numpy as jnp
import numpy as np

NUM_FIELDS = 26
CARD = 100000
DIM = 50  # min(max_emb_dim=50, int(100000**0.5)=316) = 50
BATCH = 16384


def setup_inputs(seed: int = 0) -> dict:
    key = jax.random.key(seed)
    kx, kt = jax.random.split(key)
    # categorical indices in [0, CARD]; 0 is padding/unknown
    x = jax.random.randint(kx, (BATCH, NUM_FIELDS), 0, CARD + 1, dtype=jnp.int32)
    # 26 embedding tables, each [CARD+1, DIM]; row 0 is the padding row (zeros)
    tables = jax.random.normal(kt, (NUM_FIELDS, CARD + 1, DIM), dtype=jnp.float32)
    tables = tables.at[:, 0, :].set(0.0)
    return {"x": x, "tables": tables}


def reference(x, tables):
    # Faithful translation of EmbeddingBlock.forward:
    # per-field embedding lookup followed by concatenation along feature dim.
    # padding_idx=0 rows are zeros (enforced below, matching nn.Embedding padding_idx).
    t = tables.at[:, 0, :].set(0.0)
    embs = []
    for i in range(NUM_FIELDS):
        embs.append(jnp.take(t[i], x[:, i], axis=0))
    return jnp.concatenate(embs, axis=1)  # [BATCH, NUM_FIELDS * DIM]

if __name__ == "__main__":
    import jax
    _d = setup_inputs()
    print(jax.jit(kernel)(*tuple(_d.values())))

</pallas_src>

<mosaic_0001>
#map = affine_map<(d0, d1) -> (0, 0)>
#map1 = affine_map<(d0, d1) -> (0)>
module attributes {stable_mosaic.version = 14 : i64} {
  func.func @_body(%arg0: i32, %arg1: i32, %arg2: memref<650007x200xf32, #tpu.memory_space<hbm>>, %arg3: memref<425984xi32, #tpu.memory_space<hbm>>, %arg4: memref<21299200xf32, #tpu.memory_space<hbm>>, %arg5: memref<13312xi32, #tpu.memory_space<vmem>>, %arg6: memref<32xi32, #tpu.memory_space<vmem>>, %arg7: memref<32xi32, #tpu.memory_space<vmem>>, %arg8: memref<32xi32, #tpu.memory_space<vmem>>, %arg9: memref<32xi32, #tpu.memory_space<vmem>>, %arg10: memref<32xi32, #tpu.memory_space<vmem>>, %arg11: memref<32xi32, #tpu.memory_space<vmem>>, %arg12: memref<32xi32, #tpu.memory_space<vmem>>, %arg13: memref<32xi32, #tpu.memory_space<vmem>>, %arg14: memref<32xi32, #tpu.memory_space<vmem>>, %arg15: memref<32xi32, #tpu.memory_space<vmem>>, %arg16: memref<32xi32, #tpu.memory_space<vmem>>, %arg17: memref<32xi32, #tpu.memory_space<vmem>>, %arg18: memref<32xi32, #tpu.memory_space<vmem>>, %arg19: memref<32xi32, #tpu.memory_space<vmem>>, %arg20: memref<32xi32, #tpu.memory_space<vmem>>, %arg21: memref<32xi32, #tpu.memory_space<vmem>>, %arg22: memref<32x200xf32, #tpu.memory_space<vmem>>, %arg23: memref<32x200xf32, #tpu.memory_space<vmem>>, %arg24: memref<32x200xf32, #tpu.memory_space<vmem>>, %arg25: memref<32x200xf32, #tpu.memory_space<vmem>>, %arg26: memref<32x200xf32, #tpu.memory_space<vmem>>, %arg27: memref<32x200xf32, #tpu.memory_space<vmem>>, %arg28: memref<32x200xf32, #tpu.memory_space<vmem>>, %arg29: memref<32x200xf32, #tpu.memory_space<vmem>>, %arg30: memref<1600xf32, #tpu.memory_space<vmem>>, %arg31: memref<1600xf32, #tpu.memory_space<vmem>>, %arg32: memref<!tpu.dma_semaphore, #tpu.memory_space<semaphore_mem>>, %arg33: memref<!tpu.dma_semaphore, #tpu.memory_space<semaphore_mem>>, %arg34: memref<!tpu.dma_semaphore, #tpu.memory_space<semaphore_mem>>, %arg35: memref<!tpu.dma_semaphore, #tpu.memory_space<semaphore_mem>>, %arg36: memref<!tpu.dma_semaphore, #tpu.memory_space<semaphore_mem>>, %arg37: memref<!tpu.dma_semaphore, #tpu.memory_space<semaphore_mem>>, %arg38: memref<!tpu.dma_semaphore, #tpu.memory_space<semaphore_mem>>, %arg39: memref<!tpu.dma_semaphore, #tpu.memory_space<semaphore_mem>>, %arg40: memref<!tpu.dma_semaphore, #tpu.memory_space<semaphore_mem>>, %arg41: memref<!tpu.dma_semaphore, #tpu.memory_space<semaphore_mem>>) attributes {dimension_semantics = [#tpu.dimension_semantics<core_parallel>, #tpu.dimension_semantics<subcore_parallel>], iteration_bounds = array<i64: 2, 16>, scalar_prefetch = 0 : i64, scratch_operands = 37 : i64, tpu.core_type = #tpu.core_type<sc_vector_subcore>, window_params = [{transform_indices = #map}, {transform_indices = #map1}, {transform_indices = #map1}]} {
    %mul3A = arith.constant 2 : i32
    %mul3A_0 = arith.muli %arg1, %mul3A : i32
    %add3A = arith.addi %mul3A_0, %arg0 : i32
    %mul3A_1 = arith.constant 13312 : i32
    %mul3A_2 = arith.muli %add3A, %mul3A_1 : i32
    "tpu.region"() ({
      %run_scoped3A = tpu.sem_alloc : memref<!tpu.dma_semaphore, #tpu.memory_space<semaphore_mem>>
      %dma_start3A_764 = tpu.memref_slice %arg3[%mul3A_2] : memref<425984xi32, #tpu.memory_space<hbm>> -> memref<13312xi32, #tpu.memory_space<hbm>>
      %dma_start3A_765 = tpu.memref_slice %arg3[%mul3A_2] : memref<425984xi32, #tpu.memory_space<hbm>> -> memref<13312xi32, #tpu.memory_space<hbm>>
      tpu.enqueue_dma source(%dma_start3A_765 : memref<13312xi32, #tpu.memory_space<hbm>>) target(%arg5 : memref<13312xi32, #tpu.memory_space<vmem>>) target_semaphore(%run_scoped3A : memref<!tpu.dma_semaphore, #tpu.memory_space<semaphore_mem>>)
      %dma_wait3A_766 = tpu.memref_slice %arg3[%mul3A_2] : memref<425984xi32, #tpu.memory_space<hbm>> -> memref<13312xi32, #tpu.memory_space<hbm>>
      %dma_wait3A_767 = tpu.memref_slice %arg3[%mul3A_2] : memref<425984xi32, #tpu.memory_space<hbm>> -> memref<13312xi32, #tpu.memory_space<hbm>>
      tpu.wait_dma2 semaphore(%run_scoped3A : memref<!tpu.dma_semaphore, #tpu.memory_space<semaphore_mem>>) src(%dma_wait3A_767 : memref<13312xi32, #tpu.memory_space<hbm>>) dst(%arg5 : memref<13312xi32, #tpu.memory_space<vmem>>)
      tpu.yield
    }) : () -> ()
    %iota3A = tpu.iota {dimensions = array<i32: 0>} : vector<16xi32>
    %get3A = arith.constant 0 : index
    %get3A_3 = tpu.vector_load %arg5[%get3A] {strides = array<i32>} : memref<13312xi32, #tpu.memory_space<vmem>>, vector<16xi32>,
    %add3A_4 = arith.constant 0 : i32
    %add3A_5 = vector.broadcast %add3A_4 : i32 to vector<16xi32>
    %add3A_6 = arith.addi %add3A_5, %iota3A : vector<16xi32>
    %rem3A = arith.constant 26 : i32
    %rem3A_7 = vector.broadcast %rem3A : i32 to vector<16xi32>
    %rem3A_8 = arith.remsi %add3A_6, %rem3A_7 : vector<16xi32>
    %mul3A_9 = arith.constant 100001 : i32
    %mul3A_10 = vector.broadcast %mul3A_9 : i32 to vector<16xi32>
    %mul3A_11 = arith.muli %rem3A_8, %mul3A_10 : vector<16xi32>
    %add3A_12 = arith.addi %get3A_3, %mul3A_11 : vector<16xi32>
    %shift_right_logical3A = arith.constant 2 : i32
    %shift_right_logical3A_13 = vector.broadcast %shift_right_logical3A : i32 to vector<16xi32>
    %shift_right_logical3A_14 = arith.shrui %add3A_12, %shift_right_logical3A_13 : vector<16xi32>
    %swap3A = arith.constant 0 : index
    %swap3A_15 = tpu.vector_load %arg6[%swap3A] {strides = array<i32>} : memref<32xi32, #tpu.memory_space<vmem>>, vector<16xi32>,
    tpu.vector_store %arg6[%swap3A], %shift_right_logical3A_14 {strides = array<i32>} : memref<32xi32, #tpu.memory_space<vmem>>, vector<16xi32>,
    %and3A = arith.constant 3 : i32
    %and3A_16 = vector.broadcast %and3A : i32 to vector<16xi32>
    %and3A_17 = arith.andi %add3A_12, %and3A_16 : vector<16xi32>
    %mul3A_18 = arith.constant 50 : i32
    %mul3A_19 = vector.broadcast %mul3A_18 : i32 to vector<16xi32>
    %mul3A_20 = arith.muli %and3A_17, %mul3A_19 : vector<16xi32>
    %swap3A_21 = arith.constant 0 : index
    %swap3A_22 = tpu.vector_load %arg14[%swap3A_21] {strides = array<i32>} : memref<32xi32, #tpu.memory_space<vmem>>, vector<16xi32>,
    tpu.vector_store %arg14[%swap3A_21], %mul3A_20 {strides = array<i32>} : memref<32xi32, #tpu.memory_space<vmem>>, vector<16xi32>,
    %get3A_23 = arith.constant 16 : index
    %get3A_24 = tpu.vector_load %arg5[%get3A_23] {strides = array<i32>} : memref<13312xi32, #tpu.memory_space<vmem>>, vector<16xi32>,
    %add3A_25 = arith.constant 16 : i32
    %add3A_26 = vector.broadcast %add3A_25 : i32 to vector<16xi32>
    %add3A_27 = arith.addi %add3A_26, %iota3A : vector<16xi32>
    %rem3A_28 = arith.constant 26 : i32
    %rem3A_29 = vector.broadcast %rem3A_28 : i32 to vector<16xi32>
    %rem3A_30 = arith.remsi %add3A_27, %rem3A_29 : vector<16xi32>
    %mul3A_31 = arith.constant 100001 : i32
    %mul3A_32 = vector.broadcast %mul3A_31 : i32 to vector<16xi32>
    %mul3A_33 = arith.muli %rem3A_30, %mul3A_32 : vector<16xi32>
    %add3A_34 = arith.addi %get3A_24, %mul3A_33 : vector<16xi32>
    %shift_right_logical3A_35 = arith.constant 2 : i32
    %shift_right_logical3A_36 = vector.broadcast %shift_right_logical3A_35 : i32 to vector<16xi32>
    %shift_right_logical3A_37 = arith.shrui %add3A_34, %shift_right_logical3A_36 : vector<16xi32>
    %swap3A_38 = arith.constant 16 : index
    %swap3A_39 = tpu.vector_load %arg6[%swap3A_38] {strides = array<i32>} : memref<32xi32, #tpu.memory_space<vmem>>, vector<16xi32>,
    tpu.vector_store %arg6[%swap3A_38], %shift_right_logical3A_37 {strides = array<i32>} : memref<32xi32, #tpu.memory_space<vmem>>, vector<16xi32>,
    %and3A_40 = arith.constant 3 : i32
    %and3A_41 = vector.broadcast %and3A_40 : i32 to vector<16xi32>
    %and3A_42 = arith.andi %add3A_34, %and3A_41 : vector<16xi32>
    %mul3A_43 = arith.constant 50 : i32
    %mul3A_44 = vector.broadcast %mul3A_43 : i32 to vector<16xi32>
    %mul3A_45 = arith.muli %and3A_42, %mul3A_44 : vector<16xi32>
    %swap3A_46 = arith.constant 16 : index
    %swap3A_47 = tpu.vector_load %arg14[%swap3A_46] {strides = array<i32>} : memref<32xi32, #tpu.memory_space<vmem>>, vector<16xi32>,
    tpu.vector_store %arg14[%swap3A_46], %mul3A_45 {strides = array<i32>} : memref<32xi32, #tpu.memory_space<vmem>>, vector<16xi32>,
    %dma_start3A = arith.constant 0 : i32
    %dma_start3A_48 = arith.constant 0 : i32
    %dma_start3A_49 = tpu.memref_slice %arg2[%dma_start3A, %dma_start3A_48] : memref<650007x200xf32, #tpu.memory_space<hbm>> -> memref<650007x200xf32, #tpu.memory_space<hbm>>
    tpu.enqueue_indirect_dma source(%dma_start3A_49 : memref<650007x200xf32, #tpu.memory_space<hbm>>) target(%arg22 : memref<32x200xf32, #tpu.memory_space<vmem>>) offsets(%arg6 : memref<32xi32, #tpu.memory_space<vmem>>) semaphore(%arg32 : memref<!tpu.dma_semaphore, #tpu.memory_space<semaphore_mem>>)
    %get3A_50 = arith.constant 32 : index
    %get3A_51 = tpu.vector_load %arg5[%get3A_50] {strides = array<i32>} : memref<13312xi32, #tpu.memory_space<vmem>>, vector<16xi32>,
    %add3A_52 = arith.constant 32 : i32
    %add3A_53 = vector.broadcast %add3A_52 : i32 to vector<16xi32>
    %add3A_54 = arith.addi %add3A_53, %iota3A : vector<16xi32>
    %rem3A_55 = arith.constant 26 : i32
    %rem3A_56 = vector.broadcast %rem3A_55 : i32 to vector<16xi32>
    %rem3A_57 = arith.remsi %add3A_54, %rem3A_56 : vector<16xi32>
    %mul3A_58 = arith.constant 100001 : i32
    %mul3A_59 = vector.broadcast %mul3A_58 : i32 to vector<16xi32>
    %mul3A_60 = arith.muli %rem3A_57, %mul3A_59 : vector<16xi32>
    %add3A_61 = arith.addi %get3A_51, %mul3A_60 : vector<16xi32>
    %shift_right_logical3A_62 = arith.constant 2 : i32
    %shift_right_logical3A_63 = vector.broadcast %shift_right_logical3A_62 : i32 to vector<16xi32>
    %shift_right_logical3A_64 = arith.shrui %add3A_61, %shift_right_logical3A_63 : vector<16xi32>
    %swap3A_65 = arith.constant 0 : index
    %swap3A_66 = tpu.vector_load %arg7[%swap3A_65] {strides = array<i32>} : memref<32xi32, #tpu.memory_space<vmem>>, vector<16xi32>,
    tpu.vector_store %arg7[%swap3A_65], %shift_right_logical3A_64 {strides = array<i32>} : memref<32xi32, #tpu.memory_space<vmem>>, vector<16xi32>,
    %and3A_67 = arith.constant 3 : i32
    %and3A_68 = vector.broadcast %and3A_67 : i32 to vector<16xi32>
    %and3A_69 = arith.andi %add3A_61, %and3A_68 : vector<16xi32>
    %mul3A_70 = arith.constant 50 : i32
    %mul3A_71 = vector.broadcast %mul3A_70 : i32 to vector<16xi32>
    %mul3A_72 = arith.muli %and3A_69, %mul3A_71 : vector<16xi32>
    %swap3A_73 = arith.constant 0 : index
    %swap3A_74 = tpu.vector_load %arg15[%swap3A_73] {strides = array<i32>} : memref<32xi32, #tpu.memory_space<vmem>>, vector<16xi32>,
    tpu.vector_store %arg15[%swap3A_73], %mul3A_72 {strides = array<i32>} : memref<32xi32, #tpu.memory_space<vmem>>, vector<16xi32>,
    %get3A_75 = arith.constant 48 : index
    %get3A_76 = tpu.vector_load %arg5[%get3A_75] {strides = array<i32>} : memref<13312xi32, #tpu.memory_space<vmem>>, vector<16xi32>,
    %add3A_77 = arith.constant 48 : i32
    %add3A_78 = vector.broadcast %add3A_77 : i32 to vector<16xi32>
    %add3A_79 = arith.addi %add3A_78, %iota3A : vector<16xi32>
    %rem3A_80 = arith.constant 26 : i32
    %rem3A_81 = vector.broadcast %rem3A_80 : i32 to vector<16xi32>
    %rem3A_82 = arith.remsi %add3A_79, %rem3A_81 : vector<16xi32>
    %mul3A_83 = arith.constant 100001 : i32
    %mul3A_84 = vector.broadcast %mul3A_83 : i32 to vector<16xi32>
    %mul3A_85 = arith.muli %rem3A_82, %mul3A_84 : vector<16xi32>
    %add3A_86 = arith.addi %get3A_76, %mul3A_85 : vector<16xi32>
    %shift_right_logical3A_87 = arith.constant 2 : i32
    %shift_right_logical3A_88 = vector.broadcast %shift_right_logical3A_87 : i32 to vector<16xi32>
    %shift_right_logical3A_89 = arith.shrui %add3A_86, %shift_right_logical3A_88 : vector<16xi32>
    %swap3A_90 = arith.constant 16 : index
    %swap3A_91 = tpu.vector_load %arg7[%swap3A_90] {strides = array<i32>} : memref<32xi32, #tpu.memory_space<vmem>>, vector<16xi32>,
    tpu.vector_store %arg7[%swap3A_90], %shift_right_logical3A_89 {strides = array<i32>} : memref<32xi32, #tpu.memory_space<vmem>>, vector<16xi32>,
    %and3A_92 = arith.constant 3 : i32
    %and3A_93 = vector.broadcast %and3A_92 : i32 to vector<16xi32>
    %and3A_94 = arith.andi %add3A_86, %and3A_93 : vector<16xi32>
    %mul3A_95 = arith.constant 50 : i32
    %mul3A_96 = vector.broadcast %mul3A_95 : i32 to vector<16xi32>
    %mul3A_97 = arith.muli %and3A_94, %mul3A_96 : vector<16xi32>
    %swap3A_98 = arith.constant 16 : index
    %swap3A_99 = tpu.vector_load %arg15[%swap3A_98] {strides = array<i32>} : memref<32xi32, #tpu.memory_space<vmem>>, vector<16xi32>,
    tpu.vector_store %arg15[%swap3A_98], %mul3A_97 {strides = array<i32>} : memref<32xi32, #tpu.memory_space<vmem>>, vector<16xi32>,
    %dma_start3A_100 = arith.constant 0 : i32
    %dma_start3A_101 = arith.constant 0 : i32
    %dma_start3A_102 = tpu.memref_slice %arg2[%dma_start3A_100, %dma_start3A_101] : memref<650007x200xf32, #tpu.memory_space<hbm>> -> memref<650007x200xf32, #tpu.memory_space<hbm>>
    tpu.enqueue_indirect_dma source(%dma_start3A_102 : memref<650007x200xf32, #tpu.memory_space<hbm>>) target(%arg23 : memref<32x200xf32, #tpu.memory_space<vmem>>) offsets(%arg7 : memref<32xi32, #tpu.memory_space<vmem>>) semaphore(%arg33 : memref<!tpu.dma_semaphore, #tpu.memory_space<semaphore_mem>>)
    %get3A_103 = arith.constant 64 : index
    %get3A_104 = tpu.vector_load %arg5[%get3A_103] {strides = array<i32>} : memref<13312xi32, #tpu.memory_space<vmem>>, vector<16xi32>,
    %add3A_105 = arith.constant 64 : i32
    %add3A_106 = vector.broadcast %add3A_105 : i32 to vector<16xi32>
    %add3A_107 = arith.addi %add3A_106, %iota3A : vector<16xi32>
    %rem3A_108 = arith.constant 26 : i32
    %rem3A_109 = vector.broadcast %rem3A_108 : i32 to vector<16xi32>
    %rem3A_110 = arith.remsi %add3A_107, %rem3A_109 : vector<16xi32>
    %mul3A_111 = arith.constant 100001 : i32
    %mul3A_112 = vector.broadcast %mul3A_111 : i32 to vector<16xi32>
    %mul3A_113 = arith.muli %rem3A_110, %mul3A_112 : vector<16xi32>
    %add3A_114 = arith.addi %get3A_104, %mul3A_113 : vector<16xi32>
    %shift_right_logical3A_115 = arith.constant 2 : i32
    %shift_right_logical3A_116 = vector.broadcast %shift_right_logical3A_115 : i32 to vector<16xi32>
    %shift_right_logical3A_117 = arith.shrui %add3A_114, %shift_right_logical3A_116 : vector<16xi32>
    %swap3A_118 = arith.constant 0 : index
    %swap3A_119 = tpu.vector_load %arg8[%swap3A_118] {strides = array<i32>} : memref<32xi32, #tpu.memory_space<vmem>>, vector<16xi32>,
    tpu.vector_store %arg8[%swap3A_118], %shift_right_logical3A_117 {strides = array<i32>} : memref<32xi32, #tpu.memory_space<vmem>>, vector<16xi32>,
    %and3A_120 = arith.constant 3 : i32
    %and3A_121 = vector.broadcast %and3A_120 : i32 to vector<16xi32>
    %and3A_122 = arith.andi %add3A_114, %and3A_121 : vector<16xi32>
    %mul3A_123 = arith.constant 50 : i32
    %mul3A_124 = vector.broadcast %mul3A_123 : i32 to vector<16xi32>
    %mul3A_125 = arith.muli %and3A_122, %mul3A_124 : vector<16xi32>
    %swap3A_126 = arith.constant 0 : index
    %swap3A_127 = tpu.vector_load %arg16[%swap3A_126] {strides = array<i32>} : memref<32xi32, #tpu.memory_space<vmem>>, vector<16xi32>,
    tpu.vector_store %arg16[%swap3A_126], %mul3A_125 {strides = array<i32>} : memref<32xi32, #tpu.memory_space<vmem>>, vector<16xi32>,
    %get3A_128 = arith.constant 80 : index
    %get3A_129 = tpu.vector_load %arg5[%get3A_128] {strides = array<i32>} : memref<13312xi32, #tpu.memory_space<vmem>>, vector<16xi32>,
    %add3A_130 = arith.constant 80 : i32
    %add3A_131 = vector.broadcast %add3A_130 : i32 to vector<16xi32>
    %add3A_132 = arith.addi %add3A_131, %iota3A : vector<16xi32>
    %rem3A_133 = arith.constant 26 : i32
    %rem3A_134 = vector.broadcast %rem3A_133 : i32 to vector<16xi32>
    %rem3A_135 = arith.remsi %add3A_132, %rem3A_134 : vector<16xi32>
    %mul3A_136 = arith.constant 100001 : i32
    %mul3A_137 = vector.broadcast %mul3A_136 : i32 to vector<16xi32>
    %mul3A_138 = arith.muli %rem3A_135, %mul3A_137 : vector<16xi32>
    %add3A_139 = arith.addi %get3A_129, %mul3A_138 : vector<16xi32>
    %shift_right_logical3A_140 = arith.constant 2 : i32
    %shift_right_logical3A_141 = vector.broadcast %shift_right_logical3A_140 : i32 to vector<16xi32>
    %shift_right_logical3A_142 = arith.shrui %add3A_139, %shift_right_logical3A_141 : vector<16xi32>
    %swap3A_143 = arith.constant 16 : index
    %swap3A_144 = tpu.vector_load %arg8[%swap3A_143] {strides = array<i32>} : memref<32xi32, #tpu.memory_space<vmem>>, vector<16xi32>,
    tpu.vector_store %arg8[%swap3A_143], %shift_right_logical3A_142 {strides = array<i32>} : memref<32xi32, #tpu.memory_space<vmem>>, vector<16xi32>,
    %and3A_145 = arith.constant 3 : i32
    %and3A_146 = vector.broadcast %and3A_145 : i32 to vector<16xi32>
    %and3A_147 = arith.andi %add3A_139, %and3A_146 : vector<16xi32>
    %mul3A_148 = arith.constant 50 : i32
    %mul3A_149 = vector.broadcast %mul3A_148 : i32 to vector<16xi32>
    %mul3A_150 = arith.muli %and3A_147, %mul3A_149 : vector<16xi32>
    %swap3A_151 = arith.constant 16 : index
    %swap3A_152 = tpu.vector_load %arg16[%swap3A_151] {strides = array<i32>} : memref<32xi32, #tpu.memory_space<vmem>>, vector<16xi32>,
    tpu.vector_store %arg16[%swap3A_151], %mul3A_150 {strides = array<i32>} : memref<32xi32, #tpu.memory_space<vmem>>, vector<16xi32>,
    %dma_start3A_153 = arith.constant 0 : i32
    %dma_start3A_154 = arith.constant 0 : i32
    %dma_start3A_155 = tpu.memref_slice %arg2[%dma_start3A_153, %dma_start3A_154] : memref<650007x200xf32, #tpu.memory_space<hbm>> -> memref<650007x200xf32, #tpu.memory_space<hbm>>
    tpu.enqueue_indirect_dma source(%dma_start3A_155 : memref<650007x200xf32, #tpu.memory_space<hbm>>) target(%arg24 : memref<32x200xf32, #tpu.memory_space<vmem>>) offsets(%arg8 : memref<32xi32, #tpu.memory_space<vmem>>) semaphore(%arg34 : memref<!tpu.dma_semaphore, #tpu.memory_space<semaphore_mem>>)
    %get3A_156 = arith.constant 96 : index
    %get3A_157 = tpu.vector_load %arg5[%get3A_156] {strides = array<i32>} : memref<13312xi32, #tpu.memory_space<vmem>>, vector<16xi32>,
    %add3A_158 = arith.constant 96 : i32
    %add3A_159 = vector.broadcast %add3A_158 : i32 to vector<16xi32>
    %add3A_160 = arith.addi %add3A_159, %iota3A : vector<16xi32>
    %rem3A_161 = arith.constant 26 : i32
    %rem3A_162 = vector.broadcast %rem3A_161 : i32 to vector<16xi32>
    %rem3A_163 = arith.remsi %add3A_160, %rem3A_162 : vector<16xi32>
    %mul3A_164 = arith.constant 100001 : i32
    %mul3A_165 = vector.broadcast %mul3A_164 : i32 to vector<16xi32>
    %mul3A_166 = arith.muli %rem3A_163, %mul3A_165 : vector<16xi32>
    %add3A_167 = arith.addi %get3A_157, %mul3A_166 : vector<16xi32>
    %shift_right_logical3A_168 = arith.constant 2 : i32
    %shift_right_logical3A_169 = vector.broadcast %shift_right_logical3A_168 : i32 to vector<16xi32>
    %shift_right_logical3A_170 = arith.shrui %add3A_167, %shift_right_logical3A_169 : vector<16xi32>
    %swap3A_171 = arith.constant 0 : index
    %swap3A_172 = tpu.vector_load %arg9[%swap3A_171] {strides = array<i32>} : memref<32xi32, #tpu.memory_space<vmem>>, vector<16xi32>,
    tpu.vector_store %arg9[%swap3A_171], %shift_right_logical3A_170 {strides = array<i32>} : memref<32xi32, #tpu.memory_space<vmem>>, vector<16xi32>,
    %and3A_173 = arith.constant 3 : i32
    %and3A_174 = vector.broadcast %and3A_173 : i32 to vector<16xi32>
    %and3A_175 = arith.andi %add3A_167, %and3A_174 : vector<16xi32>
    %mul3A_176 = arith.constant 50 : i32
    %mul3A_177 = vector.broadcast %mul3A_176 : i32 to vector<16xi32>
    %mul3A_178 = arith.muli %and3A_175, %mul3A_177 : vector<16xi32>
    %swap3A_179 = arith.constant 0 : index
    %swap3A_180 = tpu.vector_load %arg17[%swap3A_179] {strides = array<i32>} : memref<32xi32, #tpu.memory_space<vmem>>, vector<16xi32>,
    tpu.vector_store %arg17[%swap3A_179], %mul3A_178 {strides = array<i32>} : memref<32xi32, #tpu.memory_space<vmem>>, vector<16xi32>,
    %get3A_181 = arith.constant 112 : index
    %get3A_182 = tpu.vector_load %arg5[%get3A_181] {strides = array<i32>} : memref<13312xi32, #tpu.memory_space<vmem>>, vector<16xi32>,
    %add3A_183 = arith.constant 112 : i32
    %add3A_184 = vector.broadcast %add3A_183 : i32 to vector<16xi32>
    %add3A_185 = arith.addi %add3A_184, %iota3A : vector<16xi32>
    %rem3A_186 = arith.constant 26 : i32
    %rem3A_187 = vector.broadcast %rem3A_186 : i32 to vector<16xi32>
    %rem3A_188 = arith.remsi %add3A_185, %rem3A_187 : vector<16xi32>
    %mul3A_189 = arith.constant 100001 : i32
    %mul3A_190 = vector.broadcast %mul3A_189 : i32 to vector<16xi32>
    %mul3A_191 = arith.muli %rem3A_188, %mul3A_190 : vector<16xi32>
    %add3A_192 = arith.addi %get3A_182, %mul3A_191 : vector<16xi32>
    %shift_right_logical3A_193 = arith.constant 2 : i32
    %shift_right_logical3A_194 = vector.broadcast %shift_right_logical3A_193 : i32 to vector<16xi32>
    %shift_right_logical3A_195 = arith.shrui %add3A_192, %shift_right_logical3A_194 : vector<16xi32>
    %swap3A_196 = arith.constant 16 : index
    %swap3A_197 = tpu.vector_load %arg9[%swap3A_196] {strides = array<i32>} : memref<32xi32, #tpu.memory_space<vmem>>, vector<16xi32>,
    tpu.vector_store %arg9[%swap3A_196], %shift_right_logical3A_195 {strides = array<i32>} : memref<32xi32, #tpu.memory_space<vmem>>, vector<16xi32>,
    %and3A_198 = arith.constant 3 : i32
    %and3A_199 = vector.broadcast %and3A_198 : i32 to vector<16xi32>
    %and3A_200 = arith.andi %add3A_192, %and3A_199 : vector<16xi32>
    %mul3A_201 = arith.constant 50 : i32
    %mul3A_202 = vector.broadcast %mul3A_201 : i32 to vector<16xi32>
    %mul3A_203 = arith.muli %and3A_200, %mul3A_202 : vector<16xi32>
    %swap3A_204 = arith.constant 16 : index
    %swap3A_205 = tpu.vector_load %arg17[%swap3A_204] {strides = array<i32>} : memref<32xi32, #tpu.memory_space<vmem>>, vector<16xi32>,
    tpu.vector_store %arg17[%swap3A_204], %mul3A_203 {strides = array<i32>} : memref<32xi32, #tpu.memory_space<vmem>>, vector<16xi32>,
    %dma_start3A_206 = arith.constant 0 : i32
    %dma_start3A_207 = arith.constant 0 : i32
    %dma_start3A_208 = tpu.memref_slice %arg2[%dma_start3A_206, %dma_start3A_207] : memref<650007x200xf32, #tpu.memory_space<hbm>> -> memref<650007x200xf32, #tpu.memory_space<hbm>>
    tpu.enqueue_indirect_dma source(%dma_start3A_208 : memref<650007x200xf32, #tpu.memory_space<hbm>>) target(%arg25 : memref<32x200xf32, #tpu.memory_space<vmem>>) offsets(%arg9 : memref<32xi32, #tpu.memory_space<vmem>>) semaphore(%arg35 : memref<!tpu.dma_semaphore, #tpu.memory_space<semaphore_mem>>)
    %get3A_209 = arith.constant 128 : index
    %get3A_210 = tpu.vector_load %arg5[%get3A_209] {strides = array<i32>} : memref<13312xi32, #tpu.memory_space<vmem>>, vector<16xi32>,
    %add3A_211 = arith.constant 128 : i32
    %add3A_212 = vector.broadcast %add3A_211 : i32 to vector<16xi32>
    %add3A_213 = arith.addi %add3A_212, %iota3A : vector<16xi32>
    %rem3A_214 = arith.constant 26 : i32
    %rem3A_215 = vector.broadcast %rem3A_214 : i32 to vector<16xi32>
    %rem3A_216 = arith.remsi %add3A_213, %rem3A_215 : vector<16xi32>
    %mul3A_217 = arith.constant 100001 : i32
    %mul3A_218 = vector.broadcast %mul3A_217 : i32 to vector<16xi32>
    %mul3A_219 = arith.muli %rem3A_216, %mul3A_218 : vector<16xi32>
    %add3A_220 = arith.addi %get3A_210, %mul3A_219 : vector<16xi32>
    %shift_right_logical3A_221 = arith.constant 2 : i32
    %shift_right_logical3A_222 = vector.broadcast %shift_right_logical3A_221 : i32 to vector<16xi32>
    %shift_right_logical3A_223 = arith.shrui %add3A_220, %shift_right_logical3A_222 : vector<16xi32>
    %swap3A_224 = arith.constant 0 : index
    %swap3A_225 = tpu.vector_load %arg10[%swap3A_224] {strides = array<i32>} : memref<32xi32, #tpu.memory_space<vmem>>, vector<16xi32>,
    tpu.vector_store %arg10[%swap3A_224], %shift_right_logical3A_223 {strides = array<i32>} : memref<32xi32, #tpu.memory_space<vmem>>, vector<16xi32>,
    %and3A_226 = arith.constant 3 : i32
    %and3A_227 = vector.broadcast %and3A_226 : i32 to vector<16xi32>
    %and3A_228 = arith.andi %add3A_220, %and3A_227 : vector<16xi32>
    %mul3A_229 = arith.constant 50 : i32
    %mul3A_230 = vector.broadcast %mul3A_229 : i32 to vector<16xi32>
    %mul3A_231 = arith.muli %and3A_228, %mul3A_230 : vector<16xi32>
    %swap3A_232 = arith.constant 0 : index
    %swap3A_233 = tpu.vector_load %arg18[%swap3A_232] {strides = array<i32>} : memref<32xi32, #tpu.memory_space<vmem>>, vector<16xi32>,
    tpu.vector_store %arg18[%swap3A_232], %mul3A_231 {strides = array<i32>} : memref<32xi32, #tpu.memory_space<vmem>>, vector<16xi32>,
    %get3A_234 = arith.constant 144 : index
    %get3A_235 = tpu.vector_load %arg5[%get3A_234] {strides = array<i32>} : memref<13312xi32, #tpu.memory_space<vmem>>, vector<16xi32>,
    %add3A_236 = arith.constant 144 : i32
    %add3A_237 = vector.broadcast %add3A_236 : i32 to vector<16xi32>
    %add3A_238 = arith.addi %add3A_237, %iota3A : vector<16xi32>
    %rem3A_239 = arith.constant 26 : i32
    %rem3A_240 = vector.broadcast %rem3A_239 : i32 to vector<16xi32>
    %rem3A_241 = arith.remsi %add3A_238, %rem3A_240 : vector<16xi32>
    %mul3A_242 = arith.constant 100001 : i32
    %mul3A_243 = vector.broadcast %mul3A_242 : i32 to vector<16xi32>
    %mul3A_244 = arith.muli %rem3A_241, %mul3A_243 : vector<16xi32>
    %add3A_245 = arith.addi %get3A_235, %mul3A_244 : vector<16xi32>
    %shift_right_logical3A_246 = arith.constant 2 : i32
    %shift_right_logical3A_247 = vector.broadcast %shift_right_logical3A_246 : i32 to vector<16xi32>
    %shift_right_logical3A_248 = arith.shrui %add3A_245, %shift_right_logical3A_247 : vector<16xi32>
    %swap3A_249 = arith.constant 16 : index
    %swap3A_250 = tpu.vector_load %arg10[%swap3A_249] {strides = array<i32>} : memref<32xi32, #tpu.memory_space<vmem>>, vector<16xi32>,
    tpu.vector_store %arg10[%swap3A_249], %shift_right_logical3A_248 {strides = array<i32>} : memref<32xi32, #tpu.memory_space<vmem>>, vector<16xi32>,
    %and3A_251 = arith.constant 3 : i32
    %and3A_252 = vector.broadcast %and3A_251 : i32 to vector<16xi32>
    %and3A_253 = arith.andi %add3A_245, %and3A_252 : vector<16xi32>
    %mul3A_254 = arith.constant 50 : i32
    %mul3A_255 = vector.broadcast %mul3A_254 : i32 to vector<16xi32>
    %mul3A_256 = arith.muli %and3A_253, %mul3A_255 : vector<16xi32>
    %swap3A_257 = arith.constant 16 : index
    %swap3A_258 = tpu.vector_load %arg18[%swap3A_257] {strides = array<i32>} : memref<32xi32, #tpu.memory_space<vmem>>, vector<16xi32>,
    tpu.vector_store %arg18[%swap3A_257], %mul3A_256 {strides = array<i32>} : memref<32xi32, #tpu.memory_space<vmem>>, vector<16xi32>,
    %dma_start3A_259 = arith.constant 0 : i32
    %dma_start3A_260 = arith.constant 0 : i32
    %dma_start3A_261 = tpu.memref_slice %arg2[%dma_start3A_259, %dma_start3A_260] : memref<650007x200xf32, #tpu.memory_space<hbm>> -> memref<650007x200xf32, #tpu.memory_space<hbm>>
    tpu.enqueue_indirect_dma source(%dma_start3A_261 : memref<650007x200xf32, #tpu.memory_space<hbm>>) target(%arg26 : memref<32x200xf32, #tpu.memory_space<vmem>>) offsets(%arg10 : memref<32xi32, #tpu.memory_space<vmem>>) semaphore(%arg36 : memref<!tpu.dma_semaphore, #tpu.memory_space<semaphore_mem>>)
    %get3A_262 = arith.constant 160 : index
    %get3A_263 = tpu.vector_load %arg5[%get3A_262] {strides = array<i32>} : memref<13312xi32, #tpu.memory_space<vmem>>, vector<16xi32>,
    %add3A_264 = arith.constant 160 : i32
    %add3A_265 = vector.broadcast %add3A_264 : i32 to vector<16xi32>
    %add3A_266 = arith.addi %add3A_265, %iota3A : vector<16xi32>
    %rem3A_267 = arith.constant 26 : i32
    %rem3A_268 = vector.broadcast %rem3A_267 : i32 to vector<16xi32>
    %rem3A_269 = arith.remsi %add3A_266, %rem3A_268 : vector<16xi32>
    %mul3A_270 = arith.constant 100001 : i32
    %mul3A_271 = vector.broadcast %mul3A_270 : i32 to vector<16xi32>
    %mul3A_272 = arith.muli %rem3A_269, %mul3A_271 : vector<16xi32>
    %add3A_273 = arith.addi %get3A_263, %mul3A_272 : vector<16xi32>
    %shift_right_logical3A_274 = arith.constant 2 : i32
    %shift_right_logical3A_275 = vector.broadcast %shift_right_logical3A_274 : i32 to vector<16xi32>
    %shift_right_logical3A_276 = arith.shrui %add3A_273, %shift_right_logical3A_275 : vector<16xi32>
    %swap3A_277 = arith.constant 0 : index
    %swap3A_278 = tpu.vector_load %arg11[%swap3A_277] {strides = array<i32>} : memref<32xi32, #tpu.memory_space<vmem>>, vector<16xi32>,
    tpu.vector_store %arg11[%swap3A_277], %shift_right_logical3A_276 {strides = array<i32>} : memref<32xi32, #tpu.memory_space<vmem>>, vector<16xi32>,
    %and3A_279 = arith.constant 3 : i32
    %and3A_280 = vector.broadcast %and3A_279 : i32 to vector<16xi32>
    %and3A_281 = arith.andi %add3A_273, %and3A_280 : vector<16xi32>
    %mul3A_282 = arith.constant 50 : i32
    %mul3A_283 = vector.broadcast %mul3A_282 : i32 to vector<16xi32>
    %mul3A_284 = arith.muli %and3A_281, %mul3A_283 : vector<16xi32>
    %swap3A_285 = arith.constant 0 : index
    %swap3A_286 = tpu.vector_load %arg19[%swap3A_285] {strides = array<i32>} : memref<32xi32, #tpu.memory_space<vmem>>, vector<16xi32>,
    tpu.vector_store %arg19[%swap3A_285], %mul3A_284 {strides = array<i32>} : memref<32xi32, #tpu.memory_space<vmem>>, vector<16xi32>,
    %get3A_287 = arith.constant 176 : index
    %get3A_288 = tpu.vector_load %arg5[%get3A_287] {strides = array<i32>} : memref<13312xi32, #tpu.memory_space<vmem>>, vector<16xi32>,
    %add3A_289 = arith.constant 176 : i32
    %add3A_290 = vector.broadcast %add3A_289 : i32 to vector<16xi32>
    %add3A_291 = arith.addi %add3A_290, %iota3A : vector<16xi32>
    %rem3A_292 = arith.constant 26 : i32
    %rem3A_293 = vector.broadcast %rem3A_292 : i32 to vector<16xi32>
    %rem3A_294 = arith.remsi %add3A_291, %rem3A_293 : vector<16xi32>
    %mul3A_295 = arith.constant 100001 : i32
    %mul3A_296 = vector.broadcast %mul3A_295 : i32 to vector<16xi32>
    %mul3A_297 = arith.muli %rem3A_294, %mul3A_296 : vector<16xi32>
    %add3A_298 = arith.addi %get3A_288, %mul3A_297 : vector<16xi32>
    %shift_right_logical3A_299 = arith.constant 2 : i32
    %shift_right_logical3A_300 = vector.broadcast %shift_right_logical3A_299 : i32 to vector<16xi32>
    %shift_right_logical3A_301 = arith.shrui %add3A_298, %shift_right_logical3A_300 : vector<16xi32>
    %swap3A_302 = arith.constant 16 : index
    %swap3A_303 = tpu.vector_load %arg11[%swap3A_302] {strides = array<i32>} : memref<32xi32, #tpu.memory_space<vmem>>, vector<16xi32>,
    tpu.vector_store %arg11[%swap3A_302], %shift_right_logical3A_301 {strides = array<i32>} : memref<32xi32, #tpu.memory_space<vmem>>, vector<16xi32>,
    %and3A_304 = arith.constant 3 : i32
    %and3A_305 = vector.broadcast %and3A_304 : i32 to vector<16xi32>
    %and3A_306 = arith.andi %add3A_298, %and3A_305 : vector<16xi32>
    %mul3A_307 = arith.constant 50 : i32
    %mul3A_308 = vector.broadcast %mul3A_307 : i32 to vector<16xi32>
    %mul3A_309 = arith.muli %and3A_306, %mul3A_308 : vector<16xi32>
    %swap3A_310 = arith.constant 16 : index
    %swap3A_311 = tpu.vector_load %arg19[%swap3A_310] {strides = array<i32>} : memref<32xi32, #tpu.memory_space<vmem>>, vector<16xi32>,
    tpu.vector_store %arg19[%swap3A_310], %mul3A_309 {strides = array<i32>} : memref<32xi32, #tpu.memory_space<vmem>>, vector<16xi32>,
    %dma_start3A_312 = arith.constant 0 : i32
    %dma_start3A_313 = arith.constant 0 : i32
    %dma_start3A_314 = tpu.memref_slice %arg2[%dma_start3A_312, %dma_start3A_313] : memref<650007x200xf32, #tpu.memory_space<hbm>> -> memref<650007x200xf32, #tpu.memory_space<hbm>>
    tpu.enqueue_indirect_dma source(%dma_start3A_314 : memref<650007x200xf32, #tpu.memory_space<hbm>>) target(%arg27 : memref<32x200xf32, #tpu.memory_space<vmem>>) offsets(%arg11 : memref<32xi32, #tpu.memory_space<vmem>>) semaphore(%arg37 : memref<!tpu.dma_semaphore, #tpu.memory_space<semaphore_mem>>)
    %get3A_315 = arith.constant 192 : index
    %get3A_316 = tpu.vector_load %arg5[%get3A_315] {strides = array<i32>} : memref<13312xi32, #tpu.memory_space<vmem>>, vector<16xi32>,
    %add3A_317 = arith.constant 192 : i32
    %add3A_318 = vector.broadcast %add3A_317 : i32 to vector<16xi32>
    %add3A_319 = arith.addi %add3A_318, %iota3A : vector<16xi32>
    %rem3A_320 = arith.constant 26 : i32
    %rem3A_321 = vector.broadcast %rem3A_320 : i32 to vector<16xi32>
    %rem3A_322 = arith.remsi %add3A_319, %rem3A_321 : vector<16xi32>
    %mul3A_323 = arith.constant 100001 : i32
    %mul3A_324 = vector.broadcast %mul3A_323 : i32 to vector<16xi32>
    %mul3A_325 = arith.muli %rem3A_322, %mul3A_324 : vector<16xi32>
    %add3A_326 = arith.addi %get3A_316, %mul3A_325 : vector<16xi32>
    %shift_right_logical3A_327 = arith.constant 2 : i32
    %shift_right_logical3A_328 = vector.broadcast %shift_right_logical3A_327 : i32 to vector<16xi32>
    %shift_right_logical3A_329 = arith.shrui %add3A_326, %shift_right_logical3A_328 : vector<16xi32>
    %swap3A_330 = arith.constant 0 : index
    %swap3A_331 = tpu.vector_load %arg12[%swap3A_330] {strides = array<i32>} : memref<32xi32, #tpu.memory_space<vmem>>, vector<16xi32>,
    tpu.vector_store %arg12[%swap3A_330], %shift_right_logical3A_329 {strides = array<i32>} : memref<32xi32, #tpu.memory_space<vmem>>, vector<16xi32>,
    %and3A_332 = arith.constant 3 : i32
    %and3A_333 = vector.broadcast %and3A_332 : i32 to vector<16xi32>
    %and3A_334 = arith.andi %add3A_326, %and3A_333 : vector<16xi32>
    %mul3A_335 = arith.constant 50 : i32
    %mul3A_336 = vector.broadcast %mul3A_335 : i32 to vector<16xi32>
    %mul3A_337 = arith.muli %and3A_334, %mul3A_336 : vector<16xi32>
    %swap3A_338 = arith.constant 0 : index
    %swap3A_339 = tpu.vector_load %arg20[%swap3A_338] {strides = array<i32>} : memref<32xi32, #tpu.memory_space<vmem>>, vector<16xi32>,
    tpu.vector_store %arg20[%swap3A_338], %mul3A_337 {strides = array<i32>} : memref<32xi32, #tpu.memory_space<vmem>>, vector<16xi32>,
    %get3A_340 = arith.constant 208 : index
    %get3A_341 = tpu.vector_load %arg5[%get3A_340] {strides = array<i32>} : memref<13312xi32, #tpu.memory_space<vmem>>, vector<16xi32>,
    %add3A_342 = arith.constant 208 : i32
    %add3A_343 = vector.broadcast %add3A_342 : i32 to vector<16xi32>
    %add3A_344 = arith.addi %add3A_343, %iota3A : vector<16xi32>
    %rem3A_345 = arith.constant 26 : i32
    %rem3A_346 = vector.broadcast %rem3A_345 : i32 to vector<16xi32>
    %rem3A_347 = arith.remsi %add3A_344, %rem3A_346 : vector<16xi32>
    %mul3A_348 = arith.constant 100001 : i32
    %mul3A_349 = vector.broadcast %mul3A_348 : i32 to vector<16xi32>
    %mul3A_350 = arith.muli %rem3A_347, %mul3A_349 : vector<16xi32>
    %add3A_351 = arith.addi %get3A_341, %mul3A_350 : vector<16xi32>
    %shift_right_logical3A_352 = arith.constant 2 : i32
    %shift_right_logical3A_353 = vector.broadcast %shift_right_logical3A_352 : i32 to vector<16xi32>
    %shift_right_logical3A_354 = arith.shrui %add3A_351, %shift_right_logical3A_353 : vector<16xi32>
    %swap3A_355 = arith.constant 16 : index
    %swap3A_356 = tpu.vector_load %arg12[%swap3A_355] {strides = array<i32>} : memref<32xi32, #tpu.memory_space<vmem>>, vector<16xi32>,
    tpu.vector_store %arg12[%swap3A_355], %shift_right_logical3A_354 {strides = array<i32>} : memref<32xi32, #tpu.memory_space<vmem>>, vector<16xi32>,
    %and3A_357 = arith.constant 3 : i32
    %and3A_358 = vector.broadcast %and3A_357 : i32 to vector<16xi32>
    %and3A_359 = arith.andi %add3A_351, %and3A_358 : vector<16xi32>
    %mul3A_360 = arith.constant 50 : i32
    %mul3A_361 = vector.broadcast %mul3A_360 : i32 to vector<16xi32>
    %mul3A_362 = arith.muli %and3A_359, %mul3A_361 : vector<16xi32>
    %swap3A_363 = arith.constant 16 : index
    %swap3A_364 = tpu.vector_load %arg20[%swap3A_363] {strides = array<i32>} : memref<32xi32, #tpu.memory_space<vmem>>, vector<16xi32>,
    tpu.vector_store %arg20[%swap3A_363], %mul3A_362 {strides = array<i32>} : memref<32xi32, #tpu.memory_space<vmem>>, vector<16xi32>,
    %dma_start3A_365 = arith.constant 0 : i32
    %dma_start3A_366 = arith.constant 0 : i32
    %dma_start3A_367 = tpu.memref_slice %arg2[%dma_start3A_365, %dma_start3A_366] : memref<650007x200xf32, #tpu.memory_space<hbm>> -> memref<650007x200xf32, #tpu.memory_space<hbm>>
    tpu.enqueue_indirect_dma source(%dma_start3A_367 : memref<650007x200xf32, #tpu.memory_space<hbm>>) target(%arg28 : memref<32x200xf32, #tpu.memory_space<vmem>>) offsets(%arg12 : memref<32xi32, #tpu.memory_space<vmem>>) semaphore(%arg38 : memref<!tpu.dma_semaphore, #tpu.memory_space<semaphore_mem>>)
    %get3A_368 = arith.constant 224 : index
    %get3A_369 = tpu.vector_load %arg5[%get3A_368] {strides = array<i32>} : memref<13312xi32, #tpu.memory_space<vmem>>, vector<16xi32>,
    %add3A_370 = arith.constant 224 : i32
    %add3A_371 = vector.broadcast %add3A_370 : i32 to vector<16xi32>
    %add3A_372 = arith.addi %add3A_371, %iota3A : vector<16xi32>
    %rem3A_373 = arith.constant 26 : i32
    %rem3A_374 = vector.broadcast %rem3A_373 : i32 to vector<16xi32>
    %rem3A_375 = arith.remsi %add3A_372, %rem3A_374 : vector<16xi32>
    %mul3A_376 = arith.constant 100001 : i32
    %mul3A_377 = vector.broadcast %mul3A_376 : i32 to vector<16xi32>
    %mul3A_378 = arith.muli %rem3A_375, %mul3A_377 : vector<16xi32>
    %add3A_379 = arith.addi %get3A_369, %mul3A_378 : vector<16xi32>
    %shift_right_logical3A_380 = arith.constant 2 : i32
    %shift_right_logical3A_381 = vector.broadcast %shift_right_logical3A_380 : i32 to vector<16xi32>
    %shift_right_logical3A_382 = arith.shrui %add3A_379, %shift_right_logical3A_381 : vector<16xi32>
    %swap3A_383 = arith.constant 0 : index
    %swap3A_384 = tpu.vector_load %arg13[%swap3A_383] {strides = array<i32>} : memref<32xi32, #tpu.memory_space<vmem>>, vector<16xi32>,
    tpu.vector_store %arg13[%swap3A_383], %shift_right_logical3A_382 {strides = array<i32>} : memref<32xi32, #tpu.memory_space<vmem>>, vector<16xi32>,
    %and3A_385 = arith.constant 3 : i32
    %and3A_386 = vector.broadcast %and3A_385 : i32 to vector<16xi32>
    %and3A_387 = arith.andi %add3A_379, %and3A_386 : vector<16xi32>
    %mul3A_388 = arith.constant 50 : i32
    %mul3A_389 = vector.broadcast %mul3A_388 : i32 to vector<16xi32>
    %mul3A_390 = arith.muli %and3A_387, %mul3A_389 : vector<16xi32>
    %swap3A_391 = arith.constant 0 : index
    %swap3A_392 = tpu.vector_load %arg21[%swap3A_391] {strides = array<i32>} : memref<32xi32, #tpu.memory_space<vmem>>, vector<16xi32>,
    tpu.vector_store %arg21[%swap3A_391], %mul3A_390 {strides = array<i32>} : memref<32xi32, #tpu.memory_space<vmem>>, vector<16xi32>,
    %get3A_393 = arith.constant 240 : index
    %get3A_394 = tpu.vector_load %arg5[%get3A_393] {strides = array<i32>} : memref<13312xi32, #tpu.memory_space<vmem>>, vector<16xi32>,
    %add3A_395 = arith.constant 240 : i32
    %add3A_396 = vector.broadcast %add3A_395 : i32 to vector<16xi32>
    %add3A_397 = arith.addi %add3A_396, %iota3A : vector<16xi32>
    %rem3A_398 = arith.constant 26 : i32
    %rem3A_399 = vector.broadcast %rem3A_398 : i32 to vector<16xi32>
    %rem3A_400 = arith.remsi %add3A_397, %rem3A_399 : vector<16xi32>
    %mul3A_401 = arith.constant 100001 : i32
    %mul3A_402 = vector.broadcast %mul3A_401 : i32 to vector<16xi32>
    %mul3A_403 = arith.muli %rem3A_400, %mul3A_402 : vector<16xi32>
    %add3A_404 = arith.addi %get3A_394, %mul3A_403 : vector<16xi32>
    %shift_right_logical3A_405 = arith.constant 2 : i32
    %shift_right_logical3A_406 = vector.broadcast %shift_right_logical3A_405 : i32 to vector<16xi32>
    %shift_right_logical3A_407 = arith.shrui %add3A_404, %shift_right_logical3A_406 : vector<16xi32>
    %swap3A_408 = arith.constant 16 : index
    %swap3A_409 = tpu.vector_load %arg13[%swap3A_408] {strides = array<i32>} : memref<32xi32, #tpu.memory_space<vmem>>, vector<16xi32>,
    tpu.vector_store %arg13[%swap3A_408], %shift_right_logical3A_407 {strides = array<i32>} : memref<32xi32, #tpu.memory_space<vmem>>, vector<16xi32>,
    %and3A_410 = arith.constant 3 : i32
    %and3A_411 = vector.broadcast %and3A_410 : i32 to vector<16xi32>
    %and3A_412 = arith.andi %add3A_404, %and3A_411 : vector<16xi32>
    %mul3A_413 = arith.constant 50 : i32
    %mul3A_414 = vector.broadcast %mul3A_413 : i32 to vector<16xi32>
    %mul3A_415 = arith.muli %and3A_412, %mul3A_414 : vector<16xi32>
    %swap3A_416 = arith.constant 16 : index
    %swap3A_417 = tpu.vector_load %arg21[%swap3A_416] {strides = array<i32>} : memref<32xi32, #tpu.memory_space<vmem>>, vector<16xi32>,
    tpu.vector_store %arg21[%swap3A_416], %mul3A_415 {strides = array<i32>} : memref<32xi32, #tpu.memory_space<vmem>>, vector<16xi32>,
    %dma_start3A_418 = arith.constant 0 : i32
    %dma_start3A_419 = arith.constant 0 : i32
    %dma_start3A_420 = tpu.memref_slice %arg2[%dma_start3A_418, %dma_start3A_419] : memref<650007x200xf32, #tpu.memory_space<hbm>> -> memref<650007x200xf32, #tpu.memory_space<hbm>>
    tpu.enqueue_indirect_dma source(%dma_start3A_420 : memref<650007x200xf32, #tpu.memory_space<hbm>>) target(%arg29 : memref<32x200xf32, #tpu.memory_space<vmem>>) offsets(%arg13 : memref<32xi32, #tpu.memory_space<vmem>>) semaphore(%arg39 : memref<!tpu.dma_semaphore, #tpu.memory_space<semaphore_mem>>)
    %scan3A = arith.constant 0 : i32
    %scan3A_421 = arith.constant 51 : i32
    %scan3A_422 = arith.addi %scan3A, %scan3A_421 : i32
    %scan3A_423 = arith.constant 1 : i32
    scf.for %scan3A_764 = %scan3A to %scan3A_422 step %scan3A_423  : i32 {
      %mul3A_765 = arith.constant 8 : i32
      %mul3A_766 = arith.muli %scan3A_764, %mul3A_765 : i32
      %add3A_767 = arith.constant 0 : i32
      %add3A_768 = arith.addi %mul3A_766, %add3A_767 : i32
      %dma_wait3A_769 = arith.constant 0 : i32
      %dma_wait3A_770 = arith.constant 0 : i32
      %dma_wait3A_771 = tpu.memref_slice %arg2[%dma_wait3A_769, %dma_wait3A_770] : memref<650007x200xf32, #tpu.memory_space<hbm>> -> memref<650007x200xf32, #tpu.memory_space<hbm>>
      tpu.wait_indirect_dma semaphore(%arg32 : memref<!tpu.dma_semaphore, #tpu.memory_space<semaphore_mem>>) src(%dma_wait3A_771 : memref<650007x200xf32, #tpu.memory_space<hbm>>) dst(%arg22 : memref<32x200xf32, #tpu.memory_space<vmem>>)
      %ge3A = arith.constant 2 : i32
      %ge3A_772 = arith.cmpi sge, %add3A_768, %ge3A : i32
      %convert_element_type3A = arith.extui %ge3A_772 : i1 to i32
      %cond3A = arith.constant 0 : i32
      %cond3A_773 = arith.cmpi ne, %convert_element_type3A, %cond3A : i32
      scf.if %cond3A_773 {
        %sub3A = arith.constant 2 : i32
        %sub3A_1610 = arith.subi %add3A_768, %sub3A : i32
        %mul3A_1611 = arith.constant 32 : i32
        %mul3A_1612 = arith.muli %sub3A_1610, %mul3A_1611 : i32
        %add3A_1613 = arith.addi %mul3A_2, %mul3A_1612 : i32
        %mul3A_1614 = arith.constant 50 : i32
        %mul3A_1615 = arith.muli %add3A_1613, %mul3A_1614 : i32
        %dma_wait3A_1616 = tpu.memref_slice %arg4[%mul3A_1615] : memref<21299200xf32, #tpu.memory_space<hbm>> -> memref<1600xf32, #tpu.memory_space<hbm>>
        %dma_wait3A_1617 = tpu.memref_slice %arg4[%mul3A_1615] : memref<21299200xf32, #tpu.memory_space<hbm>> -> memref<1600xf32, #tpu.memory_space<hbm>>
        tpu.wait_dma2 semaphore(%arg40 : memref<!tpu.dma_semaphore, #tpu.memory_space<semaphore_mem>>) src(%arg30 : memref<1600xf32, #tpu.memory_space<vmem>>) dst(%dma_wait3A_1617 : memref<1600xf32, #tpu.memory_space<hbm>>)
      } else {
      }
      %add3A_774 = arith.constant 0 : i32
      %add3A_775 = vector.broadcast %add3A_774 : i32 to vector<16xi32>
      %add3A_776 = arith.addi %iota3A, %add3A_775 : vector<16xi32>
      %get3A_777 = arith.constant 0 : index
      %get3A_778 = tpu.vector_load %arg14[%get3A_777] {strides = array<i32>} : memref<32xi32, #tpu.memory_space<vmem>>, vector<16xi32>,
      %mul3A_779 = arith.constant 50 : i32
      %mul3A_780 = vector.broadcast %mul3A_779 : i32 to vector<16xi32>
      %mul3A_781 = arith.muli %add3A_776, %mul3A_780 : vector<16xi32>
      %scan3A_782 = arith.constant 0 : i32
      %scan3A_783 = arith.constant 50 : i32
      %scan3A_784 = arith.addi %scan3A_782, %scan3A_783 : i32
      %scan3A_785 = arith.constant 1 : i32
      scf.for %scan3A_1610 = %scan3A_782 to %scan3A_784 step %scan3A_785  : i32 {
        %add3A_1611 = vector.broadcast %scan3A_1610 : i32 to vector<16xi32>
        %add3A_1612 = arith.addi %get3A_778, %add3A_1611 : vector<16xi32>
        %gather3A = tpu.vector_load_idx %arg22[%add3A_776, %add3A_1612] : memref<32x200xf32, #tpu.memory_space<vmem>>[vector<16xi32>, vector<16xi32>], vector<16xf32>,
        %add3A_1613 = vector.broadcast %scan3A_1610 : i32 to vector<16xi32>
        %add3A_1614 = arith.addi %mul3A_781, %add3A_1613 : vector<16xi32>
        tpu.vector_store_idx %arg30[%add3A_1614], %gather3A : memref<1600xf32, #tpu.memory_space<vmem>>[vector<16xi32>], vector<16xf32>,
      }
      %scan3A_786 = arith.constant 50 : i32
      %add3A_787 = arith.constant 16 : i32
      %add3A_788 = vector.broadcast %add3A_787 : i32 to vector<16xi32>
      %add3A_789 = arith.addi %iota3A, %add3A_788 : vector<16xi32>
      %get3A_790 = arith.constant 16 : index
      %get3A_791 = tpu.vector_load %arg14[%get3A_790] {strides = array<i32>} : memref<32xi32, #tpu.memory_space<vmem>>, vector<16xi32>,
      %mul3A_792 = arith.constant 50 : i32
      %mul3A_793 = vector.broadcast %mul3A_792 : i32 to vector<16xi32>
      %mul3A_794 = arith.muli %add3A_789, %mul3A_793 : vector<16xi32>
      %scan3A_795 = arith.constant 0 : i32
      %scan3A_796 = arith.constant 50 : i32
      %scan3A_797 = arith.addi %scan3A_795, %scan3A_796 : i32
      %scan3A_798 = arith.constant 1 : i32
      scf.for %scan3A_1610 = %scan3A_795 to %scan3A_797 step %scan3A_798  : i32 {
        %add3A_1611 = vector.broadcast %scan3A_1610 : i32 to vector<16xi32>
        %add3A_1612 = arith.addi %get3A_791, %add3A_1611 : vector<16xi32>
        %gather3A = tpu.vector_load_idx %arg22[%add3A_789, %add3A_1612] : memref<32x200xf32, #tpu.memory_space<vmem>>[vector<16xi32>, vector<16xi32>], vector<16xf32>,
        %add3A_1613 = vector.broadcast %scan3A_1610 : i32 to vector<16xi32>
        %add3A_1614 = arith.addi %mul3A_794, %add3A_1613 : vector<16xi32>
        tpu.vector_store_idx %arg30[%add3A_1614], %gather3A : memref<1600xf32, #tpu.memory_space<vmem>>[vector<16xi32>], vector<16xf32>,
      }
      %scan3A_799 = arith.constant 50 : i32
      %mul3A_800 = arith.constant 32 : i32
      %mul3A_801 = arith.muli %add3A_768, %mul3A_800 : i32
      %add3A_802 = arith.addi %mul3A_2, %mul3A_801 : i32
      %mul3A_803 = arith.constant 50 : i32
      %mul3A_804 = arith.muli %add3A_802, %mul3A_803 : i32
      %dma_start3A_805 = tpu.memref_slice %arg4[%mul3A_804] : memref<21299200xf32, #tpu.memory_space<hbm>> -> memref<1600xf32, #tpu.memory_space<hbm>>
      %dma_start3A_806 = tpu.memref_slice %arg4[%mul3A_804] : memref<21299200xf32, #tpu.memory_space<hbm>> -> memref<1600xf32, #tpu.memory_space<hbm>>
      tpu.enqueue_dma source(%arg30 : memref<1600xf32, #tpu.memory_space<vmem>>) target(%dma_start3A_806 : memref<1600xf32, #tpu.memory_space<hbm>>) target_semaphore(%arg40 : memref<!tpu.dma_semaphore, #tpu.memory_space<semaphore_mem>>)
      %add3A_807 = arith.constant 8 : i32
      %add3A_808 = arith.addi %add3A_768, %add3A_807 : i32
      %mul3A_809 = arith.constant 32 : i32
      %mul3A_810 = arith.muli %add3A_808, %mul3A_809 : i32
      %add3A_811 = arith.constant 0 : i32
      %add3A_812 = arith.addi %mul3A_810, %add3A_811 : i32
      %get3A_813 = arith.index_cast %add3A_812 : i32 to index
      %get3A_814 = tpu.vector_load %arg5[%get3A_813] {strides = array<i32>} : memref<13312xi32, #tpu.memory_space<vmem>>, vector<16xi32>,
      %add3A_815 = vector.broadcast %add3A_812 : i32 to vector<16xi32>
      %add3A_816 = arith.addi %add3A_815, %iota3A : vector<16xi32>
      %rem3A_817 = arith.constant 26 : i32
      %rem3A_818 = vector.broadcast %rem3A_817 : i32 to vector<16xi32>
      %rem3A_819 = arith.remsi %add3A_816, %rem3A_818 : vector<16xi32>
      %mul3A_820 = arith.constant 100001 : i32
      %mul3A_821 = vector.broadcast %mul3A_820 : i32 to vector<16xi32>
      %mul3A_822 = arith.muli %rem3A_819, %mul3A_821 : vector<16xi32>
      %add3A_823 = arith.addi %get3A_814, %mul3A_822 : vector<16xi32>
      %shift_right_logical3A_824 = arith.constant 2 : i32
      %shift_right_logical3A_825 = vector.broadcast %shift_right_logical3A_824 : i32 to vector<16xi32>
      %shift_right_logical3A_826 = arith.shrui %add3A_823, %shift_right_logical3A_825 : vector<16xi32>
      %swap3A_827 = arith.constant 0 : index
      %swap3A_828 = tpu.vector_load %arg6[%swap3A_827] {strides = array<i32>} : memref<32xi32, #tpu.memory_space<vmem>>, vector<16xi32>,
      tpu.vector_store %arg6[%swap3A_827], %shift_right_logical3A_826 {strides = array<i32>} : memref<32xi32, #tpu.memory_space<vmem>>, vector<16xi32>,
      %and3A_829 = arith.constant 3 : i32
      %and3A_830 = vector.broadcast %and3A_829 : i32 to vector<16xi32>
      %and3A_831 = arith.andi %add3A_823, %and3A_830 : vector<16xi32>
      %mul3A_832 = arith.constant 50 : i32
      %mul3A_833 = vector.broadcast %mul3A_832 : i32 to vector<16xi32>
      %mul3A_834 = arith.muli %and3A_831, %mul3A_833 : vector<16xi32>
      %swap3A_835 = arith.constant 0 : index
      %swap3A_836 = tpu.vector_load %arg14[%swap3A_835] {strides = array<i32>} : memref<32xi32, #tpu.memory_space<vmem>>, vector<16xi32>,
      tpu.vector_store %arg14[%swap3A_835], %mul3A_834 {strides = array<i32>} : memref<32xi32, #tpu.memory_space<vmem>>, vector<16xi32>,
      %mul3A_837 = arith.constant 32 : i32
      %mul3A_838 = arith.muli %add3A_808, %mul3A_837 : i32
      %add3A_839 = arith.constant 16 : i32
      %add3A_840 = arith.addi %mul3A_838, %add3A_839 : i32
      %get3A_841 = arith.index_cast %add3A_840 : i32 to index
      %get3A_842 = tpu.vector_load %arg5[%get3A_841] {strides = array<i32>} : memref<13312xi32, #tpu.memory_space<vmem>>, vector<16xi32>,
      %add3A_843 = vector.broadcast %add3A_840 : i32 to vector<16xi32>
      %add3A_844 = arith.addi %add3A_843, %iota3A : vector<16xi32>
      %rem3A_845 = arith.constant 26 : i32
      %rem3A_846 = vector.broadcast %rem3A_845 : i32 to vector<16xi32>
      %rem3A_847 = arith.remsi %add3A_844, %rem3A_846 : vector<16xi32>
      %mul3A_848 = arith.constant 100001 : i32
      %mul3A_849 = vector.broadcast %mul3A_848 : i32 to vector<16xi32>
      %mul3A_850 = arith.muli %rem3A_847, %mul3A_849 : vector<16xi32>
      %add3A_851 = arith.addi %get3A_842, %mul3A_850 : vector<16xi32>
      %shift_right_logical3A_852 = arith.constant 2 : i32
      %shift_right_logical3A_853 = vector.broadcast %shift_right_logical3A_852 : i32 to vector<16xi32>
      %shift_right_logical3A_854 = arith.shrui %add3A_851, %shift_right_logical3A_853 : vector<16xi32>
      %swap3A_855 = arith.constant 16 : index
      %swap3A_856 = tpu.vector_load %arg6[%swap3A_855] {strides = array<i32>} : memref<32xi32, #tpu.memory_space<vmem>>, vector<16xi32>,
      tpu.vector_store %arg6[%swap3A_855], %shift_right_logical3A_854 {strides = array<i32>} : memref<32xi32, #tpu.memory_space<vmem>>, vector<16xi32>,
      %and3A_857 = arith.constant 3 : i32
      %and3A_858 = vector.broadcast %and3A_857 : i32 to vector<16xi32>
      %and3A_859 = arith.andi %add3A_851, %and3A_858 : vector<16xi32>
      %mul3A_860 = arith.constant 50 : i32
      %mul3A_861 = vector.broadcast %mul3A_860 : i32 to vector<16xi32>
      %mul3A_862 = arith.muli %and3A_859, %mul3A_861 : vector<16xi32>
      %swap3A_863 = arith.constant 16 : index
      %swap3A_864 = tpu.vector_load %arg14[%swap3A_863] {strides = array<i32>} : memref<32xi32, #tpu.memory_space<vmem>>, vector<16xi32>,
      tpu.vector_store %arg14[%swap3A_863], %mul3A_862 {strides = array<i32>} : memref<32xi32, #tpu.memory_space<vmem>>, vector<16xi32>,
      %dma_start3A_865 = arith.constant 0 : i32
      %dma_start3A_866 = arith.constant 0 : i32
      %dma_start3A_867 = tpu.memref_slice %arg2[%dma_start3A_865, %dma_start3A_866] : memref<650007x200xf32, #tpu.memory_space<hbm>> -> memref<650007x200xf32, #tpu.memory_space<hbm>>
      tpu.enqueue_indirect_dma source(%dma_start3A_867 : memref<650007x200xf32, #tpu.memory_space<hbm>>) target(%arg22 : memref<32x200xf32, #tpu.memory_space<vmem>>) offsets(%arg6 : memref<32xi32, #tpu.memory_space<vmem>>) semaphore(%arg32 : memref<!tpu.dma_semaphore, #tpu.memory_space<semaphore_mem>>)
      %mul3A_868 = arith.constant 8 : i32
      %mul3A_869 = arith.muli %scan3A_764, %mul3A_868 : i32
      %add3A_870 = arith.constant 1 : i32
      %add3A_871 = arith.addi %mul3A_869, %add3A_870 : i32
      %dma_wait3A_872 = arith.constant 0 : i32
      %dma_wait3A_873 = arith.constant 0 : i32
      %dma_wait3A_874 = tpu.memref_slice %arg2[%dma_wait3A_872, %dma_wait3A_873] : memref<650007x200xf32, #tpu.memory_space<hbm>> -> memref<650007x200xf32, #tpu.memory_space<hbm>>
      tpu.wait_indirect_dma semaphore(%arg33 : memref<!tpu.dma_semaphore, #tpu.memory_space<semaphore_mem>>) src(%dma_wait3A_874 : memref<650007x200xf32, #tpu.memory_space<hbm>>) dst(%arg23 : memref<32x200xf32, #tpu.memory_space<vmem>>)
      %ge3A_875 = arith.constant 2 : i32
      %ge3A_876 = arith.cmpi sge, %add3A_871, %ge3A_875 : i32
      %convert_element_type3A_877 = arith.extui %ge3A_876 : i1 to i32
      %cond3A_878 = arith.constant 0 : i32
      %cond3A_879 = arith.cmpi ne, %convert_element_type3A_877, %cond3A_878 : i32
      scf.if %cond3A_879 {
        %sub3A = arith.constant 2 : i32
        %sub3A_1610 = arith.subi %add3A_871, %sub3A : i32
        %mul3A_1611 = arith.constant 32 : i32
        %mul3A_1612 = arith.muli %sub3A_1610, %mul3A_1611 : i32
        %add3A_1613 = arith.addi %mul3A_2, %mul3A_1612 : i32
        %mul3A_1614 = arith.constant 50 : i32
        %mul3A_1615 = arith.muli %add3A_1613, %mul3A_1614 : i32
        %dma_wait3A_1616 = tpu.memref_slice %arg4[%mul3A_1615] : memref<21299200xf32, #tpu.memory_space<hbm>> -> memref<1600xf32, #tpu.memory_space<hbm>>
        %dma_wait3A_1617 = tpu.memref_slice %arg4[%mul3A_1615] : memref<21299200xf32, #tpu.memory_space<hbm>> -> memref<1600xf32, #tpu.memory_space<hbm>>
        tpu.wait_dma2 semaphore(%arg41 : memref<!tpu.dma_semaphore, #tpu.memory_space<semaphore_mem>>) src(%arg31 : memref<1600xf32, #tpu.memory_space<vmem>>) dst(%dma_wait3A_1617 : memref<1600xf32, #tpu.memory_space<hbm>>)
      } else {
      }
      %add3A_880 = arith.constant 0 : i32
      %add3A_881 = vector.broadcast %add3A_880 : i32 to vector<16xi32>
      %add3A_882 = arith.addi %iota3A, %add3A_881 : vector<16xi32>
      %get3A_883 = arith.constant 0 : index
      %get3A_884 = tpu.vector_load %arg15[%get3A_883] {strides = array<i32>} : memref<32xi32, #tpu.memory_space<vmem>>, vector<16xi32>,
      %mul3A_885 = arith.constant 50 : i32
      %mul3A_886 = vector.broadcast %mul3A_885 : i32 to vector<16xi32>
      %mul3A_887 = arith.muli %add3A_882, %mul3A_886 : vector<16xi32>
      %scan3A_888 = arith.constant 0 : i32
      %scan3A_889 = arith.constant 50 : i32
      %scan3A_890 = arith.addi %scan3A_888, %scan3A_889 : i32
      %scan3A_891 = arith.constant 1 : i32
      scf.for %scan3A_1610 = %scan3A_888 to %scan3A_890 step %scan3A_891  : i32 {
        %add3A_1611 = vector.broadcast %scan3A_1610 : i32 to vector<16xi32>
        %add3A_1612 = arith.addi %get3A_884, %add3A_1611 : vector<16xi32>
        %gather3A = tpu.vector_load_idx %arg23[%add3A_882, %add3A_1612] : memref<32x200xf32, #tpu.memory_space<vmem>>[vector<16xi32>, vector<16xi32>], vector<16xf32>,
        %add3A_1613 = vector.broadcast %scan3A_1610 : i32 to vector<16xi32>
        %add3A_1614 = arith.addi %mul3A_887, %add3A_1613 : vector<16xi32>
        tpu.vector_store_idx %arg31[%add3A_1614], %gather3A : memref<1600xf32, #tpu.memory_space<vmem>>[vector<16xi32>], vector<16xf32>,
      }
      %scan3A_892 = arith.constant 50 : i32
      %add3A_893 = arith.constant 16 : i32
      %add3A_894 = vector.broadcast %add3A_893 : i32 to vector<16xi32>
      %add3A_895 = arith.addi %iota3A, %add3A_894 : vector<16xi32>
      %get3A_896 = arith.constant 16 : index
      %get3A_897 = tpu.vector_load %arg15[%get3A_896] {strides = array<i32>} : memref<32xi32, #tpu.memory_space<vmem>>, vector<16xi32>,
      %mul3A_898 = arith.constant 50 : i32
      %mul3A_899 = vector.broadcast %mul3A_898 : i32 to vector<16xi32>
      %mul3A_900 = arith.muli %add3A_895, %mul3A_899 : vector<16xi32>
      %scan3A_901 = arith.constant 0 : i32
      %scan3A_902 = arith.constant 50 : i32
      %scan3A_903 = arith.addi %scan3A_901, %scan3A_902 : i32
      %scan3A_904 = arith.constant 1 : i32
      scf.for %scan3A_1610 = %scan3A_901 to %scan3A_903 step %scan3A_904  : i32 {
        %add3A_1611 = vector.broadcast %scan3A_1610 : i32 to vector<16xi32>
        %add3A_1612 = arith.addi %get3A_897, %add3A_1611 : vector<16xi32>
        %gather3A = tpu.vector_load_idx %arg23[%add3A_895, %add3A_1612] : memref<32x200xf32, #tpu.memory_space<vmem>>[vector<16xi32>, vector<16xi32>], vector<16xf32>,
        %add3A_1613 = vector.broadcast %scan3A_1610 : i32 to vector<16xi32>
        %add3A_1614 = arith.addi %mul3A_900, %add3A_1613 : vector<16xi32>
        tpu.vector_store_idx %arg31[%add3A_1614], %gather3A : memref<1600xf32, #tpu.memory_space<vmem>>[vector<16xi32>], vector<16xf32>,
      }
      %scan3A_905 = arith.constant 50 : i32
      %mul3A_906 = arith.constant 32 : i32
      %mul3A_907 = arith.muli %add3A_871, %mul3A_906 : i32
      %add3A_908 = arith.addi %mul3A_2, %mul3A_907 : i32
      %mul3A_909 = arith.constant 50 : i32
      %mul3A_910 = arith.muli %add3A_908, %mul3A_909 : i32
      %dma_start3A_911 = tpu.memref_slice %arg4[%mul3A_910] : memref<21299200xf32, #tpu.memory_space<hbm>> -> memref<1600xf32, #tpu.memory_space<hbm>>
      %dma_start3A_912 = tpu.memref_slice %arg4[%mul3A_910] : memref<21299200xf32, #tpu.memory_space<hbm>> -> memref<1600xf32, #tpu.memory_space<hbm>>
      tpu.enqueue_dma source(%arg31 : memref<1600xf32, #tpu.memory_space<vmem>>) target(%dma_start3A_912 : memref<1600xf32, #tpu.memory_space<hbm>>) target_semaphore(%arg41 : memref<!tpu.dma_semaphore, #tpu.memory_space<semaphore_mem>>)
      %add3A_913 = arith.constant 8 : i32
      %add3A_914 = arith.addi %add3A_871, %add3A_913 : i32
      %mul3A_915 = arith.constant 32 : i32
      %mul3A_916 = arith.muli %add3A_914, %mul3A_915 : i32
      %add3A_917 = arith.constant 0 : i32
      %add3A_918 = arith.addi %mul3A_916, %add3A_917 : i32
      %get3A_919 = arith.index_cast %add3A_918 : i32 to index
      %get3A_920 = tpu.vector_load %arg5[%get3A_919] {strides = array<i32>} : memref<13312xi32, #tpu.memory_space<vmem>>, vector<16xi32>,
      %add3A_921 = vector.broadcast %add3A_918 : i32 to vector<16xi32>
      %add3A_922 = arith.addi %add3A_921, %iota3A : vector<16xi32>
      %rem3A_923 = arith.constant 26 : i32
      %rem3A_924 = vector.broadcast %rem3A_923 : i32 to vector<16xi32>
      %rem3A_925 = arith.remsi %add3A_922, %rem3A_924 : vector<16xi32>
      %mul3A_926 = arith.constant 100001 : i32
      %mul3A_927 = vector.broadcast %mul3A_926 : i32 to vector<16xi32>
      %mul3A_928 = arith.muli %rem3A_925, %mul3A_927 : vector<16xi32>
      %add3A_929 = arith.addi %get3A_920, %mul3A_928 : vector<16xi32>
      %shift_right_logical3A_930 = arith.constant 2 : i32
      %shift_right_logical3A_931 = vector.broadcast %shift_right_logical3A_930 : i32 to vector<16xi32>
      %shift_right_logical3A_932 = arith.shrui %add3A_929, %shift_right_logical3A_931 : vector<16xi32>
      %swap3A_933 = arith.constant 0 : index
      %swap3A_934 = tpu.vector_load %arg7[%swap3A_933] {strides = array<i32>} : memref<32xi32, #tpu.memory_space<vmem>>, vector<16xi32>,
      tpu.vector_store %arg7[%swap3A_933], %shift_right_logical3A_932 {strides = array<i32>} : memref<32xi32, #tpu.memory_space<vmem>>, vector<16xi32>,
      %and3A_935 = arith.constant 3 : i32
      %and3A_936 = vector.broadcast %and3A_935 : i32 to vector<16xi32>
      %and3A_937 = arith.andi %add3A_929, %and3A_936 : vector<16xi32>
      %mul3A_938 = arith.constant 50 : i32
      %mul3A_939 = vector.broadcast %mul3A_938 : i32 to vector<16xi32>
      %mul3A_940 = arith.muli %and3A_937, %mul3A_939 : vector<16xi32>
      %swap3A_941 = arith.constant 0 : index
      %swap3A_942 = tpu.vector_load %arg15[%swap3A_941] {strides = array<i32>} : memref<32xi32, #tpu.memory_space<vmem>>, vector<16xi32>,
      tpu.vector_store %arg15[%swap3A_941], %mul3A_940 {strides = array<i32>} : memref<32xi32, #tpu.memory_space<vmem>>, vector<16xi32>,
      %mul3A_943 = arith.constant 32 : i32
      %mul3A_944 = arith.muli %add3A_914, %mul3A_943 : i32
      %add3A_945 = arith.constant 16 : i32
      %add3A_946 = arith.addi %mul3A_944, %add3A_945 : i32
      %get3A_947 = arith.index_cast %add3A_946 : i32 to index
      %get3A_948 = tpu.vector_load %arg5[%get3A_947] {strides = array<i32>} : memref<13312xi32, #tpu.memory_space<vmem>>, vector<16xi32>,
      %add3A_949 = vector.broadcast %add3A_946 : i32 to vector<16xi32>
      %add3A_950 = arith.addi %add3A_949, %iota3A : vector<16xi32>
      %rem3A_951 = arith.constant 26 : i32
      %rem3A_952 = vector.broadcast %rem3A_951 : i32 to vector<16xi32>
      %rem3A_953 = arith.remsi %add3A_950, %rem3A_952 : vector<16xi32>
      %mul3A_954 = arith.constant 100001 : i32
      %mul3A_955 = vector.broadcast %mul3A_954 : i32 to vector<16xi32>
      %mul3A_956 = arith.muli %rem3A_953, %mul3A_955 : vector<16xi32>
      %add3A_957 = arith.addi %get3A_948, %mul3A_956 : vector<16xi32>
      %shift_right_logical3A_958 = arith.constant 2 : i32
      %shift_right_logical3A_959 = vector.broadcast %shift_right_logical3A_958 : i32 to vector<16xi32>
      %shift_right_logical3A_960 = arith.shrui %add3A_957, %shift_right_logical3A_959 : vector<16xi32>
      %swap3A_961 = arith.constant 16 : index
      %swap3A_962 = tpu.vector_load %arg7[%swap3A_961] {strides = array<i32>} : memref<32xi32, #tpu.memory_space<vmem>>, vector<16xi32>,
      tpu.vector_store %arg7[%swap3A_961], %shift_right_logical3A_960 {strides = array<i32>} : memref<32xi32, #tpu.memory_space<vmem>>, vector<16xi32>,
      %and3A_963 = arith.constant 3 : i32
      %and3A_964 = vector.broadcast %and3A_963 : i32 to vector<16xi32>
      %and3A_965 = arith.andi %add3A_957, %and3A_964 : vector<16xi32>
      %mul3A_966 = arith.constant 50 : i32
      %mul3A_967 = vector.broadcast %mul3A_966 : i32 to vector<16xi32>
      %mul3A_968 = arith.muli %and3A_965, %mul3A_967 : vector<16xi32>
      %swap3A_969 = arith.constant 16 : index
      %swap3A_970 = tpu.vector_load %arg15[%swap3A_969] {strides = array<i32>} : memref<32xi32, #tpu.memory_space<vmem>>, vector<16xi32>,
      tpu.vector_store %arg15[%swap3A_969], %mul3A_968 {strides = array<i32>} : memref<32xi32, #tpu.memory_space<vmem>>, vector<16xi32>,
      %dma_start3A_971 = arith.constant 0 : i32
      %dma_start3A_972 = arith.constant 0 : i32
      %dma_start3A_973 = tpu.memref_slice %arg2[%dma_start3A_971, %dma_start3A_972] : memref<650007x200xf32, #tpu.memory_space<hbm>> -> memref<650007x200xf32, #tpu.memory_space<hbm>>
      tpu.enqueue_indirect_dma source(%dma_start3A_973 : memref<650007x200xf32, #tpu.memory_space<hbm>>) target(%arg23 : memref<32x200xf32, #tpu.memory_space<vmem>>) offsets(%arg7 : memref<32xi32, #tpu.memory_space<vmem>>) semaphore(%arg33 : memref<!tpu.dma_semaphore, #tpu.memory_space<semaphore_mem>>)
      %mul3A_974 = arith.constant 8 : i32
      %mul3A_975 = arith.muli %scan3A_764, %mul3A_974 : i32
      %add3A_976 = arith.constant 2 : i32
      %add3A_977 = arith.addi %mul3A_975, %add3A_976 : i32
      %dma_wait3A_978 = arith.constant 0 : i32
      %dma_wait3A_979 = arith.constant 0 : i32
      %dma_wait3A_980 = tpu.memref_slice %arg2[%dma_wait3A_978, %dma_wait3A_979] : memref<650007x200xf32, #tpu.memory_space<hbm>> -> memref<650007x200xf32, #tpu.memory_space<hbm>>
      tpu.wait_indirect_dma semaphore(%arg34 : memref<!tpu.dma_semaphore, #tpu.memory_space<semaphore_mem>>) src(%dma_wait3A_980 : memref<650007x200xf32, #tpu.memory_space<hbm>>) dst(%arg24 : memref<32x200xf32, #tpu.memory_space<vmem>>)
      %ge3A_981 = arith.constant 2 : i32
      %ge3A_982 = arith.cmpi sge, %add3A_977, %ge3A_981 : i32
      %convert_element_type3A_983 = arith.extui %ge3A_982 : i1 to i32
      %cond3A_984 = arith.constant 0 : i32
      %cond3A_985 = arith.cmpi ne, %convert_element_type3A_983, %cond3A_984 : i32
      scf.if %cond3A_985 {
        %sub3A = arith.constant 2 : i32
        %sub3A_1610 = arith.subi %add3A_977, %sub3A : i32
        %mul3A_1611 = arith.constant 32 : i32
        %mul3A_1612 = arith.muli %sub3A_1610, %mul3A_1611 : i32
        %add3A_1613 = arith.addi %mul3A_2, %mul3A_1612 : i32
        %mul3A_1614 = arith.constant 50 : i32
        %mul3A_1615 = arith.muli %add3A_1613, %mul3A_1614 : i32
        %dma_wait3A_1616 = tpu.memref_slice %arg4[%mul3A_1615] : memref<21299200xf32, #tpu.memory_space<hbm>> -> memref<1600xf32, #tpu.memory_space<hbm>>
        %dma_wait3A_1617 = tpu.memref_slice %arg4[%mul3A_1615] : memref<21299200xf32, #tpu.memory_space<hbm>> -> memref<1600xf32, #tpu.memory_space<hbm>>
        tpu.wait_dma2 semaphore(%arg40 : memref<!tpu.dma_semaphore, #tpu.memory_space<semaphore_mem>>) src(%arg30 : memref<1600xf32, #tpu.memory_space<vmem>>) dst(%dma_wait3A_1617 : memref<1600xf32, #tpu.memory_space<hbm>>)
      } else {
      }
      %add3A_986 = arith.constant 0 : i32
      %add3A_987 = vector.broadcast %add3A_986 : i32 to vector<16xi32>
      %add3A_988 = arith.addi %iota3A, %add3A_987 : vector<16xi32>
      %get3A_989 = arith.constant 0 : index
      %get3A_990 = tpu.vector_load %arg16[%get3A_989] {strides = array<i32>} : memref<32xi32, #tpu.memory_space<vmem>>, vector<16xi32>,
      %mul3A_991 = arith.constant 50 : i32
      %mul3A_992 = vector.broadcast %mul3A_991 : i32 to vector<16xi32>
      %mul3A_993 = arith.muli %add3A_988, %mul3A_992 : vector<16xi32>
      %scan3A_994 = arith.constant 0 : i32
      %scan3A_995 = arith.constant 50 : i32
      %scan3A_996 = arith.addi %scan3A_994, %scan3A_995 : i32
      %scan3A_997 = arith.constant 1 : i32
      scf.for %scan3A_1610 = %scan3A_994 to %scan3A_996 step %scan3A_997  : i32 {
        %add3A_1611 = vector.broadcast %scan3A_1610 : i32 to vector<16xi32>
        %add3A_1612 = arith.addi %get3A_990, %add3A_1611 : vector<16xi32>
        %gather3A = tpu.vector_load_idx %arg24[%add3A_988, %add3A_1612] : memref<32x200xf32, #tpu.memory_space<vmem>>[vector<16xi32>, vector<16xi32>], vector<16xf32>,
        %add3A_1613 = vector.broadcast %scan3A_1610 : i32 to vector<16xi32>
        %add3A_1614 = arith.addi %mul3A_993, %add3A_1613 : vector<16xi32>
        tpu.vector_store_idx %arg30[%add3A_1614], %gather3A : memref<1600xf32, #tpu.memory_space<vmem>>[vector<16xi32>], vector<16xf32>,
      }
      %scan3A_998 = arith.constant 50 : i32
      %add3A_999 = arith.constant 16 : i32
      %add3A_1000 = vector.broadcast %add3A_999 : i32 to vector<16xi32>
      %add3A_1001 = arith.addi %iota3A, %add3A_1000 : vector<16xi32>
      %get3A_1002 = arith.constant 16 : index
      %get3A_1003 = tpu.vector_load %arg16[%get3A_1002] {strides = array<i32>} : memref<32xi32, #tpu.memory_space<vmem>>, vector<16xi32>,
      %mul3A_1004 = arith.constant 50 : i32
      %mul3A_1005 = vector.broadcast %mul3A_1004 : i32 to vector<16xi32>
      %mul3A_1006 = arith.muli %add3A_1001, %mul3A_1005 : vector<16xi32>
      %scan3A_1007 = arith.constant 0 : i32
      %scan3A_1008 = arith.constant 50 : i32
      %scan3A_1009 = arith.addi %scan3A_1007, %scan3A_1008 : i32
      %scan3A_1010 = arith.constant 1 : i32
      scf.for %scan3A_1610 = %scan3A_1007 to %scan3A_1009 step %scan3A_1010  : i32 {
        %add3A_1611 = vector.broadcast %scan3A_1610 : i32 to vector<16xi32>
        %add3A_1612 = arith.addi %get3A_1003, %add3A_1611 : vector<16xi32>
        %gather3A = tpu.vector_load_idx %arg24[%add3A_1001, %add3A_1612] : memref<32x200xf32, #tpu.memory_space<vmem>>[vector<16xi32>, vector<16xi32>], vector<16xf32>,
        %add3A_1613 = vector.broadcast %scan3A_1610 : i32 to vector<16xi32>
        %add3A_1614 = arith.addi %mul3A_1006, %add3A_1613 : vector<16xi32>
        tpu.vector_store_idx %arg30[%add3A_1614], %gather3A : memref<1600xf32, #tpu.memory_space<vmem>>[vector<16xi32>], vector<16xf32>,
      }
      %scan3A_1011 = arith.constant 50 : i32
      %mul3A_1012 = arith.constant 32 : i32
      %mul3A_1013 = arith.muli %add3A_977, %mul3A_1012 : i32
      %add3A_1014 = arith.addi %mul3A_2, %mul3A_1013 : i32
      %mul3A_1015 = arith.constant 50 : i32
      %mul3A_1016 = arith.muli %add3A_1014, %mul3A_1015 : i32
      %dma_start3A_1017 = tpu.memref_slice %arg4[%mul3A_1016] : memref<21299200xf32, #tpu.memory_space<hbm>> -> memref<1600xf32, #tpu.memory_space<hbm>>
      %dma_start3A_1018 = tpu.memref_slice %arg4[%mul3A_1016] : memref<21299200xf32, #tpu.memory_space<hbm>> -> memref<1600xf32, #tpu.memory_space<hbm>>
      tpu.enqueue_dma source(%arg30 : memref<1600xf32, #tpu.memory_space<vmem>>) target(%dma_start3A_1018 : memref<1600xf32, #tpu.memory_space<hbm>>) target_semaphore(%arg40 : memref<!tpu.dma_semaphore, #tpu.memory_space<semaphore_mem>>)
      %add3A_1019 = arith.constant 8 : i32
      %add3A_1020 = arith.addi %add3A_977, %add3A_1019 : i32
      %mul3A_1021 = arith.constant 32 : i32
      %mul3A_1022 = arith.muli %add3A_1020, %mul3A_1021 : i32
      %add3A_1023 = arith.constant 0 : i32
      %add3A_1024 = arith.addi %mul3A_1022, %add3A_1023 : i32
      %get3A_1025 = arith.index_cast %add3A_1024 : i32 to index
      %get3A_1026 = tpu.vector_load %arg5[%get3A_1025] {strides = array<i32>} : memref<13312xi32, #tpu.memory_space<vmem>>, vector<16xi32>,
      %add3A_1027 = vector.broadcast %add3A_1024 : i32 to vector<16xi32>
      %add3A_1028 = arith.addi %add3A_1027, %iota3A : vector<16xi32>
      %rem3A_1029 = arith.constant 26 : i32
      %rem3A_1030 = vector.broadcast %rem3A_1029 : i32 to vector<16xi32>
      %rem3A_1031 = arith.remsi %add3A_1028, %rem3A_1030 : vector<16xi32>
      %mul3A_1032 = arith.constant 100001 : i32
      %mul3A_1033 = vector.broadcast %mul3A_1032 : i32 to vector<16xi32>
      %mul3A_1034 = arith.muli %rem3A_1031, %mul3A_1033 : vector<16xi32>
      %add3A_1035 = arith.addi %get3A_1026, %mul3A_1034 : vector<16xi32>
      %shift_right_logical3A_1036 = arith.constant 2 : i32
      %shift_right_logical3A_1037 = vector.broadcast %shift_right_logical3A_1036 : i32 to vector<16xi32>
      %shift_right_logical3A_1038 = arith.shrui %add3A_1035, %shift_right_logical3A_1037 : vector<16xi32>
      %swap3A_1039 = arith.constant 0 : index
      %swap3A_1040 = tpu.vector_load %arg8[%swap3A_1039] {strides = array<i32>} : memref<32xi32, #tpu.memory_space<vmem>>, vector<16xi32>,
      tpu.vector_store %arg8[%swap3A_1039], %shift_right_logical3A_1038 {strides = array<i32>} : memref<32xi32, #tpu.memory_space<vmem>>, vector<16xi32>,
      %and3A_1041 = arith.constant 3 : i32
      %and3A_1042 = vector.broadcast %and3A_1041 : i32 to vector<16xi32>
      %and3A_1043 = arith.andi %add3A_1035, %and3A_1042 : vector<16xi32>
      %mul3A_1044 = arith.constant 50 : i32
      %mul3A_1045 = vector.broadcast %mul3A_1044 : i32 to vector<16xi32>
      %mul3A_1046 = arith.muli %and3A_1043, %mul3A_1045 : vector<16xi32>
      %swap3A_1047 = arith.constant 0 : index
      %swap3A_1048 = tpu.vector_load %arg16[%swap3A_1047] {strides = array<i32>} : memref<32xi32, #tpu.memory_space<vmem>>, vector<16xi32>,
      tpu.vector_store %arg16[%swap3A_1047], %mul3A_1046 {strides = array<i32>} : memref<32xi32, #tpu.memory_space<vmem>>, vector<16xi32>,
      %mul3A_1049 = arith.constant 32 : i32
      %mul3A_1050 = arith.muli %add3A_1020, %mul3A_1049 : i32
      %add3A_1051 = arith.constant 16 : i32
      %add3A_1052 = arith.addi %mul3A_1050, %add3A_1051 : i32
      %get3A_1053 = arith.index_cast %add3A_1052 : i32 to index
      %get3A_1054 = tpu.vector_load %arg5[%get3A_1053] {strides = array<i32>} : memref<13312xi32, #tpu.memory_space<vmem>>, vector<16xi32>,
      %add3A_1055 = vector.broadcast %add3A_1052 : i32 to vector<16xi32>
      %add3A_1056 = arith.addi %add3A_1055, %iota3A : vector<16xi32>
      %rem3A_1057 = arith.constant 26 : i32
      %rem3A_1058 = vector.broadcast %rem3A_1057 : i32 to vector<16xi32>
      %rem3A_1059 = arith.remsi %add3A_1056, %rem3A_1058 : vector<16xi32>
      %mul3A_1060 = arith.constant 100001 : i32
      %mul3A_1061 = vector.broadcast %mul3A_1060 : i32 to vector<16xi32>
      %mul3A_1062 = arith.muli %rem3A_1059, %mul3A_1061 : vector<16xi32>
      %add3A_1063 = arith.addi %get3A_1054, %mul3A_1062 : vector<16xi32>
      %shift_right_logical3A_1064 = arith.constant 2 : i32
      %shift_right_logical3A_1065 = vector.broadcast %shift_right_logical3A_1064 : i32 to vector<16xi32>
      %shift_right_logical3A_1066 = arith.shrui %add3A_1063, %shift_right_logical3A_1065 : vector<16xi32>
      %swap3A_1067 = arith.constant 16 : index
      %swap3A_1068 = tpu.vector_load %arg8[%swap3A_1067] {strides = array<i32>} : memref<32xi32, #tpu.memory_space<vmem>>, vector<16xi32>,
      tpu.vector_store %arg8[%swap3A_1067], %shift_right_logical3A_1066 {strides = array<i32>} : memref<32xi32, #tpu.memory_space<vmem>>, vector<16xi32>,
      %and3A_1069 = arith.constant 3 : i32
      %and3A_1070 = vector.broadcast %and3A_1069 : i32 to vector<16xi32>
      %and3A_1071 = arith.andi %add3A_1063, %and3A_1070 : vector<16xi32>
      %mul3A_1072 = arith.constant 50 : i32
      %mul3A_1073 = vector.broadcast %mul3A_1072 : i32 to vector<16xi32>
      %mul3A_1074 = arith.muli %and3A_1071, %mul3A_1073 : vector<16xi32>
      %swap3A_1075 = arith.constant 16 : index
      %swap3A_1076 = tpu.vector_load %arg16[%swap3A_1075] {strides = array<i32>} : memref<32xi32, #tpu.memory_space<vmem>>, vector<16xi32>,
      tpu.vector_store %arg16[%swap3A_1075], %mul3A_1074 {strides = array<i32>} : memref<32xi32, #tpu.memory_space<vmem>>, vector<16xi32>,
      %dma_start3A_1077 = arith.constant 0 : i32
      %dma_start3A_1078 = arith.constant 0 : i32
      %dma_start3A_1079 = tpu.memref_slice %arg2[%dma_start3A_1077, %dma_start3A_1078] : memref<650007x200xf32, #tpu.memory_space<hbm>> -> memref<650007x200xf32, #tpu.memory_space<hbm>>
      tpu.enqueue_indirect_dma source(%dma_start3A_1079 : memref<650007x200xf32, #tpu.memory_space<hbm>>) target(%arg24 : memref<32x200xf32, #tpu.memory_space<vmem>>) offsets(%arg8 : memref<32xi32, #tpu.memory_space<vmem>>) semaphore(%arg34 : memref<!tpu.dma_semaphore, #tpu.memory_space<semaphore_mem>>)
      %mul3A_1080 = arith.constant 8 : i32
      %mul3A_1081 = arith.muli %scan3A_764, %mul3A_1080 : i32
      %add3A_1082 = arith.constant 3 : i32
      %add3A_1083 = arith.addi %mul3A_1081, %add3A_1082 : i32
      %dma_wait3A_1084 = arith.constant 0 : i32
      %dma_wait3A_1085 = arith.constant 0 : i32
      %dma_wait3A_1086 = tpu.memref_slice %arg2[%dma_wait3A_1084, %dma_wait3A_1085] : memref<650007x200xf32, #tpu.memory_space<hbm>> -> memref<650007x200xf32, #tpu.memory_space<hbm>>
      tpu.wait_indirect_dma semaphore(%arg35 : memref<!tpu.dma_semaphore, #tpu.memory_space<semaphore_mem>>) src(%dma_wait3A_1086 : memref<650007x200xf32, #tpu.memory_space<hbm>>) dst(%arg25 : memref<32x200xf32, #tpu.memory_space<vmem>>)
      %ge3A_1087 = arith.constant 2 : i32
      %ge3A_1088 = arith.cmpi sge, %add3A_1083, %ge3A_1087 : i32
      %convert_element_type3A_1089 = arith.extui %ge3A_1088 : i1 to i32
      %cond3A_1090 = arith.constant 0 : i32
      %cond3A_1091 = arith.cmpi ne, %convert_element_type3A_1089, %cond3A_1090 : i32
      scf.if %cond3A_1091 {
        %sub3A = arith.constant 2 : i32
        %sub3A_1610 = arith.subi %add3A_1083, %sub3A : i32
        %mul3A_1611 = arith.constant 32 : i32
        %mul3A_1612 = arith.muli %sub3A_1610, %mul3A_1611 : i32
        %add3A_1613 = arith.addi %mul3A_2, %mul3A_1612 : i32
        %mul3A_1614 = arith.constant 50 : i32
        %mul3A_1615 = arith.muli %add3A_1613, %mul3A_1614 : i32
        %dma_wait3A_1616 = tpu.memref_slice %arg4[%mul3A_1615] : memref<21299200xf32, #tpu.memory_space<hbm>> -> memref<1600xf32, #tpu.memory_space<hbm>>
        %dma_wait3A_1617 = tpu.memref_slice %arg4[%mul3A_1615] : memref<21299200xf32, #tpu.memory_space<hbm>> -> memref<1600xf32, #tpu.memory_space<hbm>>
        tpu.wait_dma2 semaphore(%arg41 : memref<!tpu.dma_semaphore, #tpu.memory_space<semaphore_mem>>) src(%arg31 : memref<1600xf32, #tpu.memory_space<vmem>>) dst(%dma_wait3A_1617 : memref<1600xf32, #tpu.memory_space<hbm>>)
      } else {
      }
      %add3A_1092 = arith.constant 0 : i32
      %add3A_1093 = vector.broadcast %add3A_1092 : i32 to vector<16xi32>
      %add3A_1094 = arith.addi %iota3A, %add3A_1093 : vector<16xi32>
      %get3A_1095 = arith.constant 0 : index
      %get3A_1096 = tpu.vector_load %arg17[%get3A_1095] {strides = array<i32>} : memref<32xi32, #tpu.memory_space<vmem>>, vector<16xi32>,
      %mul3A_1097 = arith.constant 50 : i32
      %mul3A_1098 = vector.broadcast %mul3A_1097 : i32 to vector<16xi32>
      %mul3A_1099 = arith.muli %add3A_1094, %mul3A_1098 : vector<16xi32>
      %scan3A_1100 = arith.constant 0 : i32
      %scan3A_1101 = arith.constant 50 : i32
      %scan3A_1102 = arith.addi %scan3A_1100, %scan3A_1101 : i32
      %scan3A_1103 = arith.constant 1 : i32
      scf.for %scan3A_1610 = %scan3A_1100 to %scan3A_1102 step %scan3A_1103  : i32 {
        %add3A_1611 = vector.broadcast %scan3A_1610 : i32 to vector<16xi32>
        %add3A_1612 = arith.addi %get3A_1096, %add3A_1611 : vector<16xi32>
        %gather3A = tpu.vector_load_idx %arg25[%add3A_1094, %add3A_1612] : memref<32x200xf32, #tpu.memory_space<vmem>>[vector<16xi32>, vector<16xi32>], vector<16xf32>,
        %add3A_1613 = vector.broadcast %scan3A_1610 : i32 to vector<16xi32>
        %add3A_1614 = arith.addi %mul3A_1099, %add3A_1613 : vector<16xi32>
        tpu.vector_store_idx %arg31[%add3A_1614], %gather3A : memref<1600xf32, #tpu.memory_space<vmem>>[vector<16xi32>], vector<16xf32>,
      }
      %scan3A_1104 = arith.constant 50 : i32
      %add3A_1105 = arith.constant 16 : i32
      %add3A_1106 = vector.broadcast %add3A_1105 : i32 to vector<16xi32>
      %add3A_1107 = arith.addi %iota3A, %add3A_1106 : vector<16xi32>
      %get3A_1108 = arith.constant 16 : index
      %get3A_1109 = tpu.vector_load %arg17[%get3A_1108] {strides = array<i32>} : memref<32xi32, #tpu.memory_space<vmem>>, vector<16xi32>,
      %mul3A_1110 = arith.constant 50 : i32
      %mul3A_1111 = vector.broadcast %mul3A_1110 : i32 to vector<16xi32>
      %mul3A_1112 = arith.muli %add3A_1107, %mul3A_1111 : vector<16xi32>
      %scan3A_1113 = arith.constant 0 : i32
      %scan3A_1114 = arith.constant 50 : i32
      %scan3A_1115 = arith.addi %scan3A_1113, %scan3A_1114 : i32
      %scan3A_1116 = arith.constant 1 : i32
      scf.for %scan3A_1610 = %scan3A_1113 to %scan3A_1115 step %scan3A_1116  : i32 {
        %add3A_1611 = vector.broadcast %scan3A_1610 : i32 to vector<16xi32>
        %add3A_1612 = arith.addi %get3A_1109, %add3A_1611 : vector<16xi32>
        %gather3A = tpu.vector_load_idx %arg25[%add3A_1107, %add3A_1612] : memref<32x200xf32, #tpu.memory_space<vmem>>[vector<16xi32>, vector<16xi32>], vector<16xf32>,
        %add3A_1613 = vector.broadcast %scan3A_1610 : i32 to vector<16xi32>
        %add3A_1614 = arith.addi %mul3A_1112, %add3A_1613 : vector<16xi32>
        tpu.vector_store_idx %arg31[%add3A_1614], %gather3A : memref<1600xf32, #tpu.memory_space<vmem>>[vector<16xi32>], vector<16xf32>,
      }
      %scan3A_1117 = arith.constant 50 : i32
      %mul3A_1118 = arith.constant 32 : i32
      %mul3A_1119 = arith.muli %add3A_1083, %mul3A_1118 : i32
      %add3A_1120 = arith.addi %mul3A_2, %mul3A_1119 : i32
      %mul3A_1121 = arith.constant 50 : i32
      %mul3A_1122 = arith.muli %add3A_1120, %mul3A_1121 : i32
      %dma_start3A_1123 = tpu.memref_slice %arg4[%mul3A_1122] : memref<21299200xf32, #tpu.memory_space<hbm>> -> memref<1600xf32, #tpu.memory_space<hbm>>
      %dma_start3A_1124 = tpu.memref_slice %arg4[%mul3A_1122] : memref<21299200xf32, #tpu.memory_space<hbm>> -> memref<1600xf32, #tpu.memory_space<hbm>>
      tpu.enqueue_dma source(%arg31 : memref<1600xf32, #tpu.memory_space<vmem>>) target(%dma_start3A_1124 : memref<1600xf32, #tpu.memory_space<hbm>>) target_semaphore(%arg41 : memref<!tpu.dma_semaphore, #tpu.memory_space<semaphore_mem>>)
      %add3A_1125 = arith.constant 8 : i32
      %add3A_1126 = arith.addi %add3A_1083, %add3A_1125 : i32
      %mul3A_1127 = arith.constant 32 : i32
      %mul3A_1128 = arith.muli %add3A_1126, %mul3A_1127 : i32
      %add3A_1129 = arith.constant 0 : i32
      %add3A_1130 = arith.addi %mul3A_1128, %add3A_1129 : i32
      %get3A_1131 = arith.index_cast %add3A_1130 : i32 to index
      %get3A_1132 = tpu.vector_load %arg5[%get3A_1131] {strides = array<i32>} : memref<13312xi32, #tpu.memory_space<vmem>>, vector<16xi32>,
      %add3A_1133 = vector.broadcast %add3A_1130 : i32 to vector<16xi32>
      %add3A_1134 = arith.addi %add3A_1133, %iota3A : vector<16xi32>
      %rem3A_1135 = arith.constant 26 : i32
      %rem3A_1136 = vector.broadcast %rem3A_1135 : i32 to vector<16xi32>
      %rem3A_1137 = arith.remsi %add3A_1134, %rem3A_1136 : vector<16xi32>
      %mul3A_1138 = arith.constant 100001 : i32
      %mul3A_1139 = vector.broadcast %mul3A_1138 : i32 to vector<16xi32>
      %mul3A_1140 = arith.muli %rem3A_1137, %mul3A_1139 : vector<16xi32>
      %add3A_1141 = arith.addi %get3A_1132, %mul3A_1140 : vector<16xi32>
      %shift_right_logical3A_1142 = arith.constant 2 : i32
      %shift_right_logical3A_1143 = vector.broadcast %shift_right_logical3A_1142 : i32 to vector<16xi32>
      %shift_right_logical3A_1144 = arith.shrui %add3A_1141, %shift_right_logical3A_1143 : vector<16xi32>
      %swap3A_1145 = arith.constant 0 : index
      %swap3A_1146 = tpu.vector_load %arg9[%swap3A_1145] {strides = array<i32>} : memref<32xi32, #tpu.memory_space<vmem>>, vector<16xi32>,
      tpu.vector_store %arg9[%swap3A_1145], %shift_right_logical3A_1144 {strides = array<i32>} : memref<32xi32, #tpu.memory_space<vmem>>, vector<16xi32>,
      %and3A_1147 = arith.constant 3 : i32
      %and3A_1148 = vector.broadcast %and3A_1147 : i32 to vector<16xi32>
      %and3A_1149 = arith.andi %add3A_1141, %and3A_1148 : vector<16xi32>
      %mul3A_1150 = arith.constant 50 : i32
      %mul3A_1151 = vector.broadcast %mul3A_1150 : i32 to vector<16xi32>
      %mul3A_1152 = arith.muli %and3A_1149, %mul3A_1151 : vector<16xi32>
      %swap3A_1153 = arith.constant 0 : index
      %swap3A_1154 = tpu.vector_load %arg17[%swap3A_1153] {strides = array<i32>} : memref<32xi32, #tpu.memory_space<vmem>>, vector<16xi32>,
      tpu.vector_store %arg17[%swap3A_1153], %mul3A_1152 {strides = array<i32>} : memref<32xi32, #tpu.memory_space<vmem>>, vector<16xi32>,
      %mul3A_1155 = arith.constant 32 : i32
      %mul3A_1156 = arith.muli %add3A_1126, %mul3A_1155 : i32
      %add3A_1157 = arith.constant 16 : i32
      %add3A_1158 = arith.addi %mul3A_1156, %add3A_1157 : i32
      %get3A_1159 = arith.index_cast %add3A_1158 : i32 to index
      %get3A_1160 = tpu.vector_load %arg5[%get3A_1159] {strides = array<i32>} : memref<13312xi32, #tpu.memory_space<vmem>>, vector<16xi32>,
      %add3A_1161 = vector.broadcast %add3A_1158 : i32 to vector<16xi32>
      %add3A_1162 = arith.addi %add3A_1161, %iota3A : vector<16xi32>
      %rem3A_1163 = arith.constant 26 : i32
      %rem3A_1164 = vector.broadcast %rem3A_1163 : i32 to vector<16xi32>
      %rem3A_1165 = arith.remsi %add3A_1162, %rem3A_1164 : vector<16xi32>
      %mul3A_1166 = arith.constant 100001 : i32
      %mul3A_1167 = vector.broadcast %mul3A_1166 : i32 to vector<16xi32>
      %mul3A_1168 = arith.muli %rem3A_1165, %mul3A_1167 : vector<16xi32>
      %add3A_1169 = arith.addi %get3A_1160, %mul3A_1168 : vector<16xi32>
      %shift_right_logical3A_1170 = arith.constant 2 : i32
      %shift_right_logical3A_1171 = vector.broadcast %shift_right_logical3A_1170 : i32 to vector<16xi32>
      %shift_right_logical3A_1172 = arith.shrui %add3A_1169, %shift_right_logical3A_1171 : vector<16xi32>
      %swap3A_1173 = arith.constant 16 : index
      %swap3A_1174 = tpu.vector_load %arg9[%swap3A_1173] {strides = array<i32>} : memref<32xi32, #tpu.memory_space<vmem>>, vector<16xi32>,
      tpu.vector_store %arg9[%swap3A_1173], %shift_right_logical3A_1172 {strides = array<i32>} : memref<32xi32, #tpu.memory_space<vmem>>, vector<16xi32>,
      %and3A_1175 = arith.constant 3 : i32
      %and3A_1176 = vector.broadcast %and3A_1175 : i32 to vector<16xi32>
      %and3A_1177 = arith.andi %add3A_1169, %and3A_1176 : vector<16xi32>
      %mul3A_1178 = arith.constant 50 : i32
      %mul3A_1179 = vector.broadcast %mul3A_1178 : i32 to vector<16xi32>
      %mul3A_1180 = arith.muli %and3A_1177, %mul3A_1179 : vector<16xi32>
      %swap3A_1181 = arith.constant 16 : index
      %swap3A_1182 = tpu.vector_load %arg17[%swap3A_1181] {strides = array<i32>} : memref<32xi32, #tpu.memory_space<vmem>>, vector<16xi32>,
      tpu.vector_store %arg17[%swap3A_1181], %mul3A_1180 {strides = array<i32>} : memref<32xi32, #tpu.memory_space<vmem>>, vector<16xi32>,
      %dma_start3A_1183 = arith.constant 0 : i32
      %dma_start3A_1184 = arith.constant 0 : i32
      %dma_start3A_1185 = tpu.memref_slice %arg2[%dma_start3A_1183, %dma_start3A_1184] : memref<650007x200xf32, #tpu.memory_space<hbm>> -> memref<650007x200xf32, #tpu.memory_space<hbm>>
      tpu.enqueue_indirect_dma source(%dma_start3A_1185 : memref<650007x200xf32, #tpu.memory_space<hbm>>) target(%arg25 : memref<32x200xf32, #tpu.memory_space<vmem>>) offsets(%arg9 : memref<32xi32, #tpu.memory_space<vmem>>) semaphore(%arg35 : memref<!tpu.dma_semaphore, #tpu.memory_space<semaphore_mem>>)
      %mul3A_1186 = arith.constant 8 : i32
      %mul3A_1187 = arith.muli %scan3A_764, %mul3A_1186 : i32
      %add3A_1188 = arith.constant 4 : i32
      %add3A_1189 = arith.addi %mul3A_1187, %add3A_1188 : i32
      %dma_wait3A_1190 = arith.constant 0 : i32
      %dma_wait3A_1191 = arith.constant 0 : i32
      %dma_wait3A_1192 = tpu.memref_slice %arg2[%dma_wait3A_1190, %dma_wait3A_1191] : memref<650007x200xf32, #tpu.memory_space<hbm>> -> memref<650007x200xf32, #tpu.memory_space<hbm>>
      tpu.wait_indirect_dma semaphore(%arg36 : memref<!tpu.dma_semaphore, #tpu.memory_space<semaphore_mem>>) src(%dma_wait3A_1192 : memref<650007x200xf32, #tpu.memory_space<hbm>>) dst(%arg26 : memref<32x200xf32, #tpu.memory_space<vmem>>)
      %ge3A_1193 = arith.constant 2 : i32
      %ge3A_1194 = arith.cmpi sge, %add3A_1189, %ge3A_1193 : i32
      %convert_element_type3A_1195 = arith.extui %ge3A_1194 : i1 to i32
      %cond3A_1196 = arith.constant 0 : i32
      %cond3A_1197 = arith.cmpi ne, %convert_element_type3A_1195, %cond3A_1196 : i32
      scf.if %cond3A_1197 {
        %sub3A = arith.constant 2 : i32
        %sub3A_1610 = arith.subi %add3A_1189, %sub3A : i32
        %mul3A_1611 = arith.constant 32 : i32
        %mul3A_1612 = arith.muli %sub3A_1610, %mul3A_1611 : i32
        %add3A_1613 = arith.addi %mul3A_2, %mul3A_1612 : i32
        %mul3A_1614 = arith.constant 50 : i32
        %mul3A_1615 = arith.muli %add3A_1613, %mul3A_1614 : i32
        %dma_wait3A_1616 = tpu.memref_slice %arg4[%mul3A_1615] : memref<21299200xf32, #tpu.memory_space<hbm>> -> memref<1600xf32, #tpu.memory_space<hbm>>
        %dma_wait3A_1617 = tpu.memref_slice %arg4[%mul3A_1615] : memref<21299200xf32, #tpu.memory_space<hbm>> -> memref<1600xf32, #tpu.memory_space<hbm>>
        tpu.wait_dma2 semaphore(%arg40 : memref<!tpu.dma_semaphore, #tpu.memory_space<semaphore_mem>>) src(%arg30 : memref<1600xf32, #tpu.memory_space<vmem>>) dst(%dma_wait3A_1617 : memref<1600xf32, #tpu.memory_space<hbm>>)
      } else {
      }
      %add3A_1198 = arith.constant 0 : i32
      %add3A_1199 = vector.broadcast %add3A_1198 : i32 to vector<16xi32>
      %add3A_1200 = arith.addi %iota3A, %add3A_1199 : vector<16xi32>
      %get3A_1201 = arith.constant 0 : index
      %get3A_1202 = tpu.vector_load %arg18[%get3A_1201] {strides = array<i32>} : memref<32xi32, #tpu.memory_space<vmem>>, vector<16xi32>,
      %mul3A_1203 = arith.constant 50 : i32
      %mul3A_1204 = vector.broadcast %mul3A_1203 : i32 to vector<16xi32>
      %mul3A_1205 = arith.muli %add3A_1200, %mul3A_1204 : vector<16xi32>
      %scan3A_1206 = arith.constant 0 : i32
      %scan3A_1207 = arith.constant 50 : i32
      %scan3A_1208 = arith.addi %scan3A_1206, %scan3A_1207 : i32
      %scan3A_1209 = arith.constant 1 : i32
      scf.for %scan3A_1610 = %scan3A_1206 to %scan3A_1208 step %scan3A_1209  : i32 {
        %add3A_1611 = vector.broadcast %scan3A_1610 : i32 to vector<16xi32>
        %add3A_1612 = arith.addi %get3A_1202, %add3A_1611 : vector<16xi32>
        %gather3A = tpu.vector_load_idx %arg26[%add3A_1200, %add3A_1612] : memref<32x200xf32, #tpu.memory_space<vmem>>[vector<16xi32>, vector<16xi32>], vector<16xf32>,
        %add3A_1613 = vector.broadcast %scan3A_1610 : i32 to vector<16xi32>
        %add3A_1614 = arith.addi %mul3A_1205, %add3A_1613 : vector<16xi32>
        tpu.vector_store_idx %arg30[%add3A_1614], %gather3A : memref<1600xf32, #tpu.memory_space<vmem>>[vector<16xi32>], vector<16xf32>,
      }
      %scan3A_1210 = arith.constant 50 : i32
      %add3A_1211 = arith.constant 16 : i32
      %add3A_1212 = vector.broadcast %add3A_1211 : i32 to vector<16xi32>
      %add3A_1213 = arith.addi %iota3A, %add3A_1212 : vector<16xi32>
      %get3A_1214 = arith.constant 16 : index
      %get3A_1215 = tpu.vector_load %arg18[%get3A_1214] {strides = array<i32>} : memref<32xi32, #tpu.memory_space<vmem>>, vector<16xi32>,
      %mul3A_1216 = arith.constant 50 : i32
      %mul3A_1217 = vector.broadcast %mul3A_1216 : i32 to vector<16xi32>
      %mul3A_1218 = arith.muli %add3A_1213, %mul3A_1217 : vector<16xi32>
      %scan3A_1219 = arith.constant 0 : i32
      %scan3A_1220 = arith.constant 50 : i32
      %scan3A_1221 = arith.addi %scan3A_1219, %scan3A_1220 : i32
      %scan3A_1222 = arith.constant 1 : i32
      scf.for %scan3A_1610 = %scan3A_1219 to %scan3A_1221 step %scan3A_1222  : i32 {
        %add3A_1611 = vector.broadcast %scan3A_1610 : i32 to vector<16xi32>
        %add3A_1612 = arith.addi %get3A_1215, %add3A_1611 : vector<16xi32>
        %gather3A = tpu.vector_load_idx %arg26[%add3A_1213, %add3A_1612] : memref<32x200xf32, #tpu.memory_space<vmem>>[vector<16xi32>, vector<16xi32>], vector<16xf32>,
        %add3A_1613 = vector.broadcast %scan3A_1610 : i32 to vector<16xi32>
        %add3A_1614 = arith.addi %mul3A_1218, %add3A_1613 : vector<16xi32>
        tpu.vector_store_idx %arg30[%add3A_1614], %gather3A : memref<1600xf32, #tpu.memory_space<vmem>>[vector<16xi32>], vector<16xf32>,
      }
      %scan3A_1223 = arith.constant 50 : i32
      %mul3A_1224 = arith.constant 32 : i32
      %mul3A_1225 = arith.muli %add3A_1189, %mul3A_1224 : i32
      %add3A_1226 = arith.addi %mul3A_2, %mul3A_1225 : i32
      %mul3A_1227 = arith.constant 50 : i32
      %mul3A_1228 = arith.muli %add3A_1226, %mul3A_1227 : i32
      %dma_start3A_1229 = tpu.memref_slice %arg4[%mul3A_1228] : memref<21299200xf32, #tpu.memory_space<hbm>> -> memref<1600xf32, #tpu.memory_space<hbm>>
      %dma_start3A_1230 = tpu.memref_slice %arg4[%mul3A_1228] : memref<21299200xf32, #tpu.memory_space<hbm>> -> memref<1600xf32, #tpu.memory_space<hbm>>
      tpu.enqueue_dma source(%arg30 : memref<1600xf32, #tpu.memory_space<vmem>>) target(%dma_start3A_1230 : memref<1600xf32, #tpu.memory_space<hbm>>) target_semaphore(%arg40 : memref<!tpu.dma_semaphore, #tpu.memory_space<semaphore_mem>>)
      %add3A_1231 = arith.constant 8 : i32
      %add3A_1232 = arith.addi %add3A_1189, %add3A_1231 : i32
      %mul3A_1233 = arith.constant 32 : i32
      %mul3A_1234 = arith.muli %add3A_1232, %mul3A_1233 : i32
      %add3A_1235 = arith.constant 0 : i32
      %add3A_1236 = arith.addi %mul3A_1234, %add3A_1235 : i32
      %get3A_1237 = arith.index_cast %add3A_1236 : i32 to index
      %get3A_1238 = tpu.vector_load %arg5[%get3A_1237] {strides = array<i32>} : memref<13312xi32, #tpu.memory_space<vmem>>, vector<16xi32>,
      %add3A_1239 = vector.broadcast %add3A_1236 : i32 to vector<16xi32>
      %add3A_1240 = arith.addi %add3A_1239, %iota3A : vector<16xi32>
      %rem3A_1241 = arith.constant 26 : i32
      %rem3A_1242 = vector.broadcast %rem3A_1241 : i32 to vector<16xi32>
      %rem3A_1243 = arith.remsi %add3A_1240, %rem3A_1242 : vector<16xi32>
      %mul3A_1244 = arith.constant 100001 : i32
      %mul3A_1245 = vector.broadcast %mul3A_1244 : i32 to vector<16xi32>
      %mul3A_1246 = arith.muli %rem3A_1243, %mul3A_1245 : vector<16xi32>
      %add3A_1247 = arith.addi %get3A_1238, %mul3A_1246 : vector<16xi32>
      %shift_right_logical3A_1248 = arith.constant 2 : i32
      %shift_right_logical3A_1249 = vector.broadcast %shift_right_logical3A_1248 : i32 to vector<16xi32>
      %shift_right_logical3A_1250 = arith.shrui %add3A_1247, %shift_right_logical3A_1249 : vector<16xi32>
      %swap3A_1251 = arith.constant 0 : index
      %swap3A_1252 = tpu.vector_load %arg10[%swap3A_1251] {strides = array<i32>} : memref<32xi32, #tpu.memory_space<vmem>>, vector<16xi32>,
      tpu.vector_store %arg10[%swap3A_1251], %shift_right_logical3A_1250 {strides = array<i32>} : memref<32xi32, #tpu.memory_space<vmem>>, vector<16xi32>,
      %and3A_1253 = arith.constant 3 : i32
      %and3A_1254 = vector.broadcast %and3A_1253 : i32 to vector<16xi32>
      %and3A_1255 = arith.andi %add3A_1247, %and3A_1254 : vector<16xi32>
      %mul3A_1256 = arith.constant 50 : i32
      %mul3A_1257 = vector.broadcast %mul3A_1256 : i32 to vector<16xi32>
      %mul3A_1258 = arith.muli %and3A_1255, %mul3A_1257 : vector<16xi32>
      %swap3A_1259 = arith.constant 0 : index
      %swap3A_1260 = tpu.vector_load %arg18[%swap3A_1259] {strides = array<i32>} : memref<32xi32, #tpu.memory_space<vmem>>, vector<16xi32>,
      tpu.vector_store %arg18[%swap3A_1259], %mul3A_1258 {strides = array<i32>} : memref<32xi32, #tpu.memory_space<vmem>>, vector<16xi32>,
      %mul3A_1261 = arith.constant 32 : i32
      %mul3A_1262 = arith.muli %add3A_1232, %mul3A_1261 : i32
      %add3A_1263 = arith.constant 16 : i32
      %add3A_1264 = arith.addi %mul3A_1262, %add3A_1263 : i32
      %get3A_1265 = arith.index_cast %add3A_1264 : i32 to index
      %get3A_1266 = tpu.vector_load %arg5[%get3A_1265] {strides = array<i32>} : memref<13312xi32, #tpu.memory_space<vmem>>, vector<16xi32>,
      %add3A_1267 = vector.broadcast %add3A_1264 : i32 to vector<16xi32>
      %add3A_1268 = arith.addi %add3A_1267, %iota3A : vector<16xi32>
      %rem3A_1269 = arith.constant 26 : i32
      %rem3A_1270 = vector.broadcast %rem3A_1269 : i32 to vector<16xi32>
      %rem3A_1271 = arith.remsi %add3A_1268, %rem3A_1270 : vector<16xi32>
      %mul3A_1272 = arith.constant 100001 : i32
      %mul3A_1273 = vector.broadcast %mul3A_1272 : i32 to vector<16xi32>
      %mul3A_1274 = arith.muli %rem3A_1271, %mul3A_1273 : vector<16xi32>
      %add3A_1275 = arith.addi %get3A_1266, %mul3A_1274 : vector<16xi32>
      %shift_right_logical3A_1276 = arith.constant 2 : i32
      %shift_right_logical3A_1277 = vector.broadcast %shift_right_logical3A_1276 : i32 to vector<16xi32>
      %shift_right_logical3A_1278 = arith.shrui %add3A_1275, %shift_right_logical3A_1277 : vector<16xi32>
      %swap3A_1279 = arith.constant 16 : index
      %swap3A_1280 = tpu.vector_load %arg10[%swap3A_1279] {strides = array<i32>} : memref<32xi32, #tpu.memory_space<vmem>>, vector<16xi32>,
      tpu.vector_store %arg10[%swap3A_1279], %shift_right_logical3A_1278 {strides = array<i32>} : memref<32xi32, #tpu.memory_space<vmem>>, vector<16xi32>,
      %and3A_1281 = arith.constant 3 : i32
      %and3A_1282 = vector.broadcast %and3A_1281 : i32 to vector<16xi32>
      %and3A_1283 = arith.andi %add3A_1275, %and3A_1282 : vector<16xi32>
      %mul3A_1284 = arith.constant 50 : i32
      %mul3A_1285 = vector.broadcast %mul3A_1284 : i32 to vector<16xi32>
      %mul3A_1286 = arith.muli %and3A_1283, %mul3A_1285 : vector<16xi32>
      %swap3A_1287 = arith.constant 16 : index
      %swap3A_1288 = tpu.vector_load %arg18[%swap3A_1287] {strides = array<i32>} : memref<32xi32, #tpu.memory_space<vmem>>, vector<16xi32>,
      tpu.vector_store %arg18[%swap3A_1287], %mul3A_1286 {strides = array<i32>} : memref<32xi32, #tpu.memory_space<vmem>>, vector<16xi32>,
      %dma_start3A_1289 = arith.constant 0 : i32
      %dma_start3A_1290 = arith.constant 0 : i32
      %dma_start3A_1291 = tpu.memref_slice %arg2[%dma_start3A_1289, %dma_start3A_1290] : memref<650007x200xf32, #tpu.memory_space<hbm>> -> memref<650007x200xf32, #tpu.memory_space<hbm>>
      tpu.enqueue_indirect_dma source(%dma_start3A_1291 : memref<650007x200xf32, #tpu.memory_space<hbm>>) target(%arg26 : memref<32x200xf32, #tpu.memory_space<vmem>>) offsets(%arg10 : memref<32xi32, #tpu.memory_space<vmem>>) semaphore(%arg36 : memref<!tpu.dma_semaphore, #tpu.memory_space<semaphore_mem>>)
      %mul3A_1292 = arith.constant 8 : i32
      %mul3A_1293 = arith.muli %scan3A_764, %mul3A_1292 : i32
      %add3A_1294 = arith.constant 5 : i32
      %add3A_1295 = arith.addi %mul3A_1293, %add3A_1294 : i32
      %dma_wait3A_1296 = arith.constant 0 : i32
      %dma_wait3A_1297 = arith.constant 0 : i32
      %dma_wait3A_1298 = tpu.memref_slice %arg2[%dma_wait3A_1296, %dma_wait3A_1297] : memref<650007x200xf32, #tpu.memory_space<hbm>> -> memref<650007x200xf32, #tpu.memory_space<hbm>>
      tpu.wait_indirect_dma semaphore(%arg37 : memref<!tpu.dma_semaphore, #tpu.memory_space<semaphore_mem>>) src(%dma_wait3A_1298 : memref<650007x200xf32, #tpu.memory_space<hbm>>) dst(%arg27 : memref<32x200xf32, #tpu.memory_space<vmem>>)
      %ge3A_1299 = arith.constant 2 : i32
      %ge3A_1300 = arith.cmpi sge, %add3A_1295, %ge3A_1299 : i32
      %convert_element_type3A_1301 = arith.extui %ge3A_1300 : i1 to i32
      %cond3A_1302 = arith.constant 0 : i32
      %cond3A_1303 = arith.cmpi ne, %convert_element_type3A_1301, %cond3A_1302 : i32
      scf.if %cond3A_1303 {
        %sub3A = arith.constant 2 : i32
        %sub3A_1610 = arith.subi %add3A_1295, %sub3A : i32
        %mul3A_1611 = arith.constant 32 : i32
        %mul3A_1612 = arith.muli %sub3A_1610, %mul3A_1611 : i32
        %add3A_1613 = arith.addi %mul3A_2, %mul3A_1612 : i32
        %mul3A_1614 = arith.constant 50 : i32
        %mul3A_1615 = arith.muli %add3A_1613, %mul3A_1614 : i32
        %dma_wait3A_1616 = tpu.memref_slice %arg4[%mul3A_1615] : memref<21299200xf32, #tpu.memory_space<hbm>> -> memref<1600xf32, #tpu.memory_space<hbm>>
        %dma_wait3A_1617 = tpu.memref_slice %arg4[%mul3A_1615] : memref<21299200xf32, #tpu.memory_space<hbm>> -> memref<1600xf32, #tpu.memory_space<hbm>>
        tpu.wait_dma2 semaphore(%arg41 : memref<!tpu.dma_semaphore, #tpu.memory_space<semaphore_mem>>) src(%arg31 : memref<1600xf32, #tpu.memory_space<vmem>>) dst(%dma_wait3A_1617 : memref<1600xf32, #tpu.memory_space<hbm>>)
      } else {
      }
      %add3A_1304 = arith.constant 0 : i32
      %add3A_1305 = vector.broadcast %add3A_1304 : i32 to vector<16xi32>
      %add3A_1306 = arith.addi %iota3A, %add3A_1305 : vector<16xi32>
      %get3A_1307 = arith.constant 0 : index
      %get3A_1308 = tpu.vector_load %arg19[%get3A_1307] {strides = array<i32>} : memref<32xi32, #tpu.memory_space<vmem>>, vector<16xi32>,
      %mul3A_1309 = arith.constant 50 : i32
      %mul3A_1310 = vector.broadcast %mul3A_1309 : i32 to vector<16xi32>
      %mul3A_1311 = arith.muli %add3A_1306, %mul3A_1310 : vector<16xi32>
      %scan3A_1312 = arith.constant 0 : i32
      %scan3A_1313 = arith.constant 50 : i32
      %scan3A_1314 = arith.addi %scan3A_1312, %scan3A_1313 : i32
      %scan3A_1315 = arith.constant 1 : i32
      scf.for %scan3A_1610 = %scan3A_1312 to %scan3A_1314 step %scan3A_1315  : i32 {
        %add3A_1611 = vector.broadcast %scan3A_1610 : i32 to vector<16xi32>
        %add3A_1612 = arith.addi %get3A_1308, %add3A_1611 : vector<16xi32>
        %gather3A = tpu.vector_load_idx %arg27[%add3A_1306, %add3A_1612] : memref<32x200xf32, #tpu.memory_space<vmem>>[vector<16xi32>, vector<16xi32>], vector<16xf32>,
        %add3A_1613 = vector.broadcast %scan3A_1610 : i32 to vector<16xi32>
        %add3A_1614 = arith.addi %mul3A_1311, %add3A_1613 : vector<16xi32>
        tpu.vector_store_idx %arg31[%add3A_1614], %gather3A : memref<1600xf32, #tpu.memory_space<vmem>>[vector<16xi32>], vector<16xf32>,
      }
      %scan3A_1316 = arith.constant 50 : i32
      %add3A_1317 = arith.constant 16 : i32
      %add3A_1318 = vector.broadcast %add3A_1317 : i32 to vector<16xi32>
      %add3A_1319 = arith.addi %iota3A, %add3A_1318 : vector<16xi32>
      %get3A_1320 = arith.constant 16 : index
      %get3A_1321 = tpu.vector_load %arg19[%get3A_1320] {strides = array<i32>} : memref<32xi32, #tpu.memory_space<vmem>>, vector<16xi32>,
      %mul3A_1322 = arith.constant 50 : i32
      %mul3A_1323 = vector.broadcast %mul3A_1322 : i32 to vector<16xi32>
      %mul3A_1324 = arith.muli %add3A_1319, %mul3A_1323 : vector<16xi32>
      %scan3A_1325 = arith.constant 0 : i32
      %scan3A_1326 = arith.constant 50 : i32
      %scan3A_1327 = arith.addi %scan3A_1325, %scan3A_1326 : i32
      %scan3A_1328 = arith.constant 1 : i32
      scf.for %scan3A_1610 = %scan3A_1325 to %scan3A_1327 step %scan3A_1328  : i32 {
        %add3A_1611 = vector.broadcast %scan3A_1610 : i32 to vector<16xi32>
        %add3A_1612 = arith.addi %get3A_1321, %add3A_1611 : vector<16xi32>
        %gather3A = tpu.vector_load_idx %arg27[%add3A_1319, %add3A_1612] : memref<32x200xf32, #tpu.memory_space<vmem>>[vector<16xi32>, vector<16xi32>], vector<16xf32>,
        %add3A_1613 = vector.broadcast %scan3A_1610 : i32 to vector<16xi32>
        %add3A_1614 = arith.addi %mul3A_1324, %add3A_1613 : vector<16xi32>
        tpu.vector_store_idx %arg31[%add3A_1614], %gather3A : memref<1600xf32, #tpu.memory_space<vmem>>[vector<16xi32>], vector<16xf32>,
      }
      %scan3A_1329 = arith.constant 50 : i32
      %mul3A_1330 = arith.constant 32 : i32
      %mul3A_1331 = arith.muli %add3A_1295, %mul3A_1330 : i32
      %add3A_1332 = arith.addi %mul3A_2, %mul3A_1331 : i32
      %mul3A_1333 = arith.constant 50 : i32
      %mul3A_1334 = arith.muli %add3A_1332, %mul3A_1333 : i32
      %dma_start3A_1335 = tpu.memref_slice %arg4[%mul3A_1334] : memref<21299200xf32, #tpu.memory_space<hbm>> -> memref<1600xf32, #tpu.memory_space<hbm>>
      %dma_start3A_1336 = tpu.memref_slice %arg4[%mul3A_1334] : memref<21299200xf32, #tpu.memory_space<hbm>> -> memref<1600xf32, #tpu.memory_space<hbm>>
      tpu.enqueue_dma source(%arg31 : memref<1600xf32, #tpu.memory_space<vmem>>) target(%dma_start3A_1336 : memref<1600xf32, #tpu.memory_space<hbm>>) target_semaphore(%arg41 : memref<!tpu.dma_semaphore, #tpu.memory_space<semaphore_mem>>)
      %add3A_1337 = arith.constant 8 : i32
      %add3A_1338 = arith.addi %add3A_1295, %add3A_1337 : i32
      %mul3A_1339 = arith.constant 32 : i32
      %mul3A_1340 = arith.muli %add3A_1338, %mul3A_1339 : i32
      %add3A_1341 = arith.constant 0 : i32
      %add3A_1342 = arith.addi %mul3A_1340, %add3A_1341 : i32
      %get3A_1343 = arith.index_cast %add3A_1342 : i32 to index
      %get3A_1344 = tpu.vector_load %arg5[%get3A_1343] {strides = array<i32>} : memref<13312xi32, #tpu.memory_space<vmem>>, vector<16xi32>,
      %add3A_1345 = vector.broadcast %add3A_1342 : i32 to vector<16xi32>
      %add3A_1346 = arith.addi %add3A_1345, %iota3A : vector<16xi32>
      %rem3A_1347 = arith.constant 26 : i32
      %rem3A_1348 = vector.broadcast %rem3A_1347 : i32 to vector<16xi32>
      %rem3A_1349 = arith.remsi %add3A_1346, %rem3A_1348 : vector<16xi32>
      %mul3A_1350 = arith.constant 100001 : i32
      %mul3A_1351 = vector.broadcast %mul3A_1350 : i32 to vector<16xi32>
      %mul3A_1352 = arith.muli %rem3A_1349, %mul3A_1351 : vector<16xi32>
      %add3A_1353 = arith.addi %get3A_1344, %mul3A_1352 : vector<16xi32>
      %shift_right_logical3A_1354 = arith.constant 2 : i32
      %shift_right_logical3A_1355 = vector.broadcast %shift_right_logical3A_1354 : i32 to vector<16xi32>
      %shift_right_logical3A_1356 = arith.shrui %add3A_1353, %shift_right_logical3A_1355 : vector<16xi32>
      %swap3A_1357 = arith.constant 0 : index
      %swap3A_1358 = tpu.vector_load %arg11[%swap3A_1357] {strides = array<i32>} : memref<32xi32, #tpu.memory_space<vmem>>, vector<16xi32>,
      tpu.vector_store %arg11[%swap3A_1357], %shift_right_logical3A_1356 {strides = array<i32>} : memref<32xi32, #tpu.memory_space<vmem>>, vector<16xi32>,
      %and3A_1359 = arith.constant 3 : i32
      %and3A_1360 = vector.broadcast %and3A_1359 : i32 to vector<16xi32>
      %and3A_1361 = arith.andi %add3A_1353, %and3A_1360 : vector<16xi32>
      %mul3A_1362 = arith.constant 50 : i32
      %mul3A_1363 = vector.broadcast %mul3A_1362 : i32 to vector<16xi32>
      %mul3A_1364 = arith.muli %and3A_1361, %mul3A_1363 : vector<16xi32>
      %swap3A_1365 = arith.constant 0 : index
      %swap3A_1366 = tpu.vector_load %arg19[%swap3A_1365] {strides = array<i32>} : memref<32xi32, #tpu.memory_space<vmem>>, vector<16xi32>,
      tpu.vector_store %arg19[%swap3A_1365], %mul3A_1364 {strides = array<i32>} : memref<32xi32, #tpu.memory_space<vmem>>, vector<16xi32>,
      %mul3A_1367 = arith.constant 32 : i32
      %mul3A_1368 = arith.muli %add3A_1338, %mul3A_1367 : i32
      %add3A_1369 = arith.constant 16 : i32
      %add3A_1370 = arith.addi %mul3A_1368, %add3A_1369 : i32
      %get3A_1371 = arith.index_cast %add3A_1370 : i32 to index
      %get3A_1372 = tpu.vector_load %arg5[%get3A_1371] {strides = array<i32>} : memref<13312xi32, #tpu.memory_space<vmem>>, vector<16xi32>,
      %add3A_1373 = vector.broadcast %add3A_1370 : i32 to vector<16xi32>
      %add3A_1374 = arith.addi %add3A_1373, %iota3A : vector<16xi32>
      %rem3A_1375 = arith.constant 26 : i32
      %rem3A_1376 = vector.broadcast %rem3A_1375 : i32 to vector<16xi32>
      %rem3A_1377 = arith.remsi %add3A_1374, %rem3A_1376 : vector<16xi32>
      %mul3A_1378 = arith.constant 100001 : i32
      %mul3A_1379 = vector.broadcast %mul3A_1378 : i32 to vector<16xi32>
      %mul3A_1380 = arith.muli %rem3A_1377, %mul3A_1379 : vector<16xi32>
      %add3A_1381 = arith.addi %get3A_1372, %mul3A_1380 : vector<16xi32>
      %shift_right_logical3A_1382 = arith.constant 2 : i32
      %shift_right_logical3A_1383 = vector.broadcast %shift_right_logical3A_1382 : i32 to vector<16xi32>
      %shift_right_logical3A_1384 = arith.shrui %add3A_1381, %shift_right_logical3A_1383 : vector<16xi32>
      %swap3A_1385 = arith.constant 16 : index
      %swap3A_1386 = tpu.vector_load %arg11[%swap3A_1385] {strides = array<i32>} : memref<32xi32, #tpu.memory_space<vmem>>, vector<16xi32>,
      tpu.vector_store %arg11[%swap3A_1385], %shift_right_logical3A_1384 {strides = array<i32>} : memref<32xi32, #tpu.memory_space<vmem>>, vector<16xi32>,
      %and3A_1387 = arith.constant 3 : i32
      %and3A_1388 = vector.broadcast %and3A_1387 : i32 to vector<16xi32>
      %and3A_1389 = arith.andi %add3A_1381, %and3A_1388 : vector<16xi32>
      %mul3A_1390 = arith.constant 50 : i32
      %mul3A_1391 = vector.broadcast %mul3A_1390 : i32 to vector<16xi32>
      %mul3A_1392 = arith.muli %and3A_1389, %mul3A_1391 : vector<16xi32>
      %swap3A_1393 = arith.constant 16 : index
      %swap3A_1394 = tpu.vector_load %arg19[%swap3A_1393] {strides = array<i32>} : memref<32xi32, #tpu.memory_space<vmem>>, vector<16xi32>,
      tpu.vector_store %arg19[%swap3A_1393], %mul3A_1392 {strides = array<i32>} : memref<32xi32, #tpu.memory_space<vmem>>, vector<16xi32>,
      %dma_start3A_1395 = arith.constant 0 : i32
      %dma_start3A_1396 = arith.constant 0 : i32
      %dma_start3A_1397 = tpu.memref_slice %arg2[%dma_start3A_1395, %dma_start3A_1396] : memref<650007x200xf32, #tpu.memory_space<hbm>> -> memref<650007x200xf32, #tpu.memory_space<hbm>>
      tpu.enqueue_indirect_dma source(%dma_start3A_1397 : memref<650007x200xf32, #tpu.memory_space<hbm>>) target(%arg27 : memref<32x200xf32, #tpu.memory_space<vmem>>) offsets(%arg11 : memref<32xi32, #tpu.memory_space<vmem>>) semaphore(%arg37 : memref<!tpu.dma_semaphore, #tpu.memory_space<semaphore_mem>>)
      %mul3A_1398 = arith.constant 8 : i32
      %mul3A_1399 = arith.muli %scan3A_764, %mul3A_1398 : i32
      %add3A_1400 = arith.constant 6 : i32
      %add3A_1401 = arith.addi %mul3A_1399, %add3A_1400 : i32
      %dma_wait3A_1402 = arith.constant 0 : i32
      %dma_wait3A_1403 = arith.constant 0 : i32
      %dma_wait3A_1404 = tpu.memref_slice %arg2[%dma_wait3A_1402, %dma_wait3A_1403] : memref<650007x200xf32, #tpu.memory_space<hbm>> -> memref<650007x200xf32, #tpu.memory_space<hbm>>
      tpu.wait_indirect_dma semaphore(%arg38 : memref<!tpu.dma_semaphore, #tpu.memory_space<semaphore_mem>>) src(%dma_wait3A_1404 : memref<650007x200xf32, #tpu.memory_space<hbm>>) dst(%arg28 : memref<32x200xf32, #tpu.memory_space<vmem>>)
      %ge3A_1405 = arith.constant 2 : i32
      %ge3A_1406 = arith.cmpi sge, %add3A_1401, %ge3A_1405 : i32
      %convert_element_type3A_1407 = arith.extui %ge3A_1406 : i1 to i32
      %cond3A_1408 = arith.constant 0 : i32
      %cond3A_1409 = arith.cmpi ne, %convert_element_type3A_1407, %cond3A_1408 : i32
      scf.if %cond3A_1409 {
        %sub3A = arith.constant 2 : i32
        %sub3A_1610 = arith.subi %add3A_1401, %sub3A : i32
        %mul3A_1611 = arith.constant 32 : i32
        %mul3A_1612 = arith.muli %sub3A_1610, %mul3A_1611 : i32
        %add3A_1613 = arith.addi %mul3A_2, %mul3A_1612 : i32
        %mul3A_1614 = arith.constant 50 : i32
        %mul3A_1615 = arith.muli %add3A_1613, %mul3A_1614 : i32
        %dma_wait3A_1616 = tpu.memref_slice %arg4[%mul3A_1615] : memref<21299200xf32, #tpu.memory_space<hbm>> -> memref<1600xf32, #tpu.memory_space<hbm>>
        %dma_wait3A_1617 = tpu.memref_slice %arg4[%mul3A_1615] : memref<21299200xf32, #tpu.memory_space<hbm>> -> memref<1600xf32, #tpu.memory_space<hbm>>
        tpu.wait_dma2 semaphore(%arg40 : memref<!tpu.dma_semaphore, #tpu.memory_space<semaphore_mem>>) src(%arg30 : memref<1600xf32, #tpu.memory_space<vmem>>) dst(%dma_wait3A_1617 : memref<1600xf32, #tpu.memory_space<hbm>>)
      } else {
      }
      %add3A_1410 = arith.constant 0 : i32
      %add3A_1411 = vector.broadcast %add3A_1410 : i32 to vector<16xi32>
      %add3A_1412 = arith.addi %iota3A, %add3A_1411 : vector<16xi32>
      %get3A_1413 = arith.constant 0 : index
      %get3A_1414 = tpu.vector_load %arg20[%get3A_1413] {strides = array<i32>} : memref<32xi32, #tpu.memory_space<vmem>>, vector<16xi32>,
      %mul3A_1415 = arith.constant 50 : i32
      %mul3A_1416 = vector.broadcast %mul3A_1415 : i32 to vector<16xi32>
      %mul3A_1417 = arith.muli %add3A_1412, %mul3A_1416 : vector<16xi32>
      %scan3A_1418 = arith.constant 0 : i32
      %scan3A_1419 = arith.constant 50 : i32
      %scan3A_1420 = arith.addi %scan3A_1418, %scan3A_1419 : i32
      %scan3A_1421 = arith.constant 1 : i32
      scf.for %scan3A_1610 = %scan3A_1418 to %scan3A_1420 step %scan3A_1421  : i32 {
        %add3A_1611 = vector.broadcast %scan3A_1610 : i32 to vector<16xi32>
        %add3A_1612 = arith.addi %get3A_1414, %add3A_1611 : vector<16xi32>
        %gather3A = tpu.vector_load_idx %arg28[%add3A_1412, %add3A_1612] : memref<32x200xf32, #tpu.memory_space<vmem>>[vector<16xi32>, vector<16xi32>], vector<16xf32>,
        %add3A_1613 = vector.broadcast %scan3A_1610 : i32 to vector<16xi32>
        %add3A_1614 = arith.addi %mul3A_1417, %add3A_1613 : vector<16xi32>
        tpu.vector_store_idx %arg30[%add3A_1614], %gather3A : memref<1600xf32, #tpu.memory_space<vmem>>[vector<16xi32>], vector<16xf32>,
      }
      %scan3A_1422 = arith.constant 50 : i32
      %add3A_1423 = arith.constant 16 : i32
      %add3A_1424 = vector.broadcast %add3A_1423 : i32 to vector<16xi32>
      %add3A_1425 = arith.addi %iota3A, %add3A_1424 : vector<16xi32>
      %get3A_1426 = arith.constant 16 : index
      %get3A_1427 = tpu.vector_load %arg20[%get3A_1426] {strides = array<i32>} : memref<32xi32, #tpu.memory_space<vmem>>, vector<16xi32>,
      %mul3A_1428 = arith.constant 50 : i32
      %mul3A_1429 = vector.broadcast %mul3A_1428 : i32 to vector<16xi32>
      %mul3A_1430 = arith.muli %add3A_1425, %mul3A_1429 : vector<16xi32>
      %scan3A_1431 = arith.constant 0 : i32
      %scan3A_1432 = arith.constant 50 : i32
      %scan3A_1433 = arith.addi %scan3A_1431, %scan3A_1432 : i32
      %scan3A_1434 = arith.constant 1 : i32
      scf.for %scan3A_1610 = %scan3A_1431 to %scan3A_1433 step %scan3A_1434  : i32 {
        %add3A_1611 = vector.broadcast %scan3A_1610 : i32 to vector<16xi32>
        %add3A_1612 = arith.addi %get3A_1427, %add3A_1611 : vector<16xi32>
        %gather3A = tpu.vector_load_idx %arg28[%add3A_1425, %add3A_1612] : memref<32x200xf32, #tpu.memory_space<vmem>>[vector<16xi32>, vector<16xi32>], vector<16xf32>,
        %add3A_1613 = vector.broadcast %scan3A_1610 : i32 to vector<16xi32>
        %add3A_1614 = arith.addi %mul3A_1430, %add3A_1613 : vector<16xi32>
        tpu.vector_store_idx %arg30[%add3A_1614], %gather3A : memref<1600xf32, #tpu.memory_space<vmem>>[vector<16xi32>], vector<16xf32>,
      }
      %scan3A_1435 = arith.constant 50 : i32
      %mul3A_1436 = arith.constant 32 : i32
      %mul3A_1437 = arith.muli %add3A_1401, %mul3A_1436 : i32
      %add3A_1438 = arith.addi %mul3A_2, %mul3A_1437 : i32
      %mul3A_1439 = arith.constant 50 : i32
      %mul3A_1440 = arith.muli %add3A_1438, %mul3A_1439 : i32
      %dma_start3A_1441 = tpu.memref_slice %arg4[%mul3A_1440] : memref<21299200xf32, #tpu.memory_space<hbm>> -> memref<1600xf32, #tpu.memory_space<hbm>>
      %dma_start3A_1442 = tpu.memref_slice %arg4[%mul3A_1440] : memref<21299200xf32, #tpu.memory_space<hbm>> -> memref<1600xf32, #tpu.memory_space<hbm>>
      tpu.enqueue_dma source(%arg30 : memref<1600xf32, #tpu.memory_space<vmem>>) target(%dma_start3A_1442 : memref<1600xf32, #tpu.memory_space<hbm>>) target_semaphore(%arg40 : memref<!tpu.dma_semaphore, #tpu.memory_space<semaphore_mem>>)
      %add3A_1443 = arith.constant 8 : i32
      %add3A_1444 = arith.addi %add3A_1401, %add3A_1443 : i32
      %mul3A_1445 = arith.constant 32 : i32
      %mul3A_1446 = arith.muli %add3A_1444, %mul3A_1445 : i32
      %add3A_1447 = arith.constant 0 : i32
      %add3A_1448 = arith.addi %mul3A_1446, %add3A_1447 : i32
      %get3A_1449 = arith.index_cast %add3A_1448 : i32 to index
      %get3A_1450 = tpu.vector_load %arg5[%get3A_1449] {strides = array<i32>} : memref<13312xi32, #tpu.memory_space<vmem>>, vector<16xi32>,
      %add3A_1451 = vector.broadcast %add3A_1448 : i32 to vector<16xi32>
      %add3A_1452 = arith.addi %add3A_1451, %iota3A : vector<16xi32>
      %rem3A_1453 = arith.constant 26 : i32
      %rem3A_1454 = vector.broadcast %rem3A_1453 : i32 to vector<16xi32>
      %rem3A_1455 = arith.remsi %add3A_1452, %rem3A_1454 : vector<16xi32>
      %mul3A_1456 = arith.constant 100001 : i32
      %mul3A_1457 = vector.broadcast %mul3A_1456 : i32 to vector<16xi32>
      %mul3A_1458 = arith.muli %rem3A_1455, %mul3A_1457 : vector<16xi32>
      %add3A_1459 = arith.addi %get3A_1450, %mul3A_1458 : vector<16xi32>
      %shift_right_logical3A_1460 = arith.constant 2 : i32
      %shift_right_logical3A_1461 = vector.broadcast %shift_right_logical3A_1460 : i32 to vector<16xi32>
      %shift_right_logical3A_1462 = arith.shrui %add3A_1459, %shift_right_logical3A_1461 : vector<16xi32>
      %swap3A_1463 = arith.constant 0 : index
      %swap3A_1464 = tpu.vector_load %arg12[%swap3A_1463] {strides = array<i32>} : memref<32xi32, #tpu.memory_space<vmem>>, vector<16xi32>,
      tpu.vector_store %arg12[%swap3A_1463], %shift_right_logical3A_1462 {strides = array<i32>} : memref<32xi32, #tpu.memory_space<vmem>>, vector<16xi32>,
      %and3A_1465 = arith.constant 3 : i32
      %and3A_1466 = vector.broadcast %and3A_1465 : i32 to vector<16xi32>
      %and3A_1467 = arith.andi %add3A_1459, %and3A_1466 : vector<16xi32>
      %mul3A_1468 = arith.constant 50 : i32
      %mul3A_1469 = vector.broadcast %mul3A_1468 : i32 to vector<16xi32>
      %mul3A_1470 = arith.muli %and3A_1467, %mul3A_1469 : vector<16xi32>
      %swap3A_1471 = arith.constant 0 : index
      %swap3A_1472 = tpu.vector_load %arg20[%swap3A_1471] {strides = array<i32>} : memref<32xi32, #tpu.memory_space<vmem>>, vector<16xi32>,
      tpu.vector_store %arg20[%swap3A_1471], %mul3A_1470 {strides = array<i32>} : memref<32xi32, #tpu.memory_space<vmem>>, vector<16xi32>,
      %mul3A_1473 = arith.constant 32 : i32
      %mul3A_1474 = arith.muli %add3A_1444, %mul3A_1473 : i32
      %add3A_1475 = arith.constant 16 : i32
      %add3A_1476 = arith.addi %mul3A_1474, %add3A_1475 : i32
      %get3A_1477 = arith.index_cast %add3A_1476 : i32 to index
      %get3A_1478 = tpu.vector_load %arg5[%get3A_1477] {strides = array<i32>} : memref<13312xi32, #tpu.memory_space<vmem>>, vector<16xi32>,
      %add3A_1479 = vector.broadcast %add3A_1476 : i32 to vector<16xi32>
      %add3A_1480 = arith.addi %add3A_1479, %iota3A : vector<16xi32>
      %rem3A_1481 = arith.constant 26 : i32
      %rem3A_1482 = vector.broadcast %rem3A_1481 : i32 to vector<16xi32>
      %rem3A_1483 = arith.remsi %add3A_1480, %rem3A_1482 : vector<16xi32>
      %mul3A_1484 = arith.constant 100001 : i32
      %mul3A_1485 = vector.broadcast %mul3A_1484 : i32 to vector<16xi32>
      %mul3A_1486 = arith.muli %rem3A_1483, %mul3A_1485 : vector<16xi32>
      %add3A_1487 = arith.addi %get3A_1478, %mul3A_1486 : vector<16xi32>
      %shift_right_logical3A_1488 = arith.constant 2 : i32
      %shift_right_logical3A_1489 = vector.broadcast %shift_right_logical3A_1488 : i32 to vector<16xi32>
      %shift_right_logical3A_1490 = arith.shrui %add3A_1487, %shift_right_logical3A_1489 : vector<16xi32>
      %swap3A_1491 = arith.constant 16 : index
      %swap3A_1492 = tpu.vector_load %arg12[%swap3A_1491] {strides = array<i32>} : memref<32xi32, #tpu.memory_space<vmem>>, vector<16xi32>,
      tpu.vector_store %arg12[%swap3A_1491], %shift_right_logical3A_1490 {strides = array<i32>} : memref<32xi32, #tpu.memory_space<vmem>>, vector<16xi32>,
      %and3A_1493 = arith.constant 3 : i32
      %and3A_1494 = vector.broadcast %and3A_1493 : i32 to vector<16xi32>
      %and3A_1495 = arith.andi %add3A_1487, %and3A_1494 : vector<16xi32>
      %mul3A_1496 = arith.constant 50 : i32
      %mul3A_1497 = vector.broadcast %mul3A_1496 : i32 to vector<16xi32>
      %mul3A_1498 = arith.muli %and3A_1495, %mul3A_1497 : vector<16xi32>
      %swap3A_1499 = arith.constant 16 : index
      %swap3A_1500 = tpu.vector_load %arg20[%swap3A_1499] {strides = array<i32>} : memref<32xi32, #tpu.memory_space<vmem>>, vector<16xi32>,
      tpu.vector_store %arg20[%swap3A_1499], %mul3A_1498 {strides = array<i32>} : memref<32xi32, #tpu.memory_space<vmem>>, vector<16xi32>,
      %dma_start3A_1501 = arith.constant 0 : i32
      %dma_start3A_1502 = arith.constant 0 : i32
      %dma_start3A_1503 = tpu.memref_slice %arg2[%dma_start3A_1501, %dma_start3A_1502] : memref<650007x200xf32, #tpu.memory_space<hbm>> -> memref<650007x200xf32, #tpu.memory_space<hbm>>
      tpu.enqueue_indirect_dma source(%dma_start3A_1503 : memref<650007x200xf32, #tpu.memory_space<hbm>>) target(%arg28 : memref<32x200xf32, #tpu.memory_space<vmem>>) offsets(%arg12 : memref<32xi32, #tpu.memory_space<vmem>>) semaphore(%arg38 : memref<!tpu.dma_semaphore, #tpu.memory_space<semaphore_mem>>)
      %mul3A_1504 = arith.constant 8 : i32
      %mul3A_1505 = arith.muli %scan3A_764, %mul3A_1504 : i32
      %add3A_1506 = arith.constant 7 : i32
      %add3A_1507 = arith.addi %mul3A_1505, %add3A_1506 : i32
      %dma_wait3A_1508 = arith.constant 0 : i32
      %dma_wait3A_1509 = arith.constant 0 : i32
      %dma_wait3A_1510 = tpu.memref_slice %arg2[%dma_wait3A_1508, %dma_wait3A_1509] : memref<650007x200xf32, #tpu.memory_space<hbm>> -> memref<650007x200xf32, #tpu.memory_space<hbm>>
      tpu.wait_indirect_dma semaphore(%arg39 : memref<!tpu.dma_semaphore, #tpu.memory_space<semaphore_mem>>) src(%dma_wait3A_1510 : memref<650007x200xf32, #tpu.memory_space<hbm>>) dst(%arg29 : memref<32x200xf32, #tpu.memory_space<vmem>>)
      %ge3A_1511 = arith.constant 2 : i32
      %ge3A_1512 = arith.cmpi sge, %add3A_1507, %ge3A_1511 : i32
      %convert_element_type3A_1513 = arith.extui %ge3A_1512 : i1 to i32
      %cond3A_1514 = arith.constant 0 : i32
      %cond3A_1515 = arith.cmpi ne, %convert_element_type3A_1513, %cond3A_1514 : i32
      scf.if %cond3A_1515 {
        %sub3A = arith.constant 2 : i32
        %sub3A_1610 = arith.subi %add3A_1507, %sub3A : i32
        %mul3A_1611 = arith.constant 32 : i32
        %mul3A_1612 = arith.muli %sub3A_1610, %mul3A_1611 : i32
        %add3A_1613 = arith.addi %mul3A_2, %mul3A_1612 : i32
        %mul3A_1614 = arith.constant 50 : i32
        %mul3A_1615 = arith.muli %add3A_1613, %mul3A_1614 : i32
        %dma_wait3A_1616 = tpu.memref_slice %arg4[%mul3A_1615] : memref<21299200xf32, #tpu.memory_space<hbm>> -> memref<1600xf32, #tpu.memory_space<hbm>>
        %dma_wait3A_1617 = tpu.memref_slice %arg4[%mul3A_1615] : memref<21299200xf32, #tpu.memory_space<hbm>> -> memref<1600xf32, #tpu.memory_space<hbm>>
        tpu.wait_dma2 semaphore(%arg41 : memref<!tpu.dma_semaphore, #tpu.memory_space<semaphore_mem>>) src(%arg31 : memref<1600xf32, #tpu.memory_space<vmem>>) dst(%dma_wait3A_1617 : memref<1600xf32, #tpu.memory_space<hbm>>)
      } else {
      }
      %add3A_1516 = arith.constant 0 : i32
      %add3A_1517 = vector.broadcast %add3A_1516 : i32 to vector<16xi32>
      %add3A_1518 = arith.addi %iota3A, %add3A_1517 : vector<16xi32>
      %get3A_1519 = arith.constant 0 : index
      %get3A_1520 = tpu.vector_load %arg21[%get3A_1519] {strides = array<i32>} : memref<32xi32, #tpu.memory_space<vmem>>, vector<16xi32>,
      %mul3A_1521 = arith.constant 50 : i32
      %mul3A_1522 = vector.broadcast %mul3A_1521 : i32 to vector<16xi32>
      %mul3A_1523 = arith.muli %add3A_1518, %mul3A_1522 : vector<16xi32>
      %scan3A_1524 = arith.constant 0 : i32
      %scan3A_1525 = arith.constant 50 : i32
      %scan3A_1526 = arith.addi %scan3A_1524, %scan3A_1525 : i32
      %scan3A_1527 = arith.constant 1 : i32
      scf.for %scan3A_1610 = %scan3A_1524 to %scan3A_1526 step %scan3A_1527  : i32 {
        %add3A_1611 = vector.broadcast %scan3A_1610 : i32 to vector<16xi32>
        %add3A_1612 = arith.addi %get3A_1520, %add3A_1611 : vector<16xi32>
        %gather3A = tpu.vector_load_idx %arg29[%add3A_1518, %add3A_1612] : memref<32x200xf32, #tpu.memory_space<vmem>>[vector<16xi32>, vector<16xi32>], vector<16xf32>,
        %add3A_1613 = vector.broadcast %scan3A_1610 : i32 to vector<16xi32>
        %add3A_1614 = arith.addi %mul3A_1523, %add3A_1613 : vector<16xi32>
        tpu.vector_store_idx %arg31[%add3A_1614], %gather3A : memref<1600xf32, #tpu.memory_space<vmem>>[vector<16xi32>], vector<16xf32>,
      }
      %scan3A_1528 = arith.constant 50 : i32
      %add3A_1529 = arith.constant 16 : i32
      %add3A_1530 = vector.broadcast %add3A_1529 : i32 to vector<16xi32>
      %add3A_1531 = arith.addi %iota3A, %add3A_1530 : vector<16xi32>
      %get3A_1532 = arith.constant 16 : index
      %get3A_1533 = tpu.vector_load %arg21[%get3A_1532] {strides = array<i32>} : memref<32xi32, #tpu.memory_space<vmem>>, vector<16xi32>,
      %mul3A_1534 = arith.constant 50 : i32
      %mul3A_1535 = vector.broadcast %mul3A_1534 : i32 to vector<16xi32>
      %mul3A_1536 = arith.muli %add3A_1531, %mul3A_1535 : vector<16xi32>
      %scan3A_1537 = arith.constant 0 : i32
      %scan3A_1538 = arith.constant 50 : i32
      %scan3A_1539 = arith.addi %scan3A_1537, %scan3A_1538 : i32
      %scan3A_1540 = arith.constant 1 : i32
      scf.for %scan3A_1610 = %scan3A_1537 to %scan3A_1539 step %scan3A_1540  : i32 {
        %add3A_1611 = vector.broadcast %scan3A_1610 : i32 to vector<16xi32>
        %add3A_1612 = arith.addi %get3A_1533, %add3A_1611 : vector<16xi32>
        %gather3A = tpu.vector_load_idx %arg29[%add3A_1531, %add3A_1612] : memref<32x200xf32, #tpu.memory_space<vmem>>[vector<16xi32>, vector<16xi32>], vector<16xf32>,
        %add3A_1613 = vector.broadcast %scan3A_1610 : i32 to vector<16xi32>
        %add3A_1614 = arith.addi %mul3A_1536, %add3A_1613 : vector<16xi32>
        tpu.vector_store_idx %arg31[%add3A_1614], %gather3A : memref<1600xf32, #tpu.memory_space<vmem>>[vector<16xi32>], vector<16xf32>,
      }
      %scan3A_1541 = arith.constant 50 : i32
      %mul3A_1542 = arith.constant 32 : i32
      %mul3A_1543 = arith.muli %add3A_1507, %mul3A_1542 : i32
      %add3A_1544 = arith.addi %mul3A_2, %mul3A_1543 : i32
      %mul3A_1545 = arith.constant 50 : i32
      %mul3A_1546 = arith.muli %add3A_1544, %mul3A_1545 : i32
      %dma_start3A_1547 = tpu.memref_slice %arg4[%mul3A_1546] : memref<21299200xf32, #tpu.memory_space<hbm>> -> memref<1600xf32, #tpu.memory_space<hbm>>
      %dma_start3A_1548 = tpu.memref_slice %arg4[%mul3A_1546] : memref<21299200xf32, #tpu.memory_space<hbm>> -> memref<1600xf32, #tpu.memory_space<hbm>>
      tpu.enqueue_dma source(%arg31 : memref<1600xf32, #tpu.memory_space<vmem>>) target(%dma_start3A_1548 : memref<1600xf32, #tpu.memory_space<hbm>>) target_semaphore(%arg41 : memref<!tpu.dma_semaphore, #tpu.memory_space<semaphore_mem>>)
      %add3A_1549 = arith.constant 8 : i32
      %add3A_1550 = arith.addi %add3A_1507, %add3A_1549 : i32
      %mul3A_1551 = arith.constant 32 : i32
      %mul3A_1552 = arith.muli %add3A_1550, %mul3A_1551 : i32
      %add3A_1553 = arith.constant 0 : i32
      %add3A_1554 = arith.addi %mul3A_1552, %add3A_1553 : i32
      %get3A_1555 = arith.index_cast %add3A_1554 : i32 to index
      %get3A_1556 = tpu.vector_load %arg5[%get3A_1555] {strides = array<i32>} : memref<13312xi32, #tpu.memory_space<vmem>>, vector<16xi32>,
      %add3A_1557 = vector.broadcast %add3A_1554 : i32 to vector<16xi32>
      %add3A_1558 = arith.addi %add3A_1557, %iota3A : vector<16xi32>
      %rem3A_1559 = arith.constant 26 : i32
      %rem3A_1560 = vector.broadcast %rem3A_1559 : i32 to vector<16xi32>
      %rem3A_1561 = arith.remsi %add3A_1558, %rem3A_1560 : vector<16xi32>
      %mul3A_1562 = arith.constant 100001 : i32
      %mul3A_1563 = vector.broadcast %mul3A_1562 : i32 to vector<16xi32>
      %mul3A_1564 = arith.muli %rem3A_1561, %mul3A_1563 : vector<16xi32>
      %add3A_1565 = arith.addi %get3A_1556, %mul3A_1564 : vector<16xi32>
      %shift_right_logical3A_1566 = arith.constant 2 : i32
      %shift_right_logical3A_1567 = vector.broadcast %shift_right_logical3A_1566 : i32 to vector<16xi32>
      %shift_right_logical3A_1568 = arith.shrui %add3A_1565, %shift_right_logical3A_1567 : vector<16xi32>
      %swap3A_1569 = arith.constant 0 : index
      %swap3A_1570 = tpu.vector_load %arg13[%swap3A_1569] {strides = array<i32>} : memref<32xi32, #tpu.memory_space<vmem>>, vector<16xi32>,
      tpu.vector_store %arg13[%swap3A_1569], %shift_right_logical3A_1568 {strides = array<i32>} : memref<32xi32, #tpu.memory_space<vmem>>, vector<16xi32>,
      %and3A_1571 = arith.constant 3 : i32
      %and3A_1572 = vector.broadcast %and3A_1571 : i32 to vector<16xi32>
      %and3A_1573 = arith.andi %add3A_1565, %and3A_1572 : vector<16xi32>
      %mul3A_1574 = arith.constant 50 : i32
      %mul3A_1575 = vector.broadcast %mul3A_1574 : i32 to vector<16xi32>
      %mul3A_1576 = arith.muli %and3A_1573, %mul3A_1575 : vector<16xi32>
      %swap3A_1577 = arith.constant 0 : index
      %swap3A_1578 = tpu.vector_load %arg21[%swap3A_1577] {strides = array<i32>} : memref<32xi32, #tpu.memory_space<vmem>>, vector<16xi32>,
      tpu.vector_store %arg21[%swap3A_1577], %mul3A_1576 {strides = array<i32>} : memref<32xi32, #tpu.memory_space<vmem>>, vector<16xi32>,
      %mul3A_1579 = arith.constant 32 : i32
      %mul3A_1580 = arith.muli %add3A_1550, %mul3A_1579 : i32
      %add3A_1581 = arith.constant 16 : i32
      %add3A_1582 = arith.addi %mul3A_1580, %add3A_1581 : i32
      %get3A_1583 = arith.index_cast %add3A_1582 : i32 to index
      %get3A_1584 = tpu.vector_load %arg5[%get3A_1583] {strides = array<i32>} : memref<13312xi32, #tpu.memory_space<vmem>>, vector<16xi32>,
      %add3A_1585 = vector.broadcast %add3A_1582 : i32 to vector<16xi32>
      %add3A_1586 = arith.addi %add3A_1585, %iota3A : vector<16xi32>
      %rem3A_1587 = arith.constant 26 : i32
      %rem3A_1588 = vector.broadcast %rem3A_1587 : i32 to vector<16xi32>
      %rem3A_1589 = arith.remsi %add3A_1586, %rem3A_1588 : vector<16xi32>
      %mul3A_1590 = arith.constant 100001 : i32
      %mul3A_1591 = vector.broadcast %mul3A_1590 : i32 to vector<16xi32>
      %mul3A_1592 = arith.muli %rem3A_1589, %mul3A_1591 : vector<16xi32>
      %add3A_1593 = arith.addi %get3A_1584, %mul3A_1592 : vector<16xi32>
      %shift_right_logical3A_1594 = arith.constant 2 : i32
      %shift_right_logical3A_1595 = vector.broadcast %shift_right_logical3A_1594 : i32 to vector<16xi32>
      %shift_right_logical3A_1596 = arith.shrui %add3A_1593, %shift_right_logical3A_1595 : vector<16xi32>
      %swap3A_1597 = arith.constant 16 : index
      %swap3A_1598 = tpu.vector_load %arg13[%swap3A_1597] {strides = array<i32>} : memref<32xi32, #tpu.memory_space<vmem>>, vector<16xi32>,
      tpu.vector_store %arg13[%swap3A_1597], %shift_right_logical3A_1596 {strides = array<i32>} : memref<32xi32, #tpu.memory_space<vmem>>, vector<16xi32>,
      %and3A_1599 = arith.constant 3 : i32
      %and3A_1600 = vector.broadcast %and3A_1599 : i32 to vector<16xi32>
      %and3A_1601 = arith.andi %add3A_1593, %and3A_1600 : vector<16xi32>
      %mul3A_1602 = arith.constant 50 : i32
      %mul3A_1603 = vector.broadcast %mul3A_1602 : i32 to vector<16xi32>
      %mul3A_1604 = arith.muli %and3A_1601, %mul3A_1603 : vector<16xi32>
      %swap3A_1605 = arith.constant 16 : index
      %swap3A_1606 = tpu.vector_load %arg21[%swap3A_1605] {strides = array<i32>} : memref<32xi32, #tpu.memory_space<vmem>>, vector<16xi32>,
      tpu.vector_store %arg21[%swap3A_1605], %mul3A_1604 {strides = array<i32>} : memref<32xi32, #tpu.memory_space<vmem>>, vector<16xi32>,
      %dma_start3A_1607 = arith.constant 0 : i32
      %dma_start3A_1608 = arith.constant 0 : i32
      %dma_start3A_1609 = tpu.memref_slice %arg2[%dma_start3A_1607, %dma_start3A_1608] : memref<650007x200xf32, #tpu.memory_space<hbm>> -> memref<650007x200xf32, #tpu.memory_space<hbm>>
      tpu.enqueue_indirect_dma source(%dma_start3A_1609 : memref<650007x200xf32, #tpu.memory_space<hbm>>) target(%arg29 : memref<32x200xf32, #tpu.memory_space<vmem>>) offsets(%arg13 : memref<32xi32, #tpu.memory_space<vmem>>) semaphore(%arg39 : memref<!tpu.dma_semaphore, #tpu.memory_space<semaphore_mem>>)
    }
    %scan3A_424 = arith.constant 51 : i32
    %dma_wait3A = arith.constant 0 : i32
    %dma_wait3A_425 = arith.constant 0 : i32
    %dma_wait3A_426 = tpu.memref_slice %arg2[%dma_wait3A, %dma_wait3A_425] : memref<650007x200xf32, #tpu.memory_space<hbm>> -> memref<650007x200xf32, #tpu.memory_space<hbm>>
    tpu.wait_indirect_dma semaphore(%arg32 : memref<!tpu.dma_semaphore, #tpu.memory_space<semaphore_mem>>) src(%dma_wait3A_426 : memref<650007x200xf32, #tpu.memory_space<hbm>>) dst(%arg22 : memref<32x200xf32, #tpu.memory_space<vmem>>)
    %add3A_427 = arith.constant 12992 : i32
    %add3A_428 = arith.addi %mul3A_2, %add3A_427 : i32
    %mul3A_429 = arith.constant 50 : i32
    %mul3A_430 = arith.muli %add3A_428, %mul3A_429 : i32
    %dma_wait3A_431 = tpu.memref_slice %arg4[%mul3A_430] : memref<21299200xf32, #tpu.memory_space<hbm>> -> memref<1600xf32, #tpu.memory_space<hbm>>
    %dma_wait3A_432 = tpu.memref_slice %arg4[%mul3A_430] : memref<21299200xf32, #tpu.memory_space<hbm>> -> memref<1600xf32, #tpu.memory_space<hbm>>
    tpu.wait_dma2 semaphore(%arg40 : memref<!tpu.dma_semaphore, #tpu.memory_space<semaphore_mem>>) src(%arg30 : memref<1600xf32, #tpu.memory_space<vmem>>) dst(%dma_wait3A_432 : memref<1600xf32, #tpu.memory_space<hbm>>)
    %add3A_433 = arith.constant 0 : i32
    %add3A_434 = vector.broadcast %add3A_433 : i32 to vector<16xi32>
    %add3A_435 = arith.addi %iota3A, %add3A_434 : vector<16xi32>
    %get3A_436 = arith.constant 0 : index
    %get3A_437 = tpu.vector_load %arg14[%get3A_436] {strides = array<i32>} : memref<32xi32, #tpu.memory_space<vmem>>, vector<16xi32>,
    %mul3A_438 = arith.constant 50 : i32
    %mul3A_439 = vector.broadcast %mul3A_438 : i32 to vector<16xi32>
    %mul3A_440 = arith.muli %add3A_435, %mul3A_439 : vector<16xi32>
    %scan3A_441 = arith.constant 0 : i32
    %scan3A_442 = arith.constant 50 : i32
    %scan3A_443 = arith.addi %scan3A_441, %scan3A_442 : i32
    %scan3A_444 = arith.constant 1 : i32
    scf.for %scan3A_764 = %scan3A_441 to %scan3A_443 step %scan3A_444  : i32 {
      %add3A_765 = vector.broadcast %scan3A_764 : i32 to vector<16xi32>
      %add3A_766 = arith.addi %get3A_437, %add3A_765 : vector<16xi32>
      %gather3A = tpu.vector_load_idx %arg22[%add3A_435, %add3A_766] : memref<32x200xf32, #tpu.memory_space<vmem>>[vector<16xi32>, vector<16xi32>], vector<16xf32>,
      %add3A_767 = vector.broadcast %scan3A_764 : i32 to vector<16xi32>
      %add3A_768 = arith.addi %mul3A_440, %add3A_767 : vector<16xi32>
      tpu.vector_store_idx %arg30[%add3A_768], %gather3A : memref<1600xf32, #tpu.memory_space<vmem>>[vector<16xi32>], vector<16xf32>,
    }
    %scan3A_445 = arith.constant 50 : i32
    %add3A_446 = arith.constant 16 : i32
    %add3A_447 = vector.broadcast %add3A_446 : i32 to vector<16xi32>
    %add3A_448 = arith.addi %iota3A, %add3A_447 : vector<16xi32>
    %get3A_449 = arith.constant 16 : index
    %get3A_450 = tpu.vector_load %arg14[%get3A_449] {strides = array<i32>} : memref<32xi32, #tpu.memory_space<vmem>>, vector<16xi32>,
    %mul3A_451 = arith.constant 50 : i32
    %mul3A_452 = vector.broadcast %mul3A_451 : i32 to vector<16xi32>
    %mul3A_453 = arith.muli %add3A_448, %mul3A_452 : vector<16xi32>
    %scan3A_454 = arith.constant 0 : i32
    %scan3A_455 = arith.constant 50 : i32
    %scan3A_456 = arith.addi %scan3A_454, %scan3A_455 : i32
    %scan3A_457 = arith.constant 1 : i32
    scf.for %scan3A_764 = %scan3A_454 to %scan3A_456 step %scan3A_457  : i32 {
      %add3A_765 = vector.broadcast %scan3A_764 : i32 to vector<16xi32>
      %add3A_766 = arith.addi %get3A_450, %add3A_765 : vector<16xi32>
      %gather3A = tpu.vector_load_idx %arg22[%add3A_448, %add3A_766] : memref<32x200xf32, #tpu.memory_space<vmem>>[vector<16xi32>, vector<16xi32>], vector<16xf32>,
      %add3A_767 = vector.broadcast %scan3A_764 : i32 to vector<16xi32>
      %add3A_768 = arith.addi %mul3A_453, %add3A_767 : vector<16xi32>
      tpu.vector_store_idx %arg30[%add3A_768], %gather3A : memref<1600xf32, #tpu.memory_space<vmem>>[vector<16xi32>], vector<16xf32>,
    }
    %scan3A_458 = arith.constant 50 : i32
    %add3A_459 = arith.constant 13056 : i32
    %add3A_460 = arith.addi %mul3A_2, %add3A_459 : i32
    %mul3A_461 = arith.constant 50 : i32
    %mul3A_462 = arith.muli %add3A_460, %mul3A_461 : i32
    %dma_start3A_463 = tpu.memref_slice %arg4[%mul3A_462] : memref<21299200xf32, #tpu.memory_space<hbm>> -> memref<1600xf32, #tpu.memory_space<hbm>>
    %dma_start3A_464 = tpu.memref_slice %arg4[%mul3A_462] : memref<21299200xf32, #tpu.memory_space<hbm>> -> memref<1600xf32, #tpu.memory_space<hbm>>
    tpu.enqueue_dma source(%arg30 : memref<1600xf32, #tpu.memory_space<vmem>>) target(%dma_start3A_464 : memref<1600xf32, #tpu.memory_space<hbm>>) target_semaphore(%arg40 : memref<!tpu.dma_semaphore, #tpu.memory_space<semaphore_mem>>)
    %dma_wait3A_465 = arith.constant 0 : i32
    %dma_wait3A_466 = arith.constant 0 : i32
    %dma_wait3A_467 = tpu.memref_slice %arg2[%dma_wait3A_465, %dma_wait3A_466] : memref<650007x200xf32, #tpu.memory_space<hbm>> -> memref<650007x200xf32, #tpu.memory_space<hbm>>
    tpu.wait_indirect_dma semaphore(%arg33 : memref<!tpu.dma_semaphore, #tpu.memory_space<semaphore_mem>>) src(%dma_wait3A_467 : memref<650007x200xf32, #tpu.memory_space<hbm>>) dst(%arg23 : memref<32x200xf32, #tpu.memory_space<vmem>>)
    %add3A_468 = arith.constant 13024 : i32
    %add3A_469 = arith.addi %mul3A_2, %add3A_468 : i32
    %mul3A_470 = arith.constant 50 : i32
    %mul3A_471 = arith.muli %add3A_469, %mul3A_470 : i32
    %dma_wait3A_472 = tpu.memref_slice %arg4[%mul3A_471] : memref<21299200xf32, #tpu.memory_space<hbm>> -> memref<1600xf32, #tpu.memory_space<hbm>>
    %dma_wait3A_473 = tpu.memref_slice %arg4[%mul3A_471] : memref<21299200xf32, #tpu.memory_space<hbm>> -> memref<1600xf32, #tpu.memory_space<hbm>>
    tpu.wait_dma2 semaphore(%arg41 : memref<!tpu.dma_semaphore, #tpu.memory_space<semaphore_mem>>) src(%arg31 : memref<1600xf32, #tpu.memory_space<vmem>>) dst(%dma_wait3A_473 : memref<1600xf32, #tpu.memory_space<hbm>>)
    %add3A_474 = arith.constant 0 : i32
    %add3A_475 = vector.broadcast %add3A_474 : i32 to vector<16xi32>
    %add3A_476 = arith.addi %iota3A, %add3A_475 : vector<16xi32>
    %get3A_477 = arith.constant 0 : index
    %get3A_478 = tpu.vector_load %arg15[%get3A_477] {strides = array<i32>} : memref<32xi32, #tpu.memory_space<vmem>>, vector<16xi32>,
    %mul3A_479 = arith.constant 50 : i32
    %mul3A_480 = vector.broadcast %mul3A_479 : i32 to vector<16xi32>
    %mul3A_481 = arith.muli %add3A_476, %mul3A_480 : vector<16xi32>
    %scan3A_482 = arith.constant 0 : i32
    %scan3A_483 = arith.constant 50 : i32
    %scan3A_484 = arith.addi %scan3A_482, %scan3A_483 : i32
    %scan3A_485 = arith.constant 1 : i32
    scf.for %scan3A_764 = %scan3A_482 to %scan3A_484 step %scan3A_485  : i32 {
      %add3A_765 = vector.broadcast %scan3A_764 : i32 to vector<16xi32>
      %add3A_766 = arith.addi %get3A_478, %add3A_765 : vector<16xi32>
      %gather3A = tpu.vector_load_idx %arg23[%add3A_476, %add3A_766] : memref<32x200xf32, #tpu.memory_space<vmem>>[vector<16xi32>, vector<16xi32>], vector<16xf32>,
      %add3A_767 = vector.broadcast %scan3A_764 : i32 to vector<16xi32>
      %add3A_768 = arith.addi %mul3A_481, %add3A_767 : vector<16xi32>
      tpu.vector_store_idx %arg31[%add3A_768], %gather3A : memref<1600xf32, #tpu.memory_space<vmem>>[vector<16xi32>], vector<16xf32>,
    }
    %scan3A_486 = arith.constant 50 : i32
    %add3A_487 = arith.constant 16 : i32
    %add3A_488 = vector.broadcast %add3A_487 : i32 to vector<16xi32>
    %add3A_489 = arith.addi %iota3A, %add3A_488 : vector<16xi32>
    %get3A_490 = arith.constant 16 : index
    %get3A_491 = tpu.vector_load %arg15[%get3A_490] {strides = array<i32>} : memref<32xi32, #tpu.memory_space<vmem>>, vector<16xi32>,
    %mul3A_492 = arith.constant 50 : i32
    %mul3A_493 = vector.broadcast %mul3A_492 : i32 to vector<16xi32>
    %mul3A_494 = arith.muli %add3A_489, %mul3A_493 : vector<16xi32>
    %scan3A_495 = arith.constant 0 : i32
    %scan3A_496 = arith.constant 50 : i32
    %scan3A_497 = arith.addi %scan3A_495, %scan3A_496 : i32
    %scan3A_498 = arith.constant 1 : i32
    scf.for %scan3A_764 = %scan3A_495 to %scan3A_497 step %scan3A_498  : i32 {
      %add3A_765 = vector.broadcast %scan3A_764 : i32 to vector<16xi32>
      %add3A_766 = arith.addi %get3A_491, %add3A_765 : vector<16xi32>
      %gather3A = tpu.vector_load_idx %arg23[%add3A_489, %add3A_766] : memref<32x200xf32, #tpu.memory_space<vmem>>[vector<16xi32>, vector<16xi32>], vector<16xf32>,
      %add3A_767 = vector.broadcast %scan3A_764 : i32 to vector<16xi32>
      %add3A_768 = arith.addi %mul3A_494, %add3A_767 : vector<16xi32>
      tpu.vector_store_idx %arg31[%add3A_768], %gather3A : memref<1600xf32, #tpu.memory_space<vmem>>[vector<16xi32>], vector<16xf32>,
    }
    %scan3A_499 = arith.constant 50 : i32
    %add3A_500 = arith.constant 13088 : i32
    %add3A_501 = arith.addi %mul3A_2, %add3A_500 : i32
    %mul3A_502 = arith.constant 50 : i32
    %mul3A_503 = arith.muli %add3A_501, %mul3A_502 : i32
    %dma_start3A_504 = tpu.memref_slice %arg4[%mul3A_503] : memref<21299200xf32, #tpu.memory_space<hbm>> -> memref<1600xf32, #tpu.memory_space<hbm>>
    %dma_start3A_505 = tpu.memref_slice %arg4[%mul3A_503] : memref<21299200xf32, #tpu.memory_space<hbm>> -> memref<1600xf32, #tpu.memory_space<hbm>>
    tpu.enqueue_dma source(%arg31 : memref<1600xf32, #tpu.memory_space<vmem>>) target(%dma_start3A_505 : memref<1600xf32, #tpu.memory_space<hbm>>) target_semaphore(%arg41 : memref<!tpu.dma_semaphore, #tpu.memory_space<semaphore_mem>>)
    %dma_wait3A_506 = arith.constant 0 : i32
    %dma_wait3A_507 = arith.constant 0 : i32
    %dma_wait3A_508 = tpu.memref_slice %arg2[%dma_wait3A_506, %dma_wait3A_507] : memref<650007x200xf32, #tpu.memory_space<hbm>> -> memref<650007x200xf32, #tpu.memory_space<hbm>>
    tpu.wait_indirect_dma semaphore(%arg34 : memref<!tpu.dma_semaphore, #tpu.memory_space<semaphore_mem>>) src(%dma_wait3A_508 : memref<650007x200xf32, #tpu.memory_space<hbm>>) dst(%arg24 : memref<32x200xf32, #tpu.memory_space<vmem>>)
    %add3A_509 = arith.constant 13056 : i32
    %add3A_510 = arith.addi %mul3A_2, %add3A_509 : i32
    %mul3A_511 = arith.constant 50 : i32
    %mul3A_512 = arith.muli %add3A_510, %mul3A_511 : i32
    %dma_wait3A_513 = tpu.memref_slice %arg4[%mul3A_512] : memref<21299200xf32, #tpu.memory_space<hbm>> -> memref<1600xf32, #tpu.memory_space<hbm>>
    %dma_wait3A_514 = tpu.memref_slice %arg4[%mul3A_512] : memref<21299200xf32, #tpu.memory_space<hbm>> -> memref<1600xf32, #tpu.memory_space<hbm>>
    tpu.wait_dma2 semaphore(%arg40 : memref<!tpu.dma_semaphore, #tpu.memory_space<semaphore_mem>>) src(%arg30 : memref<1600xf32, #tpu.memory_space<vmem>>) dst(%dma_wait3A_514 : memref<1600xf32, #tpu.memory_space<hbm>>)
    %add3A_515 = arith.constant 0 : i32
    %add3A_516 = vector.broadcast %add3A_515 : i32 to vector<16xi32>
    %add3A_517 = arith.addi %iota3A, %add3A_516 : vector<16xi32>
    %get3A_518 = arith.constant 0 : index
    %get3A_519 = tpu.vector_load %arg16[%get3A_518] {strides = array<i32>} : memref<32xi32, #tpu.memory_space<vmem>>, vector<16xi32>,
    %mul3A_520 = arith.constant 50 : i32
    %mul3A_521 = vector.broadcast %mul3A_520 : i32 to vector<16xi32>
    %mul3A_522 = arith.muli %add3A_517, %mul3A_521 : vector<16xi32>
    %scan3A_523 = arith.constant 0 : i32
    %scan3A_524 = arith.constant 50 : i32
    %scan3A_525 = arith.addi %scan3A_523, %scan3A_524 : i32
    %scan3A_526 = arith.constant 1 : i32
    scf.for %scan3A_764 = %scan3A_523 to %scan3A_525 step %scan3A_526  : i32 {
      %add3A_765 = vector.broadcast %scan3A_764 : i32 to vector<16xi32>
      %add3A_766 = arith.addi %get3A_519, %add3A_765 : vector<16xi32>
      %gather3A = tpu.vector_load_idx %arg24[%add3A_517, %add3A_766] : memref<32x200xf32, #tpu.memory_space<vmem>>[vector<16xi32>, vector<16xi32>], vector<16xf32>,
      %add3A_767 = vector.broadcast %scan3A_764 : i32 to vector<16xi32>
      %add3A_768 = arith.addi %mul3A_522, %add3A_767 : vector<16xi32>
      tpu.vector_store_idx %arg30[%add3A_768], %gather3A : memref<1600xf32, #tpu.memory_space<vmem>>[vector<16xi32>], vector<16xf32>,
    }
    %scan3A_527 = arith.constant 50 : i32
    %add3A_528 = arith.constant 16 : i32
    %add3A_529 = vector.broadcast %add3A_528 : i32 to vector<16xi32>
    %add3A_530 = arith.addi %iota3A, %add3A_529 : vector<16xi32>
    %get3A_531 = arith.constant 16 : index
    %get3A_532 = tpu.vector_load %arg16[%get3A_531] {strides = array<i32>} : memref<32xi32, #tpu.memory_space<vmem>>, vector<16xi32>,
    %mul3A_533 = arith.constant 50 : i32
    %mul3A_534 = vector.broadcast %mul3A_533 : i32 to vector<16xi32>
    %mul3A_535 = arith.muli %add3A_530, %mul3A_534 : vector<16xi32>
    %scan3A_536 = arith.constant 0 : i32
    %scan3A_537 = arith.constant 50 : i32
    %scan3A_538 = arith.addi %scan3A_536, %scan3A_537 : i32
    %scan3A_539 = arith.constant 1 : i32
    scf.for %scan3A_764 = %scan3A_536 to %scan3A_538 step %scan3A_539  : i32 {
      %add3A_765 = vector.broadcast %scan3A_764 : i32 to vector<16xi32>
      %add3A_766 = arith.addi %get3A_532, %add3A_765 : vector<16xi32>
      %gather3A = tpu.vector_load_idx %arg24[%add3A_530, %add3A_766] : memref<32x200xf32, #tpu.memory_space<vmem>>[vector<16xi32>, vector<16xi32>], vector<16xf32>,
      %add3A_767 = vector.broadcast %scan3A_764 : i32 to vector<16xi32>
      %add3A_768 = arith.addi %mul3A_535, %add3A_767 : vector<16xi32>
      tpu.vector_store_idx %arg30[%add3A_768], %gather3A : memref<1600xf32, #tpu.memory_space<vmem>>[vector<16xi32>], vector<16xf32>,
    }
    %scan3A_540 = arith.constant 50 : i32
    %add3A_541 = arith.constant 13120 : i32
    %add3A_542 = arith.addi %mul3A_2, %add3A_541 : i32
    %mul3A_543 = arith.constant 50 : i32
    %mul3A_544 = arith.muli %add3A_542, %mul3A_543 : i32
    %dma_start3A_545 = tpu.memref_slice %arg4[%mul3A_544] : memref<21299200xf32, #tpu.memory_space<hbm>> -> memref<1600xf32, #tpu.memory_space<hbm>>
    %dma_start3A_546 = tpu.memref_slice %arg4[%mul3A_544] : memref<21299200xf32, #tpu.memory_space<hbm>> -> memref<1600xf32, #tpu.memory_space<hbm>>
    tpu.enqueue_dma source(%arg30 : memref<1600xf32, #tpu.memory_space<vmem>>) target(%dma_start3A_546 : memref<1600xf32, #tpu.memory_space<hbm>>) target_semaphore(%arg40 : memref<!tpu.dma_semaphore, #tpu.memory_space<semaphore_mem>>)
    %dma_wait3A_547 = arith.constant 0 : i32
    %dma_wait3A_548 = arith.constant 0 : i32
    %dma_wait3A_549 = tpu.memref_slice %arg2[%dma_wait3A_547, %dma_wait3A_548] : memref<650007x200xf32, #tpu.memory_space<hbm>> -> memref<650007x200xf32, #tpu.memory_space<hbm>>
    tpu.wait_indirect_dma semaphore(%arg35 : memref<!tpu.dma_semaphore, #tpu.memory_space<semaphore_mem>>) src(%dma_wait3A_549 : memref<650007x200xf32, #tpu.memory_space<hbm>>) dst(%arg25 : memref<32x200xf32, #tpu.memory_space<vmem>>)
    %add3A_550 = arith.constant 13088 : i32
    %add3A_551 = arith.addi %mul3A_2, %add3A_550 : i32
    %mul3A_552 = arith.constant 50 : i32
    %mul3A_553 = arith.muli %add3A_551, %mul3A_552 : i32
    %dma_wait3A_554 = tpu.memref_slice %arg4[%mul3A_553] : memref<21299200xf32, #tpu.memory_space<hbm>> -> memref<1600xf32, #tpu.memory_space<hbm>>
    %dma_wait3A_555 = tpu.memref_slice %arg4[%mul3A_553] : memref<21299200xf32, #tpu.memory_space<hbm>> -> memref<1600xf32, #tpu.memory_space<hbm>>
    tpu.wait_dma2 semaphore(%arg41 : memref<!tpu.dma_semaphore, #tpu.memory_space<semaphore_mem>>) src(%arg31 : memref<1600xf32, #tpu.memory_space<vmem>>) dst(%dma_wait3A_555 : memref<1600xf32, #tpu.memory_space<hbm>>)
    %add3A_556 = arith.constant 0 : i32
    %add3A_557 = vector.broadcast %add3A_556 : i32 to vector<16xi32>
    %add3A_558 = arith.addi %iota3A, %add3A_557 : vector<16xi32>
    %get3A_559 = arith.constant 0 : index
    %get3A_560 = tpu.vector_load %arg17[%get3A_559] {strides = array<i32>} : memref<32xi32, #tpu.memory_space<vmem>>, vector<16xi32>,
    %mul3A_561 = arith.constant 50 : i32
    %mul3A_562 = vector.broadcast %mul3A_561 : i32 to vector<16xi32>
    %mul3A_563 = arith.muli %add3A_558, %mul3A_562 : vector<16xi32>
    %scan3A_564 = arith.constant 0 : i32
    %scan3A_565 = arith.constant 50 : i32
    %scan3A_566 = arith.addi %scan3A_564, %scan3A_565 : i32
    %scan3A_567 = arith.constant 1 : i32
    scf.for %scan3A_764 = %scan3A_564 to %scan3A_566 step %scan3A_567  : i32 {
      %add3A_765 = vector.broadcast %scan3A_764 : i32 to vector<16xi32>
      %add3A_766 = arith.addi %get3A_560, %add3A_765 : vector<16xi32>
      %gather3A = tpu.vector_load_idx %arg25[%add3A_558, %add3A_766] : memref<32x200xf32, #tpu.memory_space<vmem>>[vector<16xi32>, vector<16xi32>], vector<16xf32>,
      %add3A_767 = vector.broadcast %scan3A_764 : i32 to vector<16xi32>
      %add3A_768 = arith.addi %mul3A_563, %add3A_767 : vector<16xi32>
      tpu.vector_store_idx %arg31[%add3A_768], %gather3A : memref<1600xf32, #tpu.memory_space<vmem>>[vector<16xi32>], vector<16xf32>,
    }
    %scan3A_568 = arith.constant 50 : i32
    %add3A_569 = arith.constant 16 : i32
    %add3A_570 = vector.broadcast %add3A_569 : i32 to vector<16xi32>
    %add3A_571 = arith.addi %iota3A, %add3A_570 : vector<16xi32>
    %get3A_572 = arith.constant 16 : index
    %get3A_573 = tpu.vector_load %arg17[%get3A_572] {strides = array<i32>} : memref<32xi32, #tpu.memory_space<vmem>>, vector<16xi32>,
    %mul3A_574 = arith.constant 50 : i32
    %mul3A_575 = vector.broadcast %mul3A_574 : i32 to vector<16xi32>
    %mul3A_576 = arith.muli %add3A_571, %mul3A_575 : vector<16xi32>
    %scan3A_577 = arith.constant 0 : i32
    %scan3A_578 = arith.constant 50 : i32
    %scan3A_579 = arith.addi %scan3A_577, %scan3A_578 : i32
    %scan3A_580 = arith.constant 1 : i32
    scf.for %scan3A_764 = %scan3A_577 to %scan3A_579 step %scan3A_580  : i32 {
      %add3A_765 = vector.broadcast %scan3A_764 : i32 to vector<16xi32>
      %add3A_766 = arith.addi %get3A_573, %add3A_765 : vector<16xi32>
      %gather3A = tpu.vector_load_idx %arg25[%add3A_571, %add3A_766] : memref<32x200xf32, #tpu.memory_space<vmem>>[vector<16xi32>, vector<16xi32>], vector<16xf32>,
      %add3A_767 = vector.broadcast %scan3A_764 : i32 to vector<16xi32>
      %add3A_768 = arith.addi %mul3A_576, %add3A_767 : vector<16xi32>
      tpu.vector_store_idx %arg31[%add3A_768], %gather3A : memref<1600xf32, #tpu.memory_space<vmem>>[vector<16xi32>], vector<16xf32>,
    }
    %scan3A_581 = arith.constant 50 : i32
    %add3A_582 = arith.constant 13152 : i32
    %add3A_583 = arith.addi %mul3A_2, %add3A_582 : i32
    %mul3A_584 = arith.constant 50 : i32
    %mul3A_585 = arith.muli %add3A_583, %mul3A_584 : i32
    %dma_start3A_586 = tpu.memref_slice %arg4[%mul3A_585] : memref<21299200xf32, #tpu.memory_space<hbm>> -> memref<1600xf32, #tpu.memory_space<hbm>>
    %dma_start3A_587 = tpu.memref_slice %arg4[%mul3A_585] : memref<21299200xf32, #tpu.memory_space<hbm>> -> memref<1600xf32, #tpu.memory_space<hbm>>
    tpu.enqueue_dma source(%arg31 : memref<1600xf32, #tpu.memory_space<vmem>>) target(%dma_start3A_587 : memref<1600xf32, #tpu.memory_space<hbm>>) target_semaphore(%arg41 : memref<!tpu.dma_semaphore, #tpu.memory_space<semaphore_mem>>)
    %dma_wait3A_588 = arith.constant 0 : i32
    %dma_wait3A_589 = arith.constant 0 : i32
    %dma_wait3A_590 = tpu.memref_slice %arg2[%dma_wait3A_588, %dma_wait3A_589] : memref<650007x200xf32, #tpu.memory_space<hbm>> -> memref<650007x200xf32, #tpu.memory_space<hbm>>
    tpu.wait_indirect_dma semaphore(%arg36 : memref<!tpu.dma_semaphore, #tpu.memory_space<semaphore_mem>>) src(%dma_wait3A_590 : memref<650007x200xf32, #tpu.memory_space<hbm>>) dst(%arg26 : memref<32x200xf32, #tpu.memory_space<vmem>>)
    %add3A_591 = arith.constant 13120 : i32
    %add3A_592 = arith.addi %mul3A_2, %add3A_591 : i32
    %mul3A_593 = arith.constant 50 : i32
    %mul3A_594 = arith.muli %add3A_592, %mul3A_593 : i32
    %dma_wait3A_595 = tpu.memref_slice %arg4[%mul3A_594] : memref<21299200xf32, #tpu.memory_space<hbm>> -> memref<1600xf32, #tpu.memory_space<hbm>>
    %dma_wait3A_596 = tpu.memref_slice %arg4[%mul3A_594] : memref<21299200xf32, #tpu.memory_space<hbm>> -> memref<1600xf32, #tpu.memory_space<hbm>>
    tpu.wait_dma2 semaphore(%arg40 : memref<!tpu.dma_semaphore, #tpu.memory_space<semaphore_mem>>) src(%arg30 : memref<1600xf32, #tpu.memory_space<vmem>>) dst(%dma_wait3A_596 : memref<1600xf32, #tpu.memory_space<hbm>>)
    %add3A_597 = arith.constant 0 : i32
    %add3A_598 = vector.broadcast %add3A_597 : i32 to vector<16xi32>
    %add3A_599 = arith.addi %iota3A, %add3A_598 : vector<16xi32>
    %get3A_600 = arith.constant 0 : index
    %get3A_601 = tpu.vector_load %arg18[%get3A_600] {strides = array<i32>} : memref<32xi32, #tpu.memory_space<vmem>>, vector<16xi32>,
    %mul3A_602 = arith.constant 50 : i32
    %mul3A_603 = vector.broadcast %mul3A_602 : i32 to vector<16xi32>
    %mul3A_604 = arith.muli %add3A_599, %mul3A_603 : vector<16xi32>
    %scan3A_605 = arith.constant 0 : i32
    %scan3A_606 = arith.constant 50 : i32
    %scan3A_607 = arith.addi %scan3A_605, %scan3A_606 : i32
    %scan3A_608 = arith.constant 1 : i32
    scf.for %scan3A_764 = %scan3A_605 to %scan3A_607 step %scan3A_608  : i32 {
      %add3A_765 = vector.broadcast %scan3A_764 : i32 to vector<16xi32>
      %add3A_766 = arith.addi %get3A_601, %add3A_765 : vector<16xi32>
      %gather3A = tpu.vector_load_idx %arg26[%add3A_599, %add3A_766] : memref<32x200xf32, #tpu.memory_space<vmem>>[vector<16xi32>, vector<16xi32>], vector<16xf32>,
      %add3A_767 = vector.broadcast %scan3A_764 : i32 to vector<16xi32>
      %add3A_768 = arith.addi %mul3A_604, %add3A_767 : vector<16xi32>
      tpu.vector_store_idx %arg30[%add3A_768], %gather3A : memref<1600xf32, #tpu.memory_space<vmem>>[vector<16xi32>], vector<16xf32>,
    }
    %scan3A_609 = arith.constant 50 : i32
    %add3A_610 = arith.constant 16 : i32
    %add3A_611 = vector.broadcast %add3A_610 : i32 to vector<16xi32>
    %add3A_612 = arith.addi %iota3A, %add3A_611 : vector<16xi32>
    %get3A_613 = arith.constant 16 : index
    %get3A_614 = tpu.vector_load %arg18[%get3A_613] {strides = array<i32>} : memref<32xi32, #tpu.memory_space<vmem>>, vector<16xi32>,
    %mul3A_615 = arith.constant 50 : i32
    %mul3A_616 = vector.broadcast %mul3A_615 : i32 to vector<16xi32>
    %mul3A_617 = arith.muli %add3A_612, %mul3A_616 : vector<16xi32>
    %scan3A_618 = arith.constant 0 : i32
    %scan3A_619 = arith.constant 50 : i32
    %scan3A_620 = arith.addi %scan3A_618, %scan3A_619 : i32
    %scan3A_621 = arith.constant 1 : i32
    scf.for %scan3A_764 = %scan3A_618 to %scan3A_620 step %scan3A_621  : i32 {
      %add3A_765 = vector.broadcast %scan3A_764 : i32 to vector<16xi32>
      %add3A_766 = arith.addi %get3A_614, %add3A_765 : vector<16xi32>
      %gather3A = tpu.vector_load_idx %arg26[%add3A_612, %add3A_766] : memref<32x200xf32, #tpu.memory_space<vmem>>[vector<16xi32>, vector<16xi32>], vector<16xf32>,
      %add3A_767 = vector.broadcast %scan3A_764 : i32 to vector<16xi32>
      %add3A_768 = arith.addi %mul3A_617, %add3A_767 : vector<16xi32>
      tpu.vector_store_idx %arg30[%add3A_768], %gather3A : memref<1600xf32, #tpu.memory_space<vmem>>[vector<16xi32>], vector<16xf32>,
    }
    %scan3A_622 = arith.constant 50 : i32
    %add3A_623 = arith.constant 13184 : i32
    %add3A_624 = arith.addi %mul3A_2, %add3A_623 : i32
    %mul3A_625 = arith.constant 50 : i32
    %mul3A_626 = arith.muli %add3A_624, %mul3A_625 : i32
    %dma_start3A_627 = tpu.memref_slice %arg4[%mul3A_626] : memref<21299200xf32, #tpu.memory_space<hbm>> -> memref<1600xf32, #tpu.memory_space<hbm>>
    %dma_start3A_628 = tpu.memref_slice %arg4[%mul3A_626] : memref<21299200xf32, #tpu.memory_space<hbm>> -> memref<1600xf32, #tpu.memory_space<hbm>>
    tpu.enqueue_dma source(%arg30 : memref<1600xf32, #tpu.memory_space<vmem>>) target(%dma_start3A_628 : memref<1600xf32, #tpu.memory_space<hbm>>) target_semaphore(%arg40 : memref<!tpu.dma_semaphore, #tpu.memory_space<semaphore_mem>>)
    %dma_wait3A_629 = arith.constant 0 : i32
    %dma_wait3A_630 = arith.constant 0 : i32
    %dma_wait3A_631 = tpu.memref_slice %arg2[%dma_wait3A_629, %dma_wait3A_630] : memref<650007x200xf32, #tpu.memory_space<hbm>> -> memref<650007x200xf32, #tpu.memory_space<hbm>>
    tpu.wait_indirect_dma semaphore(%arg37 : memref<!tpu.dma_semaphore, #tpu.memory_space<semaphore_mem>>) src(%dma_wait3A_631 : memref<650007x200xf32, #tpu.memory_space<hbm>>) dst(%arg27 : memref<32x200xf32, #tpu.memory_space<vmem>>)
    %add3A_632 = arith.constant 13152 : i32
    %add3A_633 = arith.addi %mul3A_2, %add3A_632 : i32
    %mul3A_634 = arith.constant 50 : i32
    %mul3A_635 = arith.muli %add3A_633, %mul3A_634 : i32
    %dma_wait3A_636 = tpu.memref_slice %arg4[%mul3A_635] : memref<21299200xf32, #tpu.memory_space<hbm>> -> memref<1600xf32, #tpu.memory_space<hbm>>
    %dma_wait3A_637 = tpu.memref_slice %arg4[%mul3A_635] : memref<21299200xf32, #tpu.memory_space<hbm>> -> memref<1600xf32, #tpu.memory_space<hbm>>
    tpu.wait_dma2 semaphore(%arg41 : memref<!tpu.dma_semaphore, #tpu.memory_space<semaphore_mem>>) src(%arg31 : memref<1600xf32, #tpu.memory_space<vmem>>) dst(%dma_wait3A_637 : memref<1600xf32, #tpu.memory_space<hbm>>)
    %add3A_638 = arith.constant 0 : i32
    %add3A_639 = vector.broadcast %add3A_638 : i32 to vector<16xi32>
    %add3A_640 = arith.addi %iota3A, %add3A_639 : vector<16xi32>
    %get3A_641 = arith.constant 0 : index
    %get3A_642 = tpu.vector_load %arg19[%get3A_641] {strides = array<i32>} : memref<32xi32, #tpu.memory_space<vmem>>, vector<16xi32>,
    %mul3A_643 = arith.constant 50 : i32
    %mul3A_644 = vector.broadcast %mul3A_643 : i32 to vector<16xi32>
    %mul3A_645 = arith.muli %add3A_640, %mul3A_644 : vector<16xi32>
    %scan3A_646 = arith.constant 0 : i32
    %scan3A_647 = arith.constant 50 : i32
    %scan3A_648 = arith.addi %scan3A_646, %scan3A_647 : i32
    %scan3A_649 = arith.constant 1 : i32
    scf.for %scan3A_764 = %scan3A_646 to %scan3A_648 step %scan3A_649  : i32 {
      %add3A_765 = vector.broadcast %scan3A_764 : i32 to vector<16xi32>
      %add3A_766 = arith.addi %get3A_642, %add3A_765 : vector<16xi32>
      %gather3A = tpu.vector_load_idx %arg27[%add3A_640, %add3A_766] : memref<32x200xf32, #tpu.memory_space<vmem>>[vector<16xi32>, vector<16xi32>], vector<16xf32>,
      %add3A_767 = vector.broadcast %scan3A_764 : i32 to vector<16xi32>
      %add3A_768 = arith.addi %mul3A_645, %add3A_767 : vector<16xi32>
      tpu.vector_store_idx %arg31[%add3A_768], %gather3A : memref<1600xf32, #tpu.memory_space<vmem>>[vector<16xi32>], vector<16xf32>,
    }
    %scan3A_650 = arith.constant 50 : i32
    %add3A_651 = arith.constant 16 : i32
    %add3A_652 = vector.broadcast %add3A_651 : i32 to vector<16xi32>
    %add3A_653 = arith.addi %iota3A, %add3A_652 : vector<16xi32>
    %get3A_654 = arith.constant 16 : index
    %get3A_655 = tpu.vector_load %arg19[%get3A_654] {strides = array<i32>} : memref<32xi32, #tpu.memory_space<vmem>>, vector<16xi32>,
    %mul3A_656 = arith.constant 50 : i32
    %mul3A_657 = vector.broadcast %mul3A_656 : i32 to vector<16xi32>
    %mul3A_658 = arith.muli %add3A_653, %mul3A_657 : vector<16xi32>
    %scan3A_659 = arith.constant 0 : i32
    %scan3A_660 = arith.constant 50 : i32
    %scan3A_661 = arith.addi %scan3A_659, %scan3A_660 : i32
    %scan3A_662 = arith.constant 1 : i32
    scf.for %scan3A_764 = %scan3A_659 to %scan3A_661 step %scan3A_662  : i32 {
      %add3A_765 = vector.broadcast %scan3A_764 : i32 to vector<16xi32>
      %add3A_766 = arith.addi %get3A_655, %add3A_765 : vector<16xi32>
      %gather3A = tpu.vector_load_idx %arg27[%add3A_653, %add3A_766] : memref<32x200xf32, #tpu.memory_space<vmem>>[vector<16xi32>, vector<16xi32>], vector<16xf32>,
      %add3A_767 = vector.broadcast %scan3A_764 : i32 to vector<16xi32>
      %add3A_768 = arith.addi %mul3A_658, %add3A_767 : vector<16xi32>
      tpu.vector_store_idx %arg31[%add3A_768], %gather3A : memref<1600xf32, #tpu.memory_space<vmem>>[vector<16xi32>], vector<16xf32>,
    }
    %scan3A_663 = arith.constant 50 : i32
    %add3A_664 = arith.constant 13216 : i32
    %add3A_665 = arith.addi %mul3A_2, %add3A_664 : i32
    %mul3A_666 = arith.constant 50 : i32
    %mul3A_667 = arith.muli %add3A_665, %mul3A_666 : i32
    %dma_start3A_668 = tpu.memref_slice %arg4[%mul3A_667] : memref<21299200xf32, #tpu.memory_space<hbm>> -> memref<1600xf32, #tpu.memory_space<hbm>>
    %dma_start3A_669 = tpu.memref_slice %arg4[%mul3A_667] : memref<21299200xf32, #tpu.memory_space<hbm>> -> memref<1600xf32, #tpu.memory_space<hbm>>
    tpu.enqueue_dma source(%arg31 : memref<1600xf32, #tpu.memory_space<vmem>>) target(%dma_start3A_669 : memref<1600xf32, #tpu.memory_space<hbm>>) target_semaphore(%arg41 : memref<!tpu.dma_semaphore, #tpu.memory_space<semaphore_mem>>)
    %dma_wait3A_670 = arith.constant 0 : i32
    %dma_wait3A_671 = arith.constant 0 : i32
    %dma_wait3A_672 = tpu.memref_slice %arg2[%dma_wait3A_670, %dma_wait3A_671] : memref<650007x200xf32, #tpu.memory_space<hbm>> -> memref<650007x200xf32, #tpu.memory_space<hbm>>
    tpu.wait_indirect_dma semaphore(%arg38 : memref<!tpu.dma_semaphore, #tpu.memory_space<semaphore_mem>>) src(%dma_wait3A_672 : memref<650007x200xf32, #tpu.memory_space<hbm>>) dst(%arg28 : memref<32x200xf32, #tpu.memory_space<vmem>>)
    %add3A_673 = arith.constant 13184 : i32
    %add3A_674 = arith.addi %mul3A_2, %add3A_673 : i32
    %mul3A_675 = arith.constant 50 : i32
    %mul3A_676 = arith.muli %add3A_674, %mul3A_675 : i32
    %dma_wait3A_677 = tpu.memref_slice %arg4[%mul3A_676] : memref<21299200xf32, #tpu.memory_space<hbm>> -> memref<1600xf32, #tpu.memory_space<hbm>>
    %dma_wait3A_678 = tpu.memref_slice %arg4[%mul3A_676] : memref<21299200xf32, #tpu.memory_space<hbm>> -> memref<1600xf32, #tpu.memory_space<hbm>>
    tpu.wait_dma2 semaphore(%arg40 : memref<!tpu.dma_semaphore, #tpu.memory_space<semaphore_mem>>) src(%arg30 : memref<1600xf32, #tpu.memory_space<vmem>>) dst(%dma_wait3A_678 : memref<1600xf32, #tpu.memory_space<hbm>>)
    %add3A_679 = arith.constant 0 : i32
    %add3A_680 = vector.broadcast %add3A_679 : i32 to vector<16xi32>
    %add3A_681 = arith.addi %iota3A, %add3A_680 : vector<16xi32>
    %get3A_682 = arith.constant 0 : index
    %get3A_683 = tpu.vector_load %arg20[%get3A_682] {strides = array<i32>} : memref<32xi32, #tpu.memory_space<vmem>>, vector<16xi32>,
    %mul3A_684 = arith.constant 50 : i32
    %mul3A_685 = vector.broadcast %mul3A_684 : i32 to vector<16xi32>
    %mul3A_686 = arith.muli %add3A_681, %mul3A_685 : vector<16xi32>
    %scan3A_687 = arith.constant 0 : i32
    %scan3A_688 = arith.constant 50 : i32
    %scan3A_689 = arith.addi %scan3A_687, %scan3A_688 : i32
    %scan3A_690 = arith.constant 1 : i32
    scf.for %scan3A_764 = %scan3A_687 to %scan3A_689 step %scan3A_690  : i32 {
      %add3A_765 = vector.broadcast %scan3A_764 : i32 to vector<16xi32>
      %add3A_766 = arith.addi %get3A_683, %add3A_765 : vector<16xi32>
      %gather3A = tpu.vector_load_idx %arg28[%add3A_681, %add3A_766] : memref<32x200xf32, #tpu.memory_space<vmem>>[vector<16xi32>, vector<16xi32>], vector<16xf32>,
      %add3A_767 = vector.broadcast %scan3A_764 : i32 to vector<16xi32>
      %add3A_768 = arith.addi %mul3A_686, %add3A_767 : vector<16xi32>
      tpu.vector_store_idx %arg30[%add3A_768], %gather3A : memref<1600xf32, #tpu.memory_space<vmem>>[vector<16xi32>], vector<16xf32>,
    }
    %scan3A_691 = arith.constant 50 : i32
    %add3A_692 = arith.constant 16 : i32
    %add3A_693 = vector.broadcast %add3A_692 : i32 to vector<16xi32>
    %add3A_694 = arith.addi %iota3A, %add3A_693 : vector<16xi32>
    %get3A_695 = arith.constant 16 : index
    %get3A_696 = tpu.vector_load %arg20[%get3A_695] {strides = array<i32>} : memref<32xi32, #tpu.memory_space<vmem>>, vector<16xi32>,
    %mul3A_697 = arith.constant 50 : i32
    %mul3A_698 = vector.broadcast %mul3A_697 : i32 to vector<16xi32>
    %mul3A_699 = arith.muli %add3A_694, %mul3A_698 : vector<16xi32>
    %scan3A_700 = arith.constant 0 : i32
    %scan3A_701 = arith.constant 50 : i32
    %scan3A_702 = arith.addi %scan3A_700, %scan3A_701 : i32
    %scan3A_703 = arith.constant 1 : i32
    scf.for %scan3A_764 = %scan3A_700 to %scan3A_702 step %scan3A_703  : i32 {
      %add3A_765 = vector.broadcast %scan3A_764 : i32 to vector<16xi32>
      %add3A_766 = arith.addi %get3A_696, %add3A_765 : vector<16xi32>
      %gather3A = tpu.vector_load_idx %arg28[%add3A_694, %add3A_766] : memref<32x200xf32, #tpu.memory_space<vmem>>[vector<16xi32>, vector<16xi32>], vector<16xf32>,
      %add3A_767 = vector.broadcast %scan3A_764 : i32 to vector<16xi32>
      %add3A_768 = arith.addi %mul3A_699, %add3A_767 : vector<16xi32>
      tpu.vector_store_idx %arg30[%add3A_768], %gather3A : memref<1600xf32, #tpu.memory_space<vmem>>[vector<16xi32>], vector<16xf32>,
    }
    %scan3A_704 = arith.constant 50 : i32
    %add3A_705 = arith.constant 13248 : i32
    %add3A_706 = arith.addi %mul3A_2, %add3A_705 : i32
    %mul3A_707 = arith.constant 50 : i32
    %mul3A_708 = arith.muli %add3A_706, %mul3A_707 : i32
    %dma_start3A_709 = tpu.memref_slice %arg4[%mul3A_708] : memref<21299200xf32, #tpu.memory_space<hbm>> -> memref<1600xf32, #tpu.memory_space<hbm>>
    %dma_start3A_710 = tpu.memref_slice %arg4[%mul3A_708] : memref<21299200xf32, #tpu.memory_space<hbm>> -> memref<1600xf32, #tpu.memory_space<hbm>>
    tpu.enqueue_dma source(%arg30 : memref<1600xf32, #tpu.memory_space<vmem>>) target(%dma_start3A_710 : memref<1600xf32, #tpu.memory_space<hbm>>) target_semaphore(%arg40 : memref<!tpu.dma_semaphore, #tpu.memory_space<semaphore_mem>>)
    %dma_wait3A_711 = arith.constant 0 : i32
    %dma_wait3A_712 = arith.constant 0 : i32
    %dma_wait3A_713 = tpu.memref_slice %arg2[%dma_wait3A_711, %dma_wait3A_712] : memref<650007x200xf32, #tpu.memory_space<hbm>> -> memref<650007x200xf32, #tpu.memory_space<hbm>>
    tpu.wait_indirect_dma semaphore(%arg39 : memref<!tpu.dma_semaphore, #tpu.memory_space<semaphore_mem>>) src(%dma_wait3A_713 : memref<650007x200xf32, #tpu.memory_space<hbm>>) dst(%arg29 : memref<32x200xf32, #tpu.memory_space<vmem>>)
    %add3A_714 = arith.constant 13216 : i32
    %add3A_715 = arith.addi %mul3A_2, %add3A_714 : i32
    %mul3A_716 = arith.constant 50 : i32
    %mul3A_717 = arith.muli %add3A_715, %mul3A_716 : i32
    %dma_wait3A_718 = tpu.memref_slice %arg4[%mul3A_717] : memref<21299200xf32, #tpu.memory_space<hbm>> -> memref<1600xf32, #tpu.memory_space<hbm>>
    %dma_wait3A_719 = tpu.memref_slice %arg4[%mul3A_717] : memref<21299200xf32, #tpu.memory_space<hbm>> -> memref<1600xf32, #tpu.memory_space<hbm>>
    tpu.wait_dma2 semaphore(%arg41 : memref<!tpu.dma_semaphore, #tpu.memory_space<semaphore_mem>>) src(%arg31 : memref<1600xf32, #tpu.memory_space<vmem>>) dst(%dma_wait3A_719 : memref<1600xf32, #tpu.memory_space<hbm>>)
    %add3A_720 = arith.constant 0 : i32
    %add3A_721 = vector.broadcast %add3A_720 : i32 to vector<16xi32>
    %add3A_722 = arith.addi %iota3A, %add3A_721 : vector<16xi32>
    %get3A_723 = arith.constant 0 : index
    %get3A_724 = tpu.vector_load %arg21[%get3A_723] {strides = array<i32>} : memref<32xi32, #tpu.memory_space<vmem>>, vector<16xi32>,
    %mul3A_725 = arith.constant 50 : i32
    %mul3A_726 = vector.broadcast %mul3A_725 : i32 to vector<16xi32>
    %mul3A_727 = arith.muli %add3A_722, %mul3A_726 : vector<16xi32>
    %scan3A_728 = arith.constant 0 : i32
    %scan3A_729 = arith.constant 50 : i32
    %scan3A_730 = arith.addi %scan3A_728, %scan3A_729 : i32
    %scan3A_731 = arith.constant 1 : i32
    scf.for %scan3A_764 = %scan3A_728 to %scan3A_730 step %scan3A_731  : i32 {
      %add3A_765 = vector.broadcast %scan3A_764 : i32 to vector<16xi32>
      %add3A_766 = arith.addi %get3A_724, %add3A_765 : vector<16xi32>
      %gather3A = tpu.vector_load_idx %arg29[%add3A_722, %add3A_766] : memref<32x200xf32, #tpu.memory_space<vmem>>[vector<16xi32>, vector<16xi32>], vector<16xf32>,
      %add3A_767 = vector.broadcast %scan3A_764 : i32 to vector<16xi32>
      %add3A_768 = arith.addi %mul3A_727, %add3A_767 : vector<16xi32>
      tpu.vector_store_idx %arg31[%add3A_768], %gather3A : memref<1600xf32, #tpu.memory_space<vmem>>[vector<16xi32>], vector<16xf32>,
    }
    %scan3A_732 = arith.constant 50 : i32
    %add3A_733 = arith.constant 16 : i32
    %add3A_734 = vector.broadcast %add3A_733 : i32 to vector<16xi32>
    %add3A_735 = arith.addi %iota3A, %add3A_734 : vector<16xi32>
    %get3A_736 = arith.constant 16 : index
    %get3A_737 = tpu.vector_load %arg21[%get3A_736] {strides = array<i32>} : memref<32xi32, #tpu.memory_space<vmem>>, vector<16xi32>,
    %mul3A_738 = arith.constant 50 : i32
    %mul3A_739 = vector.broadcast %mul3A_738 : i32 to vector<16xi32>
    %mul3A_740 = arith.muli %add3A_735, %mul3A_739 : vector<16xi32>
    %scan3A_741 = arith.constant 0 : i32
    %scan3A_742 = arith.constant 50 : i32
    %scan3A_743 = arith.addi %scan3A_741, %scan3A_742 : i32
    %scan3A_744 = arith.constant 1 : i32
    scf.for %scan3A_764 = %scan3A_741 to %scan3A_743 step %scan3A_744  : i32 {
      %add3A_765 = vector.broadcast %scan3A_764 : i32 to vector<16xi32>
      %add3A_766 = arith.addi %get3A_737, %add3A_765 : vector<16xi32>
      %gather3A = tpu.vector_load_idx %arg29[%add3A_735, %add3A_766] : memref<32x200xf32, #tpu.memory_space<vmem>>[vector<16xi32>, vector<16xi32>], vector<16xf32>,
      %add3A_767 = vector.broadcast %scan3A_764 : i32 to vector<16xi32>
      %add3A_768 = arith.addi %mul3A_740, %add3A_767 : vector<16xi32>
      tpu.vector_store_idx %arg31[%add3A_768], %gather3A : memref<1600xf32, #tpu.memory_space<vmem>>[vector<16xi32>], vector<16xf32>,
    }
    %scan3A_745 = arith.constant 50 : i32
    %add3A_746 = arith.constant 13280 : i32
    %add3A_747 = arith.addi %mul3A_2, %add3A_746 : i32
    %mul3A_748 = arith.constant 50 : i32
    %mul3A_749 = arith.muli %add3A_747, %mul3A_748 : i32
    %dma_start3A_750 = tpu.memref_slice %arg4[%mul3A_749] : memref<21299200xf32, #tpu.memory_space<hbm>> -> memref<1600xf32, #tpu.memory_space<hbm>>
    %dma_start3A_751 = tpu.memref_slice %arg4[%mul3A_749] : memref<21299200xf32, #tpu.memory_space<hbm>> -> memref<1600xf32, #tpu.memory_space<hbm>>
    tpu.enqueue_dma source(%arg31 : memref<1600xf32, #tpu.memory_space<vmem>>) target(%dma_start3A_751 : memref<1600xf32, #tpu.memory_space<hbm>>) target_semaphore(%arg41 : memref<!tpu.dma_semaphore, #tpu.memory_space<semaphore_mem>>)
    %add3A_752 = arith.constant 13248 : i32
    %add3A_753 = arith.addi %mul3A_2, %add3A_752 : i32
    %mul3A_754 = arith.constant 50 : i32
    %mul3A_755 = arith.muli %add3A_753, %mul3A_754 : i32
    %dma_wait3A_756 = tpu.memref_slice %arg4[%mul3A_755] : memref<21299200xf32, #tpu.memory_space<hbm>> -> memref<1600xf32, #tpu.memory_space<hbm>>
    %dma_wait3A_757 = tpu.memref_slice %arg4[%mul3A_755] : memref<21299200xf32, #tpu.memory_space<hbm>> -> memref<1600xf32, #tpu.memory_space<hbm>>
    tpu.wait_dma2 semaphore(%arg40 : memref<!tpu.dma_semaphore, #tpu.memory_space<semaphore_mem>>) src(%arg30 : memref<1600xf32, #tpu.memory_space<vmem>>) dst(%dma_wait3A_757 : memref<1600xf32, #tpu.memory_space<hbm>>)
    %add3A_758 = arith.constant 13280 : i32
    %add3A_759 = arith.addi %mul3A_2, %add3A_758 : i32
    %mul3A_760 = arith.constant 50 : i32
    %mul3A_761 = arith.muli %add3A_759, %mul3A_760 : i32
    %dma_wait3A_762 = tpu.memref_slice %arg4[%mul3A_761] : memref<21299200xf32, #tpu.memory_space<hbm>> -> memref<1600xf32, #tpu.memory_space<hbm>>
    %dma_wait3A_763 = tpu.memref_slice %arg4[%mul3A_761] : memref<21299200xf32, #tpu.memory_space<hbm>> -> memref<1600xf32, #tpu.memory_space<hbm>>
    tpu.wait_dma2 semaphore(%arg41 : memref<!tpu.dma_semaphore, #tpu.memory_space<semaphore_mem>>) src(%arg31 : memref<1600xf32, #tpu.memory_space<vmem>>) dst(%dma_wait3A_763 : memref<1600xf32, #tpu.memory_space<hbm>>)
    return
  }
}

</mosaic_0001>

<sc_bundles>
// kernel: _run.3.cloned.1.call-start
scs
__scs_entry_jumppad:
0x0: {  	(pc) =	sbr.rel $0x88, $3  }
0x1: {  	(tag) =	ssettag $0x0;
	lr =	simm.s32 $0x1  }
0x2: {  	[smem:$0x3F9F] =	sst lr;
	_ =	strace $0xD0000000  }
0x3: {  	_ = 	snop  }
0x4: {  	_ = 	snop  }
0x5: {  	_ = 	snop  }
0x6: {  	_ = 	snop  }
0x7: {  	_ = 	snop  }
__scs_overlays_trampoline_lowered:
0x8: {  	[smem:$0x3FAE] =	sst s0  }
0x9: {  	[smem:$0x3FAF] =	sst s1  }
0xa: {  	[smem:$0x3FB0] =	sst s2  }
0xb: {  	[smem:$0x3FB1] =	sst s3  }
0xc: {  	[smem:$0x3FB2] =	sst s4  }
0xd: {  	[smem:$0x3FB3] =	sst s5  }
0xe: {  	[smem:$0x3FB4] =	sst s6  }
0xf: {  	[smem:$0x3FB5] =	sst s7  }
0x10: {  	[smem:$0x3FB6] =	sst s8  }
0x11: {  	[smem:$0x3FB7] =	sst s9;
	s0 =	simm.s32 @!p0 $0x0  }
0x12: {  	s1 =	sld [smem:$0x3F9D];
	s0 =	simm.s32 @p0 $0x1  }
0x13: {  	[smem:$0x3FB8] =	sst s0;
	s0 =	simm.s32 @!p1 $0x0  }
0x14: {  	s2 =	sld [smem:$0x3F9C];
	s0 =	simm.s32 @p1 $0x1  }
0x15: {  	[smem:$0x3FB9] =	sst s0;
	s0 =	simm.s32 @!p2 $0x0  }
0x16: {  	s3 =	sld [smem:$0x3FDB];
	s0 =	simm.s32 @p2 $0x1  }
0x17: {  	s4 =	simm.s32 $0x1BF5;
	[smem:$0x3FBB] =	sst s0  }
0x18: {  	s0 =	sld [smem:$0x3F9E];
	_ =	swait.ge [sflag:s4], $0x0  }
0x19: {  	s7 =	sld [smem:$0x3F9F]  }
0x1a: {  	s8 =	sadd.s32 $0xFFFFE003, lr  }
0x1b: {  	s9 =	sadd.s32 $0xFFFFFEF7, lr;
	s5 =	simm.s32 $0xFFFFFFFF;
	p2 =	slt.u32 s8, $0xFFFFF086  }
0x1c: {  	p1 =	slt.u32 s9, $0xF7A;
	s5 =	simm.s32 @!p2 $0x0  }
0x1d: {  	s5 =	simm.s32 @p1 $0x1;
	p0 =	seq.s32 s7, s2  }
0x1e: {  	s7 =	smul.u32 @!p0 $0xF7A, s2;
	p2 =	seq.s32 @!p0 s5, $0x0  }
0x1f: {  	s9 =	smul.u32 $0xF7A, s1;
	s8 =	simm.s32 @!p0 $0x1BF5;
	p2 =	por !p2, p0  }
0x20: {  	[sflag:s8] =	ssyncset.s32 @!p0 $0xFFFFF086;
	s6 =	sadd.s32 @!p0 s3, s7;
	s7 =	simm.s32 @!p0 $0x108  }
0x21: {  	s3 =	sadd.s32 s3, s9;
	s6 =	sadd.s32 @!p0 $0x88, s6;
	s7 =	simm.s32 @p2 $0x1082  }
0x22: {  	[simem:s7], [sflag:s8] =	dma.local @!p0 [hbm:s6], $0xF7A  }
0x23: {  	s9 =	sor.u32 $0xD0000000, s2;
	s6 =	simm.s32 $0x108;
	_ =	swait.ge @!p0 [sflag:s8], $0x0  }
0x24: {  	s3 =	sadd.s32 $0x88, s3;
	s6 =	simm.s32 @!p1 $0x1082;
	[sflag:s4] =	ssyncset.s32 $0xFFFFF086  }
0x25: {  	[simem:s6], [sflag:s4] =	dma.local [hbm:s3], $0xF7A  }
0x26: {  	[smem:$0x3F9F] =	sst s1;
	(tag) =	ssettag s2;
	_ =	strace s9  }
0x27: {  	s1 =	sld [smem:$0x3FAF]  }
0x28: {  	s2 =	sld [smem:$0x3FB0]  }
0x29: {  	s4 =	sld [smem:$0x3FB2]  }
0x2a: {  	p0 =	seq.s32 s5, $0x0;
	s5 =	sld [smem:$0x3FB3]  }
0x2b: {  	s6 =	sld [smem:$0x3FB4]  }
0x2c: {  	s7 =	sld [smem:$0x3FB5]  }
0x2d: {  	s3 =	simm.s32 $0x108;
	s8 =	sld [smem:$0x3FB6]  }
0x2e: {  	s3 =	simm.s32 @!p0 $0x1082;
	s9 =	sld [smem:$0x3FB7]  }
0x2f: {  	lr =	sadd.s32 s0, s3;
	s0 =	sld [smem:$0x3FAE]  }
0x30: {  	s3 =	sld [smem:$0x3FB1]  }
0x31: {  	[smem:$0x3FBA] =	sst s10  }
0x32: {  	s10 =	sld [smem:$0x3FB8];
	_ =	sdelay $0x3  }
0x33: {  	p0 =	seq.s32 s10, $0x1;
	s10 =	sld [smem:$0x3FBA];
	_ =	sdelay $0x3  }
0x34: {  	[smem:$0x3FBA] =	sst s10  }
0x35: {  	s10 =	sld [smem:$0x3FB9];
	_ =	sdelay $0x3  }
0x36: {  	p1 =	seq.s32 s10, $0x1;
	s10 =	sld [smem:$0x3FBA];
	_ =	sdelay $0x3  }
0x37: {  	[smem:$0x3FBA] =	sst s10  }
0x38: {  	s10 =	sld [smem:$0x3FBB]  }
0x39: {  	_ = 	snop;
	(pc) =	sbr.ind lr, $3  }
0x3a: {  	_ = 	snop  }
0x3b: {  	_ = 	snop  }
0x3c: {  	p2 =	seq.s32 s10, $0x1;
	s10 =	sld [smem:$0x3FBA]  }
0x3d: {  	_ =	shalt  }
0x3e: {  	_ =	shalt  }
0x3f: {  	_ =	shalt  }
0x40: {  	_ =	shalt  }
0x41: {  	_ =	shalt  }
0x42: {  	_ =	shalt  }
0x43: {  	_ =	shalt  }
0x44: {  	_ =	shalt  }
0x45: {  	_ =	shalt  }
0x46: {  	_ =	shalt  }
0x47: {  	_ =	shalt  }
0x48: {  	_ =	shalt  }
0x49: {  	_ =	shalt  }
0x4a: {  	_ =	shalt  }
0x4b: {  	_ =	shalt  }
0x4c: {  	_ =	shalt  }
0x4d: {  	_ =	shalt  }
0x4e: {  	_ =	shalt  }
0x4f: {  	_ =	shalt  }
0x50: {  	_ =	shalt  }
0x51: {  	_ =	shalt  }
0x52: {  	_ =	shalt  }
0x53: {  	_ =	shalt  }
0x54: {  	_ =	shalt  }
0x55: {  	_ =	shalt  }
0x56: {  	_ =	shalt  }
0x57: {  	_ =	shalt  }
0x58: {  	_ =	shalt  }
0x59: {  	_ =	shalt  }
0x5a: {  	_ =	shalt  }
0x5b: {  	_ =	shalt  }
0x5c: {  	_ =	shalt  }
0x5d: {  	_ =	shalt  }
0x5e: {  	_ =	shalt  }
0x5f: {  	_ =	shalt  }
0x60: {  	_ =	shalt  }
0x61: {  	_ =	shalt  }
0x62: {  	_ =	shalt  }
0x63: {  	_ =	shalt  }
0x64: {  	_ =	shalt  }
0x65: {  	_ =	shalt  }
0x66: {  	_ =	shalt  }
0x67: {  	_ =	shalt  }
0x68: {  	_ =	shalt  }
0x69: {  	_ =	shalt  }
0x6a: {  	_ =	shalt  }
0x6b: {  	_ =	shalt  }
0x6c: {  	_ =	shalt  }
0x6d: {  	_ =	shalt  }
0x6e: {  	_ =	shalt  }
0x6f: {  	_ =	shalt  }
0x70: {  	_ =	shalt  }
0x71: {  	_ =	shalt  }
0x72: {  	_ =	shalt  }
0x73: {  	_ =	shalt  }
0x74: {  	_ =	shalt  }
0x75: {  	_ =	shalt  }
0x76: {  	_ =	shalt  }
0x77: {  	_ =	shalt  }
0x78: {  	_ =	shalt  }
0x79: {  	_ =	shalt  }
0x7a: {  	_ =	shalt  }
0x7b: {  	_ =	shalt  }
0x7c: {  	_ =	shalt  }
0x7d: {  	_ =	shalt  }
0x7e: {  	_ =	shalt  }
0x7f: {  	_ =	shalt  }
0x80: {  	_ =	shalt  }
0x81: {  	_ =	shalt  }
0x82: {  	_ =	shalt  }
0x83: {  	_ =	shalt  }
0x84: {  	_ =	shalt  }
0x85: {  	_ =	shalt  }
0x86: {  	_ =	shalt  }
0x87: {  	_ =	shalt  }
.Lfunc_end0:
.L_simem_size_0:
called_computation_lowered:
.L_overlay_start_0:
0x88: {  	s2 =	sld [smem:$0x3FD9]  }
0x89: {  	s3 =	sld [smem:$0x3FFE];
	_ =	sdelay $0x1  }
0x8a: {  	s1 =	srdreg.scid  }
0x8b: {  	s0 =	sand.u32 $0x1, s1  }
0x8c: {  	s17 =	sshll.u32 s0, $0xA;
	s2 =	sadd.s32 s3, s2  }
0x8d: {  	s2 =	sadd.s32 s2, s17  }
0x8e: {  	[smem:$0x3FC6] =	sst s2  }
0x8f: {  	_ = 	snop  }
0x90: {  	s2 =	sld [smem:$0x3FC8]  }
0x91: {  	s18 =	sld [smem:$0x3FD0];
	(tm) =	ssettm $0x1  }
0x92: {  	s4 =	sld [smem:$0x3FFB];
	_ =	sdelay $0x3  }
0x93: {  	_ =	strace s4  }
0x94: {  	s4 =	sld [smem:$0x3FFC];
	_ =	sdelay $0x3  }
0x95: {  	_ =	strace s4  }
0x96: {  	s4 =	sld [smem:$0x3FFD];
	_ =	sdelay $0x3  }
0x97: {  	_ =	strace s4  }
0x98: {  	_ =	strace $0x8FFFFFFF  }
0x99: {  	s19 =	sld [smem:$0x3FDB];
	_ =	sdelay $0x1  }
0x9a: {  	s5 =	simm.s32 $_scs_section_size  }
0x9b: {  	s6 =	simm.s32 $_size__tile_overlayer_lowered;
	s7 =	simm.s32 $_tile_overlayer_lowered  }
0x9c: {  	s22 =	simm.s32 $0x1BFF;
	s21 =	sshll.u32 s7, $0x1;
	s4 =	sadd.s32 s5, s19  }
0x9d: {  	s8 =	simm.s32 $0x0;
	s20 =	sshll.u32 s6, $0x1;
	s6 =	sadd.s32 s21, s4  }
0x9e: {  	[timem:s8], [sflag:s22] =	dma.local [hbm:s6], s20  }
0x9f: {  	_ =	swait.ge [sflag:s22], s20  }
0xa0: {  	s5 =	ssub.s32 $0x0, s20;
	[sflag:s22] =	ssyncset.done $0x0  }
0xa1: {  	[sflag:s22] =	ssyncadd.s32 s5;
	_ =	sdelay $0x1  }
0xa2: {  	s23 =	simm.s32 $0x1B8B  }
0xa3: {  	_ =	swait.ge [sflag:s23], $0x1  }
0xa4: {  	[sflag:s23] =	ssyncset.done $0x0  }
0xa5: {  	s25 =	simm.s32 $0x1B8E;
	s24 =	sld [smem:$0x3FFE];
	[sflag:s23] =	ssyncadd.s32 $0xFFFFFFFF  }
0xa6: {  	s26 =	simm.s32 $execute0_lowered;
	[smem:$0x3FD2] =	sst s25  }
0xa7: {  	s6 =	sshll.u32 s26, $0x1;
	_ =	strace $0x80000046;
	[dreg:$0x1] =	wrdreg $0xFFFFFFFF  }
0xa8: {  	s28 =	simm.s32 $_size_execute0_lowered;
	s4 =	sadd.s32 s4, s6;
	[dreg:$0x0] =	wrdreg $0x0  }
0xa9: {  	s6 =	sshll.u32 s28, $0x1;
	[dreg:$0x2] =	wrdreg s4  }
0xaa: {  	[dreg:$0x3] =	wrdreg s6  }
0xab: {  	[dreg:$0x4] =	wrdreg $0xC0  }
0xac: {  	_ =	task [dreg:s8], $0x5FFFF  }
0xad: {  	[dreg:$0x1] =	wrdreg $0xFFFFFFFF  }
0xae: {  	[dreg:$0x0] =	wrdreg $0x60  }
0xaf: {  	[dreg:$0x2] =	wrdreg s24  }
0xb0: {  	[dreg:$0x3] =	wrdreg s2  }
0xb1: {  	[dreg:$0x4] =	wrdreg s18  }
0xb2: {  	[dreg:$0x5] =	wrdreg $0x9  }
0xb3: {  	_ =	task.clear_ibuf [dreg:s8], $0x6FFFF;
	_ =	strace $0x90000046  }
0xb4: {  	s29 =	simm.s32 $0x9;
	_ =	strace $0x80000048  }
0xb5: {  	_ =	swait.ge [sflag:s29], $0x1  }
0xb6: {  	[sflag:s29] =	ssyncadd.s32 $0xFFFFFFFF  }
0xb7: {  	_ =	strace $0x90000048  }
0xb8: {  	_ =	sfence  }
0xb9: {  	s30 =	sld [smem:$0x0];
	_ =	sdelay $0x2  }
0xba: {  	s31 =	sshll.u32 s1, $0xD;
	s1 =	sshrl.u32 s1, $0x2  }
0xbb: {  	s3 =	sand.u32 $0x4000, s31;
	s1 =	sadd.s32 s1, s30  }
0xbc: {  	s0 =	sor.u32 s3, s0;
	s1 =	sshll.u32 s1, $0x11  }
0xbd: {  	s0 =	sor.u32 s1, s0  }
0xbe: {  	s0 =	sadd.s32 $0x8F2B, s0  }
0xbf: {  	[sflag:s0] =	ssyncadd.remote.s32 $0x1  }
0xc0: {  	_ =	sfence.sel $0xFFFF  }
0xc1: {  	[dreg:$0x0] =	wrdreg $0xFFFFFFFF;
	(pc) =	sbr.abs _section_cstart, $3  }
0xc2: {  	[dreg:$0x1] =	wrdreg $0xFFFFFFFF  }
0xc3: {  	_ =	task.clear_ibuf [dreg:s8], $0x2FFFF;
	_ =	strace $0x9FFFFFFF  }
0xc4: {  	(tm) =	ssettm $0x7FFFFFFF  }
0xc5: {  	_ =	shalt  }
tec
execute0_lowered:
.L_overlay_start_1:
0x0: {  	(tag) =	ssettag $0x1  }
0x1: {  	vm14 =	vcmask $0x300;
	v0 =	vimm.s32 $0x7A125;
	vm13 =	vcmask $0x704  }
0x2: {  	vm12 =	vcmask $0xB08;
	vm11 =	vcmask $0xF0C;
	vm10 =	vcmask $0x1310  }
0x3: {  	vm9 =	vcmask $0x1714;
	vm8 =	vcmask $0x1B18;
	vm7 =	vcmask $0x1F1C  }
0x4: {  	vm6 =	vcmask $0x2320;
	vm5 =	vcmask $0x2724;
	vm4 =	vcmask $0x2B28  }
0x5: {  	vm3 =	vcmask $0x2F2C;
	v3 =	vimm.s32 $0x10C8EB;
	vm1 =	vcmask $0x3330  }
0x6: {  	v4 =	vimm.s32 $0x186A1;
	vm2 =	vcmask $0x3734;
	vm0 =	vcmask $0x3B38  }
0x7: {  	v6 =	vimm.s32 $0xAAE67;
	v9 =	vimm.s32 $0x13D62D;
	v10 =	vimm.s32 $0xDBBA9  }
0x8: {  	v0 =	vsel vm14, $0x186A10, v0;
	v3 =	vsel vm14, $0x2191D6, v3;
	v4 =	vsel vm14, $0x124F8C, v4  }
0x9: {  	v6 =	vsel vm14, $0x1B7752, v6;
	v9 =	vsel vm14, $0x249F18, v9;
	v10 =	vsel vm14, $0x1E8494, v10  }
0xa: {  	v0 =	vsel vm13, $0x19F0B1, v0;
	v3 =	vsel vm13, $0x231877, v3;
	v4 =	vsel vm13, $0x13D62D, v4  }
0xb: {  	v6 =	vsel vm13, $0x1CFDF3, v6;
	v9 =	vsel vm13, $0x2625B9, v9;
	v10 =	vsel vm13, $0x200B35, v10  }
0xc: {  	v0 =	vsel vm12, $0x1B7752, v0;
	v3 =	vsel vm12, $0x249F18, v3;
	v4 =	vsel vm12, $0x155CCE, v4  }
0xd: {  	v6 =	vsel vm12, $0x1E8494, v6;
	v9 =	vsel vm12, $0x0, v9;
	v10 =	vsel vm12, $0x2191D6, v10  }
0xe: {  	v0 =	vsel vm11, $0x1CFDF3, v0;
	v3 =	vsel vm11, $0x2625B9, v3;
	v4 =	vsel vm11, $0x16E36F, v4  }
0xf: {  	v6 =	vsel vm11, $0x200B35, v6;
	v9 =	vsel vm11, $0x186A1, v9;
	v3 =	vsel vm10, $0x0, v3  }
0x10: {  	v10 =	vsel vm11, $0x231877, v10;
	v0 =	vsel vm10, $0x1E8494, v0;
	v5 =	vsel vm9, $0x186A1, v3  }
0x11: {  	s16 =	simm.s32 $0x0;
	v4 =	vsel vm10, $0x186A10, v4;
	v6 =	vsel vm10, $0x2191D6, v6;
	v5 =	vsel vm8, $0x30D42, v5  }
0x12: {  	s29 =	simm.s32 $0x4F00;
	[smem:$0x7FF] =	sst s16;
	v9 =	vsel vm10, $0x30D42, v9;
	v4 =	vsel vm9, $0x19F0B1, v4;
	v5 =	vsel vm7, $0x493E3, v5  }
0x13: {  	v10 =	vsel vm10, $0x249F18, v10;
	v4 =	vsel vm8, $0x1B7752, v4;
	v5 =	vsel vm6, $0x61A84, v5  }
0x14: {  	v0 =	vsel vm9, $0x200B35, v0;
	v4 =	vsel vm7, $0x1CFDF3, v4;
	v5 =	vsel vm5, $0x7A125, v5  }
0x15: {  	s1 =	rddreg [dreg:$0x0];
	v6 =	vsel vm9, $0x231877, v6;
	v4 =	vsel vm6, $0x1E8494, v4;
	v5 =	vsel vm4, $0x927C6, v5  }
0x16: {  	s31 =	simm.s32 $0x6800;
	s5 =	sadd.s32 $0x13D6800, s1;
	v9 =	vsel vm9, $0x493E3, v9;
	v4 =	vsel vm5, $0x200B35, v4;
	v5 =	vsel vm3, $0xAAE67, v5  }
0x17: {  	s2 =	srdreg.scid;
	s4 =	stileid.u32;
	v10 =	vsel vm9, $0x2625B9, v10;
	v4 =	vsel vm4, $0x2191D6, v4;
	v5 =	vsel vm1, $0xC3508, v5  }
0x18: {  	s0 =	rddreg [dreg:$0x1];
	s3 =	sand.u32 $0x1, s2;
	s4 =	sshll.u32 s4, $0x1;
	v0 =	vsel vm8, $0x2191D6, v0;
	v7 =	vsel vm3, $0x231877, v4;
	v5 =	vsel vm2, $0xDBBA9, v5  }
0x19: {  	s2 =	rddreg [dreg:$0x2];
	s4 =	sor.u32 s3, s4;
	_ =	strace $0x80000047;
	v4 =	vsel vm0, $0xF424A, v5;
	v5 =	vsel vm1, $0x249F18, v7;
	v7 =	vimm.s32 $0x493E3  }
0x1a: {  	s6 =	smul.u32 $0x3400, s4;
	v6 =	vsel vm8, $0x249F18, v6;
	v9 =	vsel vm8, $0x61A84, v9;
	v7 =	vsel vm14, $0x155CCE, v7  }
0x1b: {  	s30 =	simm.s32 $0x9;
	s3 =	ssub.s32 $0x2, s3;
	s4 =	smul.u32 $0xA2800, s4;
	v1 =	vsel vm7, $0x231877, v0;
	v0 =	vlaneseq.u32;
	v7 =	vsel vm13, $0x16E36F, v7  }
0x1c: {  	s28 =	simm.s32 $0x3;
	s9 =	simm.s32 $0xA;
	s19 =	sshrl.u32 s3, $0x1;
	v6 =	vsel vm7, $0x2625B9, v6;
	v9 =	vsel vm7, $0x7A125, v9;
	v7 =	vsel vm12, $0x186A10, v7  }
0x1d: {  	s3 =	ssub.s32 s3, s19;
	s10 =	sor.u32 $0xA0, s6;
	s11 =	sshrl.u32 s4, $0x3;
	v2 =	vsel vm6, $0x249F18, v1;
	v1 =	vmul.u32 $0x186A1, v0;
	v7 =	vsel vm11, $0x19F0B1, v7  }
0x1e: {  	s12 =	sor.u32 $0xC0, s6;
	s13 =	sor.u32 $0xE0, s6;
	[dreg:$0x4] =	wrdreg s10;
	v8 =	vsel vm6, $0x0, v6;
	v9 =	vsel vm6, $0x927C6, v9;
	v7 =	vsel vm10, $0x1B7752, v7  }
0x1f: {  	s20 =	sshrl.u32 s6, $0x3;
	s22 =	sor.u32 $0x20, s6;
	[dreg:$0x5] =	wrdreg s12;
	v2 =	vsel vm5, $0x2625B9, v2;
	v8 =	vsel vm5, $0x186A1, v8;
	v7 =	vsel vm9, $0x1CFDF3, v7  }
0x20: {  	s24 =	sor.u32 $0x40, s6;
	s19 =	sor.u32 $0x60, s6;
	[dreg:$0x6] =	wrdreg s13;
	v9 =	vsel vm5, $0xAAE67, v9;
	v2 =	vsel vm4, $0x0, v2;
	v7 =	vsel vm8, $0x1E8494, v7  }
0x21: {  	s26 =	smax.u32 s3, $0x1;
	s4 =	simm.s32 $0x8;
	[dreg:$0xe] =	wrdreg s22;
	v3 =	vadd.s32 $0x927C6, v1;
	v6 =	vadd.s32 $0x30D42, v1;
	v7 =	vsel vm7, $0x200B35, v7  }
0x22: {  	s1 =	sadd.s32 s2, s11;
	s0 =	sadd.s32 s0, s20;
	[dreg:$0x10] =	wrdreg s24;
	v8 =	vsel vm4, $0x30D42, v8;
	v9 =	vsel vm4, $0xC3508, v9;
	v7 =	vsel vm6, $0x2191D6, v7  }
0x23: {  	[dreg:$0x12] =	wrdreg s26;
	s24 =	simm.s32 $0x20;
	s26 =	simm.s32 $0x3600;
	v13 =	vadd.s32 $0x61A84, v1;
	v15 =	vadd.s32 $0xF424A, v1;
	v7 =	vsel vm5, $0x231877, v7  }
0x24: {  	s10 =	simm.s32 $0x9A00;
	s14 =	sadd.s32 $0x13EC0, s1;
	[dreg:$0xd] =	wrdreg s0;
	v2 =	vsel vm3, $0x186A1, v2;
	v8 =	vsel vm3, $0x493E3, v8;
	v7 =	vsel vm4, $0x249F18, v7  }
0x25: {  	s12 =	simm.s32 $0xB300;
	s15 =	sadd.s32 $0x13F88, s1;
	[dreg:$0x7] =	wrdreg s14;
	v9 =	vsel vm3, $0xDBBA9, v9;
	v11 =	vsel vm3, $0x2625B9, v7;
	v7 =	vsel vm8, $0x0, v10  }
0x26: {  	s20 =	simm.s32 $0x1;
	s17 =	sadd.s32 $0x14050, s1;
	[dreg:$0x8] =	wrdreg s15;
	v2 =	vsel vm1, $0x30D42, v2;
	v8 =	vsel vm1, $0x61A84, v8;
	v7 =	vsel vm7, $0x186A1, v7  }
0x27: {  	s22 =	simm.s32 $0xFE00;
	s18 =	sadd.s32 $0x14118, s1;
	[dreg:$0x9] =	wrdreg s17;
	v9 =	vsel vm1, $0xF424A, v9;
	v2 =	vsel vm2, $0x493E3, v2;
	v10 =	vsel vm6, $0x30D42, v7  }
0x28: {  	s11 =	simm.s32 $0x5;
	s7 =	sadd.s32 $0x141E0, s1;
	[dreg:$0xa] =	wrdreg s18;
	v8 =	vsel vm2, $0x7A125, v8;
	v9 =	vsel vm2, $0x10C8EB, v9;
	v10 =	vsel vm5, $0x493E3, v10  }
0x29: {  	s13 =	simm.s32 $0x6;
	s21 =	sadd.s32 $0x142A8, s1;
	[dreg:$0xb] =	wrdreg s7;
	v2 =	vsel vm0, $0x61A84, v2;
	v9 =	vsel vm0, $0x124F8C, v9;
	v10 =	vsel vm4, $0x61A84, v10  }
0x2a: {  	s23 =	sadd.s32 $0x14370, s1;
	s25 =	sadd.s32 $0x14438, s1;
	[dreg:$0xc] =	wrdreg s21;
	v5 =	vsel vm2, $0x2625B9, v5;
	v11 =	vsel vm1, $0x0, v11;
	v10 =	vsel vm3, $0x7A125, v10  }
0x2b: {  	s0 =	simm.s32 $0x8100;
	s1 =	simm.s32 $0x4;
	[dreg:$0xf] =	wrdreg s23;
	v5 =	vsel vm0, $0x0, v5;
	v12 =	vsel vm2, $0x186A1, v11;
	v10 =	vsel vm1, $0x927C6, v10  }
0x2c: {  	[dreg:$0x11] =	wrdreg s25;
	s18 =	smov.u32 s6;
	s21 =	sor.u32 $0x80, s6;
	v11 =	vmul.u32 $0x32, v0;
	v14 =	vsel vm2, $0xAAE67, v10;
	v10 =	vmul.u32 $0xC8, v0  }
0x2d: {  	s14 =	simm.s32 $0xCC00;
	s17 =	simm.s32 $0xE500;
	s23 =	simm.s32 $0x2;
	v7 =	vsel vm0, $0x927C6, v8;
	v8 =	vadd.s32 $0xC3508, v1;
	v12 =	vsel vm0, $0x30D42, v12  }
0x2e: {  	s25 =	simm.s32 $0x10440;
	s15 =	simm.s32 $0x7;
	s6 =	simm.s32 $0x0;
	v17 =	vadd.s32 $0x320, v11;
	v14 =	vsel vm0, $0xC3508, v14;
	v16 =	vadd.s32 $0xC80, v10  }
.LBB2_1:
0x2f: {  	[dreg:$0x13] =	wrdreg s6  }
0x30: {  	s3 =	rddreg [dreg:$0xd];
	s6 =	simm.s32 $0xB  }
0x31: {  	[tilespmem:s16], [sflag:$0xB] =	stream.linear.gather [hbm4b:s3+s16], $0x3400, $0x38;
	[tilespmem:$0x10A80] =	vst v63  }
0x32: {  	_ =	swait.ge [sflag:s6], $0x3400  }
0x33: {  	[sflag:s6] =	ssyncset.done $0x0  }
0x34: {  	[sflag:s6] =	ssyncadd.s32 $0xFFFFCC00  }
0x35: {  	v18 =	vld [tilespmem:$0x0]  }
0x36: {  	v19 =	vld [tilespmem:$0x10];
	_ =	sdelay $0x3  }
0x37: {  	v18 =	vadd.s32 v1, v18  }
0x38: {  	v19 =	vadd.s32 v2, v19;
	v20 =	vand.u32 $0x3, v18;
	v18 =	vshrl.u32 v18, $0x2  }
0x39: {  	v20 =	vmul.u32 $0x32, v20;
	[tilespmem:$0x3400] =	vst v18;
	v18 =	vand.u32 $0x3, v19;
	v19 =	vshrl.u32 v19, $0x2  }
0x3a: {  	v18 =	vmul.u32 $0x32, v18;
	[tilespmem:$0x3410] =	vst v19  }
0x3b: {  	[tilespmem:$0x3500] =	vst v20  }
0x3c: {  	s7 =	simm.s32 $0x3400;
	[tilespmem:$0x3510] =	vst v18  }
0x3d: {  	[tilespmem:s26], [sflag:$0x1] =	stream.indirect.gather [hbm4b:s5+s24], $0xC8, s7, s24, $0xb8;
	[tilespmem:$0x10A80] =	vst v63  }
0x3e: {  	v18 =	vld [tilespmem:$0x20]  }
0x3f: {  	v19 =	vld [tilespmem:$0x30];
	_ =	sdelay $0x3  }
0x40: {  	v18 =	vadd.s32 v3, v18  }
0x41: {  	v19 =	vadd.s32 v4, v19;
	v57 =	vand.u32 $0x3, v18;
	v18 =	vshrl.u32 v18, $0x2  }
0x42: {  	v20 =	vmul.u32 $0x32, v57;
	[tilespmem:$0x3420] =	vst v18;
	v18 =	vand.u32 $0x3, v19;
	v19 =	vshrl.u32 v19, $0x2  }
0x43: {  	v18 =	vmul.u32 $0x32, v18;
	[tilespmem:$0x3430] =	vst v19  }
0x44: {  	[tilespmem:$0x3520] =	vst v20  }
0x45: {  	s8 =	simm.s32 $0x3420;
	[tilespmem:$0x3530] =	vst v18  }
0x46: {  	[tilespmem:s29], [sflag:$0x2] =	stream.indirect.gather [hbm4b:s5+s24], $0xC8, s8, s24, $0xb8;
	[tilespmem:$0x10A80] =	vst v63  }
0x47: {  	v18 =	vld [tilespmem:$0x40]  }
0x48: {  	v19 =	vld [tilespmem:$0x50];
	_ =	sdelay $0x3  }
0x49: {  	v18 =	vadd.s32 v5, v18  }
0x4a: {  	v19 =	vadd.s32 v6, v19;
	v58 =	vand.u32 $0x3, v18;
	v18 =	vshrl.u32 v18, $0x2  }
0x4b: {  	v20 =	vmul.u32 $0x32, v58;
	[tilespmem:$0x3440] =	vst v18;
	v18 =	vand.u32 $0x3, v19;
	v19 =	vshrl.u32 v19, $0x2  }
0x4c: {  	v18 =	vmul.u32 $0x32, v18;
	[tilespmem:$0x3450] =	vst v19  }
0x4d: {  	[tilespmem:$0x3540] =	vst v20  }
0x4e: {  	s6 =	simm.s32 $0x3440;
	[tilespmem:$0x3550] =	vst v18  }
0x4f: {  	[tilespmem:s31], [sflag:$0x3] =	stream.indirect.gather [hbm4b:s5+s24], $0xC8, s6, s24, $0xb8;
	[tilespmem:$0x10A80] =	vst v63  }
0x50: {  	v18 =	vld [tilespmem:$0x60]  }
0x51: {  	v19 =	vld [tilespmem:$0x70];
	_ =	sdelay $0x3  }
0x52: {  	v18 =	vadd.s32 v7, v18  }
0x53: {  	v19 =	vadd.s32 v8, v19;
	v59 =	vand.u32 $0x3, v18;
	v18 =	vshrl.u32 v18, $0x2  }
0x54: {  	v20 =	vmul.u32 $0x32, v59;
	[tilespmem:$0x3460] =	vst v18;
	v18 =	vand.u32 $0x3, v19;
	v19 =	vshrl.u32 v19, $0x2  }
0x55: {  	v18 =	vmul.u32 $0x32, v18;
	[tilespmem:$0x3470] =	vst v19  }
0x56: {  	[tilespmem:$0x3560] =	vst v20  }
0x57: {  	s7 =	simm.s32 $0x3460;
	[tilespmem:$0x3570] =	vst v18  }
0x58: {  	[tilespmem:s0], [sflag:$0x4] =	stream.indirect.gather [hbm4b:s5+s24], $0xC8, s7, s24, $0xb8;
	[tilespmem:$0x10A80] =	vst v63  }
0x59: {  	v18 =	vld [tilespmem:$0x80]  }
0x5a: {  	v19 =	vld [tilespmem:$0x90];
	_ =	sdelay $0x3  }
0x5b: {  	v18 =	vadd.s32 v9, v18  }
0x5c: {  	v19 =	vadd.s32 v12, v19;
	v60 =	vand.u32 $0x3, v18;
	v18 =	vshrl.u32 v18, $0x2  }
0x5d: {  	v20 =	vmul.u32 $0x32, v60;
	[tilespmem:$0x3480] =	vst v18;
	v18 =	vand.u32 $0x3, v19;
	v19 =	vshrl.u32 v19, $0x2  }
0x5e: {  	v18 =	vmul.u32 $0x32, v18;
	[tilespmem:$0x3490] =	vst v19  }
0x5f: {  	[tilespmem:$0x3580] =	vst v20  }
0x60: {  	s8 =	simm.s32 $0x3480;
	[tilespmem:$0x3590] =	vst v18  }
0x61: {  	[tilespmem:s10], [sflag:$0x5] =	stream.indirect.gather [hbm4b:s5+s24], $0xC8, s8, s24, $0xb8;
	[tilespmem:$0x10A80] =	vst v63  }
0x62: {  	v18 =	vld [tilespmem:$0xA0]  }
0x63: {  	v19 =	vld [tilespmem:$0xB0];
	_ =	sdelay $0x3  }
0x64: {  	v18 =	vadd.s32 v13, v18  }
0x65: {  	v19 =	vadd.s32 v14, v19;
	v61 =	vand.u32 $0x3, v18;
	v18 =	vshrl.u32 v18, $0x2  }
0x66: {  	v20 =	vmul.u32 $0x32, v61;
	[tilespmem:$0x34A0] =	vst v18;
	v18 =	vand.u32 $0x3, v19;
	v19 =	vshrl.u32 v19, $0x2  }
0x67: {  	v18 =	vmul.u32 $0x32, v18;
	[tilespmem:$0x34B0] =	vst v19  }
0x68: {  	[tilespmem:$0x35A0] =	vst v20  }
0x69: {  	s6 =	simm.s32 $0x34A0;
	[tilespmem:$0x35B0] =	vst v18  }
0x6a: {  	[tilespmem:s12], [sflag:$0x6] =	stream.indirect.gather [hbm4b:s5+s24], $0xC8, s6, s24, $0xb8;
	[tilespmem:$0x10A80] =	vst v63  }
0x6b: {  	v18 =	vld [tilespmem:$0xC0]  }
0x6c: {  	v19 =	vld [tilespmem:$0xD0];
	_ =	sdelay $0x3  }
0x6d: {  	v18 =	vadd.s32 v15, v18  }
0x6e: {  	v19 =	vadd.s32 v1, v19;
	v62 =	vand.u32 $0x3, v18;
	v18 =	vshrl.u32 v18, $0x2  }
0x6f: {  	v20 =	vmul.u32 $0x32, v62;
	[tilespmem:$0x34C0] =	vst v18;
	v18 =	vand.u32 $0x3, v19;
	v19 =	vshrl.u32 v19, $0x2  }
0x70: {  	v18 =	vmul.u32 $0x32, v18;
	[tilespmem:$0x34D0] =	vst v19  }
0x71: {  	[tilespmem:$0x35C0] =	vst v20  }
0x72: {  	s7 =	simm.s32 $0x34C0;
	[tilespmem:$0x35D0] =	vst v18  }
0x73: {  	[tilespmem:s14], [sflag:$0x7] =	stream.indirect.gather [hbm4b:s5+s24], $0xC8, s7, s24, $0xb8;
	[tilespmem:$0x10A80] =	vst v63  }
0x74: {  	v18 =	vld [tilespmem:$0xE0]  }
0x75: {  	v19 =	vld [tilespmem:$0xF0];
	_ =	sdelay $0x3  }
0x76: {  	v18 =	vadd.s32 v2, v18  }
0x77: {  	v19 =	vadd.s32 v3, v19;
	v63 =	vand.u32 $0x3, v18;
	v18 =	vshrl.u32 v18, $0x2  }
0x78: {  	v20 =	vmul.u32 $0x32, v63;
	[tilespmem:$0x34E0] =	vst v18;
	v18 =	vand.u32 $0x3, v19;
	v19 =	vshrl.u32 v19, $0x2  }
0x79: {  	v18 =	vmul.u32 $0x32, v18;
	[tilespmem:$0x34F0] =	vst v19  }
0x7a: {  	[tilespmem:$0x35E0] =	vst v20  }
0x7b: {  	s8 =	simm.s32 $0x34E0;
	s6 =	simm.s32 $0x0;
	[tilespmem:$0x35F0] =	vst v18  }
0x7c: {  	[tilespmem:s17], [sflag:$0x8] =	stream.indirect.gather [hbm4b:s5+s24], $0xC8, s8, s24, $0xb8;
	[tilespmem:$0x10A80] =	vst v63  }
.LBB2_2:
0x7d: {  	_ =	swait.ge [sflag:s20], $0x1900  }
0x7e: {  	p0 =	seq.s32 s6, $0x0;
	[sflag:s20] =	ssyncset.done $0x0  }
0x7f: {  	s3 =	simm.s32 @!p0 $0x9;
	[sflag:s20] =	ssyncadd.s32 $0xFFFFE700  }
0x80: {  	_ =	swait.ge @!p0 [sflag:s3], $0x640  }
0x81: {  	[sflag:s3] =	ssyncset.done @!p0 $0x0  }
0x82: {  	[sflag:s3] =	ssyncadd.s32 @!p0 $0xFFFFF9C0  }
0x83: {  	v18 =	vld [tilespmem:$0x3500];
	_ =	sdelay $0x3  }
0x84: {  	s3 =	simm.s32 $0x0  }
0x85: {  	v19 =	vadd.s32 s3, v18  }
0x86: {  	v19 =	vadd.s32 v10, v19;
	_ =	sdelay $0x3  }
0x87: {  	s7 =	simm.s32 $0x1  }
0x88: {  	s8 =	simm.s32 $0x2;
	v20 =	vadd.s32 s3, v11;
	v21 =	vadd.s32 s7, v18;
	v19 =	vld.idx.msk [tilespmem:v19+s26+$0x0], $0xffff  }
.LBB2_3:
0x89: {  	p1 =	sne.s32 s8, $0x31;
	v21 =	vadd.s32 v10, v21;
	_ =	sdelay $0x1  }
.Ltmp0:
0x8a: {  	(pc) =	sbr.rel @p1 .LBB2_3-.Ltmp0, $4  }
0x8b: {  	_ = 	snop  }
0x8c: {  	[tilespmem:v20+s22+$0x0] =	vst.idx.msk $0xffff, v19  }
0x8d: {  	v19 =	vld.idx.msk [tilespmem:v21+s26+$0x0], $0xffff  }
0x8e: {  	v20 =	vadd.s32 s7, v11;
	s7 =	smov.u32 s8;
	v21 =	vadd.s32 s8, v18;
	s8 =	sadd.s32 $0x1, s8  }
0x8f: {  	v18 =	vadd.s32 v10, v21;
	_ =	sdelay $0x3  }
0x90: {  	[tilespmem:v20+s22+$0x0] =	vst.idx.msk $0xffff, v19  }
0x91: {  	v19 =	vadd.s32 s7, v11;
	v18 =	vld.idx.msk [tilespmem:v18+s26+$0x0], $0xffff;
	_ =	sdelay $0x4  }
0x92: {  	[tilespmem:v19+s22+$0x0] =	vst.idx.msk $0xffff, v18  }
0x93: {  	v18 =	vld [tilespmem:$0x3510];
	_ =	sdelay $0x3  }
0x94: {  	s3 =	simm.s32 $0x0  }
0x95: {  	v19 =	vadd.s32 s3, v18  }
0x96: {  	v19 =	vadd.s32 v16, v19;
	_ =	sdelay $0x3  }
0x97: {  	s7 =	simm.s32 $0x1  }
0x98: {  	s8 =	simm.s32 $0x2;
	v20 =	vadd.s32 s3, v17;
	v21 =	vadd.s32 s7, v18;
	v19 =	vld.idx.msk [tilespmem:v19+s26+$0x0], $0xffff  }
.LBB2_5:
0x99: {  	p1 =	sne.s32 s8, $0x31;
	v21 =	vadd.s32 v16, v21;
	_ =	sdelay $0x1  }
.Ltmp1:
0x9a: {  	(pc) =	sbr.rel @p1 .LBB2_5-.Ltmp1, $4  }
0x9b: {  	_ = 	snop  }
0x9c: {  	[tilespmem:v20+s22+$0x0] =	vst.idx.msk $0xffff, v19  }
0x9d: {  	v19 =	vld.idx.msk [tilespmem:v21+s26+$0x0], $0xffff  }
0x9e: {  	v20 =	vadd.s32 s7, v17;
	s7 =	smov.u32 s8;
	v21 =	vadd.s32 s8, v18;
	s8 =	sadd.s32 $0x1, s8  }
0x9f: {  	v18 =	vadd.s32 v16, v21;
	_ =	sdelay $0x3  }
0xa0: {  	[tilespmem:v20+s22+$0x0] =	vst.idx.msk $0xffff, v19  }
0xa1: {  	v19 =	vadd.s32 s7, v17;
	s7 =	sshll.u32 s6, $0x8;
	v18 =	vld.idx.msk [tilespmem:v18+s26+$0x0], $0xffff  }
0xa2: {  	s3 =	sadd.s32 s18, s7  }
0xa3: {  	s8 =	sadd.s32 $0x100, s7;
	s3 =	smul.u32 $0x32, s3  }
0xa4: {  	v20 =	vor.u32 s8, v0  }
0xa5: {  	v21 =	vmulhi.u32 $0x4EC4EC4F, v20;
	s3 =	sshrl.u32 s3, $0x3  }
0xa6: {  	s3 =	sadd.s32 s2, s3;
	[tilespmem:v19+s22+$0x0] =	vst.idx.msk $0xffff, v18  }
0xa7: {  	v18 =	vshrl.u32 v21, $0x3;
	[hbm4b:s3+s16] =	stream.linear.scatter [tilespmem:s22], [sflag:$0x9], $0x640, $0x38;
	[tilespmem:$0x10A80] =	vst v63  }
0xa8: {  	v18 =	vmul.u32 $0x1A, v18;
	v19 =	vld [tilespmem:s7+$0x100];
	_ =	sdelay $0x1  }
0xa9: {  	v18 =	vsub.s32 v20, v18  }
0xaa: {  	v18 =	vmul.u32 $0x186A1, v18;
	_ =	sdelay $0x1  }
0xab: {  	s8 =	sadd.s32 $0x110, s7;
	v18 =	vadd.s32 v18, v19  }
0xac: {  	v20 =	vor.u32 s8, v0;
	v19 =	vand.u32 $0x3, v18  }
0xad: {  	v21 =	vmulhi.u32 $0x4EC4EC4F, v20;
	v18 =	vshrl.u32 v18, $0x2;
	v19 =	vmul.u32 $0x32, v19  }
0xae: {  	[tilespmem:$0x3400] =	vst v18  }
0xaf: {  	v18 =	vshrl.u32 v21, $0x3;
	[tilespmem:$0x3500] =	vst v19  }
0xb0: {  	v18 =	vmul.u32 $0x1A, v18;
	v19 =	vld [tilespmem:s7+$0x110];
	_ =	sdelay $0x1  }
0xb1: {  	v18 =	vsub.s32 v20, v18  }
0xb2: {  	v18 =	vmul.u32 $0x186A1, v18;
	_ =	sdelay $0x1  }
0xb3: {  	v18 =	vadd.s32 v18, v19  }
0xb4: {  	v19 =	vand.u32 $0x3, v18  }
0xb5: {  	v18 =	vshrl.u32 v18, $0x2;
	v19 =	vmul.u32 $0x32, v19  }
0xb6: {  	[tilespmem:$0x3410] =	vst v18  }
0xb7: {  	s16 =	simm.s32 $0x3400;
	[tilespmem:$0x3510] =	vst v19  }
0xb8: {  	[tilespmem:s26], [sflag:$0x1] =	stream.indirect.gather [hbm4b:s5+s24], $0xC8, s16, s24, $0xb8;
	[tilespmem:$0x10A80] =	vst v63  }
0xb9: {  	_ =	swait.ge [sflag:s23], $0x1900  }
0xba: {  	[sflag:s23] =	ssyncset.done $0x0  }
0xbb: {  	s3 =	simm.s32 @!p0 $0xA;
	[sflag:s23] =	ssyncadd.s32 $0xFFFFE700  }
0xbc: {  	_ =	swait.ge @!p0 [sflag:s3], $0x640  }
0xbd: {  	[sflag:s3] =	ssyncset.done @!p0 $0x0  }
0xbe: {  	[sflag:s3] =	ssyncadd.s32 @!p0 $0xFFFFF9C0  }
0xbf: {  	v18 =	vld [tilespmem:$0x3520];
	_ =	sdelay $0x3  }
0xc0: {  	s16 =	simm.s32 $0x0  }
0xc1: {  	v19 =	vadd.s32 s16, v18  }
0xc2: {  	v19 =	vadd.s32 v10, v19;
	_ =	sdelay $0x3  }
0xc3: {  	s8 =	simm.s32 $0x1  }
0xc4: {  	v20 =	vadd.s32 s16, v11;
	s3 =	simm.s32 $0x2;
	v21 =	vadd.s32 s8, v18;
	v19 =	vld.idx.msk [tilespmem:v19+s29+$0x0], $0xffff  }
.LBB2_7:
0xc5: {  	p0 =	sne.s32 s3, $0x31;
	v21 =	vadd.s32 v10, v21;
	_ =	sdelay $0x1  }
.Ltmp2:
0xc6: {  	(pc) =	sbr.rel @p0 .LBB2_7-.Ltmp2, $4  }
0xc7: {  	_ = 	snop  }
0xc8: {  	[tilespmem:v20+s25+$0x0] =	vst.idx.msk $0xffff, v19  }
0xc9: {  	v19 =	vld.idx.msk [tilespmem:v21+s29+$0x0], $0xffff  }
0xca: {  	v20 =	vadd.s32 s8, v11;
	s8 =	smov.u32 s3;
	v21 =	vadd.s32 s3, v18;
	s3 =	sadd.s32 $0x1, s3  }
0xcb: {  	v18 =	vadd.s32 v10, v21;
	_ =	sdelay $0x3  }
0xcc: {  	[tilespmem:v20+s25+$0x0] =	vst.idx.msk $0xffff, v19  }
0xcd: {  	v19 =	vadd.s32 s8, v11;
	v18 =	vld.idx.msk [tilespmem:v18+s29+$0x0], $0xffff;
	_ =	sdelay $0x4  }
0xce: {  	[tilespmem:v19+s25+$0x0] =	vst.idx.msk $0xffff, v18  }
0xcf: {  	v18 =	vld [tilespmem:$0x3530];
	_ =	sdelay $0x3  }
0xd0: {  	s16 =	simm.s32 $0x0  }
0xd1: {  	v19 =	vadd.s32 s16, v18  }
0xd2: {  	v19 =	vadd.s32 v16, v19;
	_ =	sdelay $0x3  }
0xd3: {  	s8 =	simm.s32 $0x1  }
0xd4: {  	s3 =	simm.s32 $0x2;
	v20 =	vadd.s32 s16, v17;
	v21 =	vadd.s32 s8, v18;
	v19 =	vld.idx.msk [tilespmem:v19+s29+$0x0], $0xffff  }
.LBB2_9:
0xd5: {  	p0 =	sne.s32 s3, $0x31;
	v21 =	vadd.s32 v16, v21;
	_ =	sdelay $0x1  }
.Ltmp3:
0xd6: {  	(pc) =	sbr.rel @p0 .LBB2_9-.Ltmp3, $4  }
0xd7: {  	_ = 	snop  }
0xd8: {  	[tilespmem:v20+s25+$0x0] =	vst.idx.msk $0xffff, v19  }
0xd9: {  	v19 =	vld.idx.msk [tilespmem:v21+s29+$0x0], $0xffff  }
0xda: {  	v20 =	vadd.s32 s8, v17;
	s8 =	smov.u32 s3;
	v21 =	vadd.s32 s3, v18;
	s3 =	sadd.s32 $0x1, s3  }
0xdb: {  	v18 =	vadd.s32 v16, v21;
	_ =	sdelay $0x3  }
0xdc: {  	[tilespmem:v20+s25+$0x0] =	vst.idx.msk $0xffff, v19  }
0xdd: {  	s3 =	rddreg [dreg:$0xe];
	v19 =	vadd.s32 s8, v17;
	v18 =	vld.idx.msk [tilespmem:v18+s29+$0x0], $0xffff  }
0xde: {  	s3 =	sadd.s32 s7, s3  }
0xdf: {  	s16 =	sadd.s32 $0x120, s7;
	s3 =	smul.u32 $0x32, s3  }
0xe0: {  	v20 =	vor.u32 s16, v0  }
0xe1: {  	s3 =	sshrl.u32 s3, $0x3;
	v21 =	vmulhi.u32 $0x4EC4EC4F, v20  }
0xe2: {  	s16 =	simm.s32 $0x0;
	s3 =	sadd.s32 s2, s3;
	[tilespmem:v19+s25+$0x0] =	vst.idx.msk $0xffff, v18  }
0xe3: {  	v18 =	vshrl.u32 v21, $0x3;
	[hbm4b:s3+s16] =	stream.linear.scatter [tilespmem:s25], [sflag:$0xA], $0x640, $0x38;
	[tilespmem:$0x10A80] =	vst v63  }
0xe4: {  	v18 =	vmul.u32 $0x1A, v18;
	v19 =	vld [tilespmem:s7+$0x120];
	_ =	sdelay $0x1  }
0xe5: {  	v18 =	vsub.s32 v20, v18  }
0xe6: {  	v18 =	vmul.u32 $0x186A1, v18;
	_ =	sdelay $0x1  }
0xe7: {  	s8 =	sadd.s32 $0x130, s7;
	v18 =	vadd.s32 v18, v19  }
0xe8: {  	v20 =	vor.u32 s8, v0;
	v19 =	vand.u32 $0x3, v18  }
0xe9: {  	v21 =	vmulhi.u32 $0x4EC4EC4F, v20;
	v18 =	vshrl.u32 v18, $0x2;
	v19 =	vmul.u32 $0x32, v19  }
0xea: {  	[tilespmem:$0x3420] =	vst v18  }
0xeb: {  	v18 =	vshrl.u32 v21, $0x3;
	[tilespmem:$0x3520] =	vst v19  }
0xec: {  	v18 =	vmul.u32 $0x1A, v18;
	v19 =	vld [tilespmem:s7+$0x130];
	_ =	sdelay $0x1  }
0xed: {  	v18 =	vsub.s32 v20, v18  }
0xee: {  	v18 =	vmul.u32 $0x186A1, v18;
	_ =	sdelay $0x1  }
0xef: {  	v18 =	vadd.s32 v18, v19  }
0xf0: {  	v19 =	vand.u32 $0x3, v18  }
0xf1: {  	v18 =	vshrl.u32 v18, $0x2;
	v19 =	vmul.u32 $0x32, v19  }
0xf2: {  	[tilespmem:$0x3430] =	vst v18  }
0xf3: {  	s8 =	simm.s32 $0x3420;
	[tilespmem:$0x3530] =	vst v19  }
0xf4: {  	[tilespmem:s29], [sflag:$0x2] =	stream.indirect.gather [hbm4b:s5+s24], $0xC8, s8, s24, $0xb8;
	[tilespmem:$0x10A80] =	vst v63  }
0xf5: {  	_ =	swait.ge [sflag:s28], $0x1900  }
0xf6: {  	[sflag:s28] =	ssyncset.done $0x0  }
0xf7: {  	[sflag:s28] =	ssyncadd.s32 $0xFFFFE700  }
0xf8: {  	_ =	swait.ge [sflag:s30], $0x640  }
0xf9: {  	[sflag:s30] =	ssyncset.done $0x0  }
0xfa: {  	[sflag:s30] =	ssyncadd.s32 $0xFFFFF9C0  }
0xfb: {  	v18 =	vld [tilespmem:$0x3540];
	_ =	sdelay $0x4  }
0xfc: {  	v19 =	vadd.s32 s16, v18  }
0xfd: {  	v19 =	vadd.s32 v10, v19;
	_ =	sdelay $0x3  }
0xfe: {  	s8 =	simm.s32 $0x1  }
0xff: {  	s3 =	simm.s32 $0x2;
	v20 =	vadd.s32 s16, v11;
	v21 =	vadd.s32 s8, v18;
	v19 =	vld.idx.msk [tilespmem:v19+s31+$0x0], $0xffff  }
.LBB2_11:
0x100: {  	p0 =	sne.s32 s3, $0x31;
	v21 =	vadd.s32 v10, v21;
	_ =	sdelay $0x1  }
.Ltmp4:
0x101: {  	(pc) =	sbr.rel @p0 .LBB2_11-.Ltmp4, $4  }
0x102: {  	_ = 	snop  }
0x103: {  	[tilespmem:v20+s22+$0x0] =	vst.idx.msk $0xffff, v19  }
0x104: {  	v19 =	vld.idx.msk [tilespmem:v21+s31+$0x0], $0xffff  }
0x105: {  	v20 =	vadd.s32 s8, v11;
	s8 =	smov.u32 s3;
	v21 =	vadd.s32 s3, v18;
	s3 =	sadd.s32 $0x1, s3  }
0x106: {  	v18 =	vadd.s32 v10, v21;
	_ =	sdelay $0x3  }
0x107: {  	[tilespmem:v20+s22+$0x0] =	vst.idx.msk $0xffff, v19  }
0x108: {  	v19 =	vadd.s32 s8, v11;
	v18 =	vld.idx.msk [tilespmem:v18+s31+$0x0], $0xffff;
	_ =	sdelay $0x4  }
0x109: {  	[tilespmem:v19+s22+$0x0] =	vst.idx.msk $0xffff, v18  }
0x10a: {  	v18 =	vld [tilespmem:$0x3550];
	_ =	sdelay $0x3  }
0x10b: {  	s16 =	simm.s32 $0x0  }
0x10c: {  	v19 =	vadd.s32 s16, v18  }
0x10d: {  	v19 =	vadd.s32 v16, v19;
	_ =	sdelay $0x3  }
0x10e: {  	s8 =	simm.s32 $0x1  }
0x10f: {  	s3 =	simm.s32 $0x2;
	v20 =	vadd.s32 s16, v17;
	v21 =	vadd.s32 s8, v18;
	v19 =	vld.idx.msk [tilespmem:v19+s31+$0x0], $0xffff  }
.LBB2_13:
0x110: {  	p0 =	sne.s32 s3, $0x31;
	v21 =	vadd.s32 v16, v21;
	_ =	sdelay $0x1  }
.Ltmp5:
0x111: {  	(pc) =	sbr.rel @p0 .LBB2_13-.Ltmp5, $4  }
0x112: {  	_ = 	snop  }
0x113: {  	[tilespmem:v20+s22+$0x0] =	vst.idx.msk $0xffff, v19  }
0x114: {  	v19 =	vld.idx.msk [tilespmem:v21+s31+$0x0], $0xffff  }
0x115: {  	v20 =	vadd.s32 s8, v17;
	s8 =	smov.u32 s3;
	v21 =	vadd.s32 s3, v18;
	s3 =	sadd.s32 $0x1, s3  }
0x116: {  	v18 =	vadd.s32 v16, v21;
	_ =	sdelay $0x3  }
0x117: {  	[tilespmem:v20+s22+$0x0] =	vst.idx.msk $0xffff, v19  }
0x118: {  	s3 =	rddreg [dreg:$0x10];
	v19 =	vadd.s32 s8, v17;
	v18 =	vld.idx.msk [tilespmem:v18+s31+$0x0], $0xffff  }
0x119: {  	s3 =	sadd.s32 s7, s3  }
0x11a: {  	s16 =	sadd.s32 $0x140, s7;
	s3 =	smul.u32 $0x32, s3  }
0x11b: {  	v20 =	vor.u32 s16, v0  }
0x11c: {  	s3 =	sshrl.u32 s3, $0x3;
	v21 =	vmulhi.u32 $0x4EC4EC4F, v20  }
0x11d: {  	s16 =	simm.s32 $0x0;
	s3 =	sadd.s32 s2, s3;
	[tilespmem:v19+s22+$0x0] =	vst.idx.msk $0xffff, v18  }
0x11e: {  	v18 =	vshrl.u32 v21, $0x3;
	[hbm4b:s3+s16] =	stream.linear.scatter [tilespmem:s22], [sflag:$0x9], $0x640, $0x38;
	[tilespmem:$0x10A80] =	vst v63  }
0x11f: {  	v18 =	vmul.u32 $0x1A, v18;
	v19 =	vld [tilespmem:s7+$0x140];
	_ =	sdelay $0x1  }
0x120: {  	v18 =	vsub.s32 v20, v18  }
0x121: {  	v18 =	vmul.u32 $0x186A1, v18;
	_ =	sdelay $0x1  }
0x122: {  	s8 =	sadd.s32 $0x150, s7;
	v18 =	vadd.s32 v18, v19  }
0x123: {  	v20 =	vor.u32 s8, v0;
	v19 =	vand.u32 $0x3, v18  }
0x124: {  	v21 =	vmulhi.u32 $0x4EC4EC4F, v20;
	v18 =	vshrl.u32 v18, $0x2;
	v19 =	vmul.u32 $0x32, v19  }
0x125: {  	[tilespmem:$0x3440] =	vst v18  }
0x126: {  	v18 =	vshrl.u32 v21, $0x3;
	[tilespmem:$0x3540] =	vst v19  }
0x127: {  	v18 =	vmul.u32 $0x1A, v18;
	v19 =	vld [tilespmem:s7+$0x150];
	_ =	sdelay $0x1  }
0x128: {  	v18 =	vsub.s32 v20, v18  }
0x129: {  	v18 =	vmul.u32 $0x186A1, v18;
	_ =	sdelay $0x1  }
0x12a: {  	v18 =	vadd.s32 v18, v19  }
0x12b: {  	v19 =	vand.u32 $0x3, v18  }
0x12c: {  	v18 =	vshrl.u32 v18, $0x2;
	v19 =	vmul.u32 $0x32, v19  }
0x12d: {  	[tilespmem:$0x3450] =	vst v18  }
0x12e: {  	s8 =	simm.s32 $0x3440;
	[tilespmem:$0x3550] =	vst v19  }
0x12f: {  	[tilespmem:s31], [sflag:$0x3] =	stream.indirect.gather [hbm4b:s5+s24], $0xC8, s8, s24, $0xb8;
	[tilespmem:$0x10A80] =	vst v63  }
0x130: {  	_ =	swait.ge [sflag:s1], $0x1900  }
0x131: {  	[sflag:s1] =	ssyncset.done $0x0  }
0x132: {  	[sflag:s1] =	ssyncadd.s32 $0xFFFFE700  }
0x133: {  	_ =	swait.ge [sflag:s9], $0x640  }
0x134: {  	[sflag:s9] =	ssyncset.done $0x0  }
0x135: {  	[sflag:s9] =	ssyncadd.s32 $0xFFFFF9C0  }
0x136: {  	v18 =	vld [tilespmem:$0x3560];
	_ =	sdelay $0x4  }
0x137: {  	v19 =	vadd.s32 s16, v18  }
0x138: {  	v19 =	vadd.s32 v10, v19;
	_ =	sdelay $0x3  }
0x139: {  	s8 =	simm.s32 $0x1  }
0x13a: {  	s3 =	simm.s32 $0x2;
	v20 =	vadd.s32 s16, v11;
	v21 =	vadd.s32 s8, v18;
	v19 =	vld.idx.msk [tilespmem:v19+s0+$0x0], $0xffff  }
.LBB2_15:
0x13b: {  	p0 =	sne.s32 s3, $0x31;
	v21 =	vadd.s32 v10, v21;
	_ =	sdelay $0x1  }
.Ltmp6:
0x13c: {  	(pc) =	sbr.rel @p0 .LBB2_15-.Ltmp6, $4  }
0x13d: {  	_ = 	snop  }
0x13e: {  	[tilespmem:v20+s25+$0x0] =	vst.idx.msk $0xffff, v19  }
0x13f: {  	v19 =	vld.idx.msk [tilespmem:v21+s0+$0x0], $0xffff  }
0x140: {  	v20 =	vadd.s32 s8, v11;
	s8 =	smov.u32 s3;
	v21 =	vadd.s32 s3, v18;
	s3 =	sadd.s32 $0x1, s3  }
0x141: {  	v18 =	vadd.s32 v10, v21;
	_ =	sdelay $0x3  }
0x142: {  	[tilespmem:v20+s25+$0x0] =	vst.idx.msk $0xffff, v19  }
0x143: {  	v19 =	vadd.s32 s8, v11;
	v18 =	vld.idx.msk [tilespmem:v18+s0+$0x0], $0xffff;
	_ =	sdelay $0x4  }
0x144: {  	[tilespmem:v19+s25+$0x0] =	vst.idx.msk $0xffff, v18  }
0x145: {  	v18 =	vld [tilespmem:$0x3570];
	_ =	sdelay $0x3  }
0x146: {  	s16 =	simm.s32 $0x0  }
0x147: {  	v19 =	vadd.s32 s16, v18  }
0x148: {  	v19 =	vadd.s32 v16, v19;
	_ =	sdelay $0x3  }
0x149: {  	s8 =	simm.s32 $0x1  }
0x14a: {  	s3 =	simm.s32 $0x2;
	v20 =	vadd.s32 s16, v17;
	v21 =	vadd.s32 s8, v18;
	v19 =	vld.idx.msk [tilespmem:v19+s0+$0x0], $0xffff  }
.LBB2_17:
0x14b: {  	p0 =	sne.s32 s3, $0x31;
	v21 =	vadd.s32 v16, v21;
	_ =	sdelay $0x1  }
.Ltmp7:
0x14c: {  	(pc) =	sbr.rel @p0 .LBB2_17-.Ltmp7, $4  }
0x14d: {  	_ = 	snop  }
0x14e: {  	[tilespmem:v20+s25+$0x0] =	vst.idx.msk $0xffff, v19  }
0x14f: {  	v19 =	vld.idx.msk [tilespmem:v21+s0+$0x0], $0xffff  }
0x150: {  	v20 =	vadd.s32 s8, v17;
	s8 =	smov.u32 s3;
	v21 =	vadd.s32 s3, v18;
	s3 =	sadd.s32 $0x1, s3  }
0x151: {  	v18 =	vadd.s32 v16, v21;
	_ =	sdelay $0x3  }
0x152: {  	[tilespmem:v20+s25+$0x0] =	vst.idx.msk $0xffff, v19  }
0x153: {  	v19 =	vadd.s32 s8, v17;
	v18 =	vld.idx.msk [tilespmem:v18+s0+$0x0], $0xffff  }
0x154: {  	s3 =	sadd.s32 s7, s19  }
0x155: {  	s16 =	sadd.s32 $0x160, s7;
	s3 =	smul.u32 $0x32, s3  }
0x156: {  	v20 =	vor.u32 s16, v0  }
0x157: {  	s3 =	sshrl.u32 s3, $0x3;
	v21 =	vmulhi.u32 $0x4EC4EC4F, v20  }
0x158: {  	s16 =	simm.s32 $0x0;
	s3 =	sadd.s32 s2, s3;
	[tilespmem:v19+s25+$0x0] =	vst.idx.msk $0xffff, v18  }
0x159: {  	v18 =	vshrl.u32 v21, $0x3;
	[hbm4b:s3+s16] =	stream.linear.scatter [tilespmem:s25], [sflag:$0xA], $0x640, $0x38;
	[tilespmem:$0x10A80] =	vst v63  }
0x15a: {  	v18 =	vmul.u32 $0x1A, v18;
	v19 =	vld [tilespmem:s7+$0x160];
	_ =	sdelay $0x1  }
0x15b: {  	v18 =	vsub.s32 v20, v18  }
0x15c: {  	v18 =	vmul.u32 $0x186A1, v18;
	_ =	sdelay $0x1  }
0x15d: {  	s8 =	sadd.s32 $0x170, s7;
	v18 =	vadd.s32 v18, v19  }
0x15e: {  	v20 =	vor.u32 s8, v0;
	v19 =	vand.u32 $0x3, v18  }
0x15f: {  	v21 =	vmulhi.u32 $0x4EC4EC4F, v20;
	v18 =	vshrl.u32 v18, $0x2;
	v19 =	vmul.u32 $0x32, v19  }
0x160: {  	[tilespmem:$0x3460] =	vst v18  }
0x161: {  	v18 =	vshrl.u32 v21, $0x3;
	[tilespmem:$0x3560] =	vst v19  }
0x162: {  	v18 =	vmul.u32 $0x1A, v18;
	v19 =	vld [tilespmem:s7+$0x170];
	_ =	sdelay $0x1  }
0x163: {  	v18 =	vsub.s32 v20, v18  }
0x164: {  	v18 =	vmul.u32 $0x186A1, v18;
	_ =	sdelay $0x1  }
0x165: {  	v18 =	vadd.s32 v18, v19  }
0x166: {  	v19 =	vand.u32 $0x3, v18  }
0x167: {  	v18 =	vshrl.u32 v18, $0x2;
	v19 =	vmul.u32 $0x32, v19  }
0x168: {  	[tilespmem:$0x3470] =	vst v18  }
0x169: {  	s8 =	simm.s32 $0x3460;
	[tilespmem:$0x3570] =	vst v19  }
0x16a: {  	[tilespmem:s0], [sflag:$0x4] =	stream.indirect.gather [hbm4b:s5+s24], $0xC8, s8, s24, $0xb8;
	[tilespmem:$0x10A80] =	vst v63  }
0x16b: {  	_ =	swait.ge [sflag:s11], $0x1900  }
0x16c: {  	[sflag:s11] =	ssyncset.done $0x0  }
0x16d: {  	[sflag:s11] =	ssyncadd.s32 $0xFFFFE700  }
0x16e: {  	_ =	swait.ge [sflag:s30], $0x640  }
0x16f: {  	[sflag:s30] =	ssyncset.done $0x0  }
0x170: {  	[sflag:s30] =	ssyncadd.s32 $0xFFFFF9C0  }
0x171: {  	v18 =	vld [tilespmem:$0x3580];
	_ =	sdelay $0x4  }
0x172: {  	v19 =	vadd.s32 s16, v18  }
0x173: {  	v19 =	vadd.s32 v10, v19;
	_ =	sdelay $0x3  }
0x174: {  	s8 =	simm.s32 $0x1  }
0x175: {  	s3 =	simm.s32 $0x2;
	v20 =	vadd.s32 s16, v11;
	v21 =	vadd.s32 s8, v18;
	v19 =	vld.idx.msk [tilespmem:v19+s10+$0x0], $0xffff  }
.LBB2_19:
0x176: {  	p0 =	sne.s32 s3, $0x31;
	v21 =	vadd.s32 v10, v21;
	_ =	sdelay $0x1  }
.Ltmp8:
0x177: {  	(pc) =	sbr.rel @p0 .LBB2_19-.Ltmp8, $4  }
0x178: {  	_ = 	snop  }
0x179: {  	[tilespmem:v20+s22+$0x0] =	vst.idx.msk $0xffff, v19  }
0x17a: {  	v19 =	vld.idx.msk [tilespmem:v21+s10+$0x0], $0xffff  }
0x17b: {  	v20 =	vadd.s32 s8, v11;
	s8 =	smov.u32 s3;
	v21 =	vadd.s32 s3, v18;
	s3 =	sadd.s32 $0x1, s3  }
0x17c: {  	v18 =	vadd.s32 v10, v21;
	_ =	sdelay $0x3  }
0x17d: {  	[tilespmem:v20+s22+$0x0] =	vst.idx.msk $0xffff, v19  }
0x17e: {  	v19 =	vadd.s32 s8, v11;
	v18 =	vld.idx.msk [tilespmem:v18+s10+$0x0], $0xffff;
	_ =	sdelay $0x4  }
0x17f: {  	[tilespmem:v19+s22+$0x0] =	vst.idx.msk $0xffff, v18  }
0x180: {  	v18 =	vld [tilespmem:$0x3590];
	_ =	sdelay $0x3  }
0x181: {  	s16 =	simm.s32 $0x0  }
0x182: {  	v19 =	vadd.s32 s16, v18  }
0x183: {  	v19 =	vadd.s32 v16, v19;
	_ =	sdelay $0x3  }
0x184: {  	s8 =	simm.s32 $0x1  }
0x185: {  	s3 =	simm.s32 $0x2;
	v20 =	vadd.s32 s16, v17;
	v21 =	vadd.s32 s8, v18;
	v19 =	vld.idx.msk [tilespmem:v19+s10+$0x0], $0xffff  }
.LBB2_21:
0x186: {  	p0 =	sne.s32 s3, $0x31;
	v21 =	vadd.s32 v16, v21;
	_ =	sdelay $0x1  }
.Ltmp9:
0x187: {  	(pc) =	sbr.rel @p0 .LBB2_21-.Ltmp9, $4  }
0x188: {  	_ = 	snop  }
0x189: {  	[tilespmem:v20+s22+$0x0] =	vst.idx.msk $0xffff, v19  }
0x18a: {  	v19 =	vld.idx.msk [tilespmem:v21+s10+$0x0], $0xffff  }
0x18b: {  	v20 =	vadd.s32 s8, v17;
	s8 =	smov.u32 s3;
	v21 =	vadd.s32 s3, v18;
	s3 =	sadd.s32 $0x1, s3  }
0x18c: {  	v18 =	vadd.s32 v16, v21;
	_ =	sdelay $0x3  }
0x18d: {  	[tilespmem:v20+s22+$0x0] =	vst.idx.msk $0xffff, v19  }
0x18e: {  	v19 =	vadd.s32 s8, v17;
	v18 =	vld.idx.msk [tilespmem:v18+s10+$0x0], $0xffff  }
0x18f: {  	s3 =	sadd.s32 s7, s21  }
0x190: {  	s16 =	sadd.s32 $0x180, s7;
	s3 =	smul.u32 $0x32, s3  }
0x191: {  	v20 =	vor.u32 s16, v0  }
0x192: {  	s3 =	sshrl.u32 s3, $0x3;
	v21 =	vmulhi.u32 $0x4EC4EC4F, v20  }
0x193: {  	s16 =	simm.s32 $0x0;
	s3 =	sadd.s32 s2, s3;
	[tilespmem:v19+s22+$0x0] =	vst.idx.msk $0xffff, v18  }
0x194: {  	v18 =	vshrl.u32 v21, $0x3;
	[hbm4b:s3+s16] =	stream.linear.scatter [tilespmem:s22], [sflag:$0x9], $0x640, $0x38;
	[tilespmem:$0x10A80] =	vst v63  }
0x195: {  	v18 =	vmul.u32 $0x1A, v18;
	v19 =	vld [tilespmem:s7+$0x180];
	_ =	sdelay $0x1  }
0x196: {  	v18 =	vsub.s32 v20, v18  }
0x197: {  	v18 =	vmul.u32 $0x186A1, v18;
	_ =	sdelay $0x1  }
0x198: {  	s8 =	sadd.s32 $0x190, s7;
	v18 =	vadd.s32 v18, v19  }
0x199: {  	v20 =	vor.u32 s8, v0;
	v19 =	vand.u32 $0x3, v18  }
0x19a: {  	v21 =	vmulhi.u32 $0x4EC4EC4F, v20;
	v18 =	vshrl.u32 v18, $0x2;
	v19 =	vmul.u32 $0x32, v19  }
0x19b: {  	[tilespmem:$0x3480] =	vst v18  }
0x19c: {  	v18 =	vshrl.u32 v21, $0x3;
	[tilespmem:$0x3580] =	vst v19  }
0x19d: {  	v18 =	vmul.u32 $0x1A, v18;
	v19 =	vld [tilespmem:s7+$0x190];
	_ =	sdelay $0x1  }
0x19e: {  	v18 =	vsub.s32 v20, v18  }
0x19f: {  	v18 =	vmul.u32 $0x186A1, v18;
	_ =	sdelay $0x1  }
0x1a0: {  	v18 =	vadd.s32 v18, v19  }
0x1a1: {  	v19 =	vand.u32 $0x3, v18  }
0x1a2: {  	v18 =	vshrl.u32 v18, $0x2;
	v19 =	vmul.u32 $0x32, v19  }
0x1a3: {  	[tilespmem:$0x3490] =	vst v18  }
0x1a4: {  	s8 =	simm.s32 $0x3480;
	[tilespmem:$0x3590] =	vst v19  }
0x1a5: {  	[tilespmem:s10], [sflag:$0x5] =	stream.indirect.gather [hbm4b:s5+s24], $0xC8, s8, s24, $0xb8;
	[tilespmem:$0x10A80] =	vst v63  }
0x1a6: {  	_ =	swait.ge [sflag:s13], $0x1900  }
0x1a7: {  	[sflag:s13] =	ssyncset.done $0x0  }
0x1a8: {  	[sflag:s13] =	ssyncadd.s32 $0xFFFFE700  }
0x1a9: {  	_ =	swait.ge [sflag:s9], $0x640  }
0x1aa: {  	[sflag:s9] =	ssyncset.done $0x0  }
0x1ab: {  	[sflag:s9] =	ssyncadd.s32 $0xFFFFF9C0  }
0x1ac: {  	v18 =	vld [tilespmem:$0x35A0];
	_ =	sdelay $0x4  }
0x1ad: {  	v19 =	vadd.s32 s16, v18  }
0x1ae: {  	v19 =	vadd.s32 v10, v19;
	_ =	sdelay $0x3  }
0x1af: {  	s8 =	simm.s32 $0x1  }
0x1b0: {  	s3 =	simm.s32 $0x2;
	v20 =	vadd.s32 s16, v11;
	v21 =	vadd.s32 s8, v18;
	v19 =	vld.idx.msk [tilespmem:v19+s12+$0x0], $0xffff  }
.LBB2_23:
0x1b1: {  	p0 =	sne.s32 s3, $0x31;
	v21 =	vadd.s32 v10, v21;
	_ =	sdelay $0x1  }
.Ltmp10:
0x1b2: {  	(pc) =	sbr.rel @p0 .LBB2_23-.Ltmp10, $4  }
0x1b3: {  	_ = 	snop  }
0x1b4: {  	[tilespmem:v20+s25+$0x0] =	vst.idx.msk $0xffff, v19  }
0x1b5: {  	v19 =	vld.idx.msk [tilespmem:v21+s12+$0x0], $0xffff  }
0x1b6: {  	v20 =	vadd.s32 s8, v11;
	s8 =	smov.u32 s3;
	v21 =	vadd.s32 s3, v18;
	s3 =	sadd.s32 $0x1, s3  }
0x1b7: {  	v18 =	vadd.s32 v10, v21;
	_ =	sdelay $0x3  }
0x1b8: {  	[tilespmem:v20+s25+$0x0] =	vst.idx.msk $0xffff, v19  }
0x1b9: {  	v19 =	vadd.s32 s8, v11;
	v18 =	vld.idx.msk [tilespmem:v18+s12+$0x0], $0xffff;
	_ =	sdelay $0x4  }
0x1ba: {  	[tilespmem:v19+s25+$0x0] =	vst.idx.msk $0xffff, v18  }
0x1bb: {  	v18 =	vld [tilespmem:$0x35B0];
	_ =	sdelay $0x3  }
0x1bc: {  	s16 =	simm.s32 $0x0  }
0x1bd: {  	v19 =	vadd.s32 s16, v18  }
0x1be: {  	v19 =	vadd.s32 v16, v19;
	_ =	sdelay $0x3  }
0x1bf: {  	s8 =	simm.s32 $0x1  }
0x1c0: {  	s3 =	simm.s32 $0x2;
	v20 =	vadd.s32 s16, v17;
	v21 =	vadd.s32 s8, v18;
	v19 =	vld.idx.msk [tilespmem:v19+s12+$0x0], $0xffff  }
.LBB2_25:
0x1c1: {  	p0 =	sne.s32 s3, $0x31;
	v21 =	vadd.s32 v16, v21;
	_ =	sdelay $0x1  }
.Ltmp11:
0x1c2: {  	(pc) =	sbr.rel @p0 .LBB2_25-.Ltmp11, $4  }
0x1c3: {  	_ = 	snop  }
0x1c4: {  	[tilespmem:v20+s25+$0x0] =	vst.idx.msk $0xffff, v19  }
0x1c5: {  	v19 =	vld.idx.msk [tilespmem:v21+s12+$0x0], $0xffff  }
0x1c6: {  	v20 =	vadd.s32 s8, v17;
	s8 =	smov.u32 s3;
	v21 =	vadd.s32 s3, v18;
	s3 =	sadd.s32 $0x1, s3  }
0x1c7: {  	v18 =	vadd.s32 v16, v21;
	_ =	sdelay $0x3  }
0x1c8: {  	[tilespmem:v20+s25+$0x0] =	vst.idx.msk $0xffff, v19  }
0x1c9: {  	s3 =	rddreg [dreg:$0x4];
	v19 =	vadd.s32 s8, v17;
	v18 =	vld.idx.msk [tilespmem:v18+s12+$0x0], $0xffff  }
0x1ca: {  	s3 =	sadd.s32 s7, s3  }
0x1cb: {  	s16 =	sadd.s32 $0x1A0, s7;
	s3 =	smul.u32 $0x32, s3  }
0x1cc: {  	v20 =	vor.u32 s16, v0  }
0x1cd: {  	s3 =	sshrl.u32 s3, $0x3;
	v21 =	vmulhi.u32 $0x4EC4EC4F, v20  }
0x1ce: {  	s16 =	simm.s32 $0x0;
	s3 =	sadd.s32 s2, s3;
	[tilespmem:v19+s25+$0x0] =	vst.idx.msk $0xffff, v18  }
0x1cf: {  	v18 =	vshrl.u32 v21, $0x3;
	[hbm4b:s3+s16] =	stream.linear.scatter [tilespmem:s25], [sflag:$0xA], $0x640, $0x38;
	[tilespmem:$0x10A80] =	vst v63  }
0x1d0: {  	v18 =	vmul.u32 $0x1A, v18;
	v19 =	vld [tilespmem:s7+$0x1A0];
	_ =	sdelay $0x1  }
0x1d1: {  	v18 =	vsub.s32 v20, v18  }
0x1d2: {  	v18 =	vmul.u32 $0x186A1, v18;
	_ =	sdelay $0x1  }
0x1d3: {  	s8 =	sadd.s32 $0x1B0, s7;
	v18 =	vadd.s32 v18, v19  }
0x1d4: {  	v20 =	vor.u32 s8, v0;
	v19 =	vand.u32 $0x3, v18  }
0x1d5: {  	v21 =	vmulhi.u32 $0x4EC4EC4F, v20;
	v18 =	vshrl.u32 v18, $0x2;
	v19 =	vmul.u32 $0x32, v19  }
0x1d6: {  	[tilespmem:$0x34A0] =	vst v18  }
0x1d7: {  	v18 =	vshrl.u32 v21, $0x3;
	[tilespmem:$0x35A0] =	vst v19  }
0x1d8: {  	v18 =	vmul.u32 $0x1A, v18;
	v19 =	vld [tilespmem:s7+$0x1B0];
	_ =	sdelay $0x1  }
0x1d9: {  	v18 =	vsub.s32 v20, v18  }
0x1da: {  	v18 =	vmul.u32 $0x186A1, v18;
	_ =	sdelay $0x1  }
0x1db: {  	v18 =	vadd.s32 v18, v19  }
0x1dc: {  	v19 =	vand.u32 $0x3, v18  }
0x1dd: {  	v18 =	vshrl.u32 v18, $0x2;
	v19 =	vmul.u32 $0x32, v19  }
0x1de: {  	[tilespmem:$0x34B0] =	vst v18  }
0x1df: {  	s8 =	simm.s32 $0x34A0;
	[tilespmem:$0x35B0] =	vst v19  }
0x1e0: {  	[tilespmem:s12], [sflag:$0x6] =	stream.indirect.gather [hbm4b:s5+s24], $0xC8, s8, s24, $0xb8;
	[tilespmem:$0x10A80] =	vst v63  }
0x1e1: {  	_ =	swait.ge [sflag:s15], $0x1900  }
0x1e2: {  	[sflag:s15] =	ssyncset.done $0x0  }
0x1e3: {  	[sflag:s15] =	ssyncadd.s32 $0xFFFFE700  }
0x1e4: {  	_ =	swait.ge [sflag:s30], $0x640  }
0x1e5: {  	[sflag:s30] =	ssyncset.done $0x0  }
0x1e6: {  	[sflag:s30] =	ssyncadd.s32 $0xFFFFF9C0  }
0x1e7: {  	v18 =	vld [tilespmem:$0x35C0];
	_ =	sdelay $0x4  }
0x1e8: {  	v19 =	vadd.s32 s16, v18  }
0x1e9: {  	v19 =	vadd.s32 v10, v19;
	_ =	sdelay $0x3  }
0x1ea: {  	s8 =	simm.s32 $0x1  }
0x1eb: {  	s3 =	simm.s32 $0x2;
	v20 =	vadd.s32 s16, v11;
	v21 =	vadd.s32 s8, v18;
	v19 =	vld.idx.msk [tilespmem:v19+s14+$0x0], $0xffff  }
.LBB2_27:
0x1ec: {  	p0 =	sne.s32 s3, $0x31;
	v21 =	vadd.s32 v10, v21;
	_ =	sdelay $0x1  }
.Ltmp12:
0x1ed: {  	(pc) =	sbr.rel @p0 .LBB2_27-.Ltmp12, $4  }
0x1ee: {  	_ = 	snop  }
0x1ef: {  	[tilespmem:v20+s22+$0x0] =	vst.idx.msk $0xffff, v19  }
0x1f0: {  	v19 =	vld.idx.msk [tilespmem:v21+s14+$0x0], $0xffff  }
0x1f1: {  	v20 =	vadd.s32 s8, v11;
	s8 =	smov.u32 s3;
	v21 =	vadd.s32 s3, v18;
	s3 =	sadd.s32 $0x1, s3  }
0x1f2: {  	v18 =	vadd.s32 v10, v21;
	_ =	sdelay $0x3  }
0x1f3: {  	[tilespmem:v20+s22+$0x0] =	vst.idx.msk $0xffff, v19  }
0x1f4: {  	v19 =	vadd.s32 s8, v11;
	v18 =	vld.idx.msk [tilespmem:v18+s14+$0x0], $0xffff;
	_ =	sdelay $0x4  }
0x1f5: {  	[tilespmem:v19+s22+$0x0] =	vst.idx.msk $0xffff, v18  }
0x1f6: {  	v18 =	vld [tilespmem:$0x35D0];
	_ =	sdelay $0x3  }
0x1f7: {  	s16 =	simm.s32 $0x0  }
0x1f8: {  	v19 =	vadd.s32 s16, v18  }
0x1f9: {  	v19 =	vadd.s32 v16, v19;
	_ =	sdelay $0x3  }
0x1fa: {  	s8 =	simm.s32 $0x1  }
0x1fb: {  	s3 =	simm.s32 $0x2;
	v20 =	vadd.s32 s16, v17;
	v21 =	vadd.s32 s8, v18;
	v19 =	vld.idx.msk [tilespmem:v19+s14+$0x0], $0xffff  }
.LBB2_29:
0x1fc: {  	p0 =	sne.s32 s3, $0x31;
	v21 =	vadd.s32 v16, v21;
	_ =	sdelay $0x1  }
.Ltmp13:
0x1fd: {  	(pc) =	sbr.rel @p0 .LBB2_29-.Ltmp13, $4  }
0x1fe: {  	_ = 	snop  }
0x1ff: {  	[tilespmem:v20+s22+$0x0] =	vst.idx.msk $0xffff, v19  }
0x200: {  	v19 =	vld.idx.msk [tilespmem:v21+s14+$0x0], $0xffff  }
0x201: {  	v20 =	vadd.s32 s8, v17;
	s8 =	smov.u32 s3;
	v21 =	vadd.s32 s3, v18;
	s3 =	sadd.s32 $0x1, s3  }
0x202: {  	v18 =	vadd.s32 v16, v21;
	_ =	sdelay $0x3  }
0x203: {  	[tilespmem:v20+s22+$0x0] =	vst.idx.msk $0xffff, v19  }
0x204: {  	s3 =	rddreg [dreg:$0x5];
	v19 =	vadd.s32 s8, v17;
	v18 =	vld.idx.msk [tilespmem:v18+s14+$0x0], $0xffff  }
0x205: {  	s3 =	sadd.s32 s7, s3  }
0x206: {  	s16 =	sadd.s32 $0x1C0, s7;
	s3 =	smul.u32 $0x32, s3  }
0x207: {  	v20 =	vor.u32 s16, v0  }
0x208: {  	s3 =	sshrl.u32 s3, $0x3;
	v21 =	vmulhi.u32 $0x4EC4EC4F, v20  }
0x209: {  	s16 =	simm.s32 $0x0;
	s3 =	sadd.s32 s2, s3;
	[tilespmem:v19+s22+$0x0] =	vst.idx.msk $0xffff, v18  }
0x20a: {  	v18 =	vshrl.u32 v21, $0x3;
	[hbm4b:s3+s16] =	stream.linear.scatter [tilespmem:s22], [sflag:$0x9], $0x640, $0x38;
	[tilespmem:$0x10A80] =	vst v63  }
0x20b: {  	v18 =	vmul.u32 $0x1A, v18;
	v19 =	vld [tilespmem:s7+$0x1C0];
	_ =	sdelay $0x1  }
0x20c: {  	v18 =	vsub.s32 v20, v18  }
0x20d: {  	v18 =	vmul.u32 $0x186A1, v18;
	_ =	sdelay $0x1  }
0x20e: {  	s8 =	sadd.s32 $0x1D0, s7;
	v18 =	vadd.s32 v18, v19  }
0x20f: {  	v20 =	vor.u32 s8, v0;
	v19 =	vand.u32 $0x3, v18  }
0x210: {  	v21 =	vmulhi.u32 $0x4EC4EC4F, v20;
	v18 =	vshrl.u32 v18, $0x2;
	v19 =	vmul.u32 $0x32, v19  }
0x211: {  	[tilespmem:$0x34C0] =	vst v18  }
0x212: {  	v18 =	vshrl.u32 v21, $0x3;
	[tilespmem:$0x35C0] =	vst v19  }
0x213: {  	v18 =	vmul.u32 $0x1A, v18;
	v19 =	vld [tilespmem:s7+$0x1D0];
	_ =	sdelay $0x1  }
0x214: {  	v18 =	vsub.s32 v20, v18  }
0x215: {  	v18 =	vmul.u32 $0x186A1, v18;
	_ =	sdelay $0x1  }
0x216: {  	v18 =	vadd.s32 v18, v19  }
0x217: {  	v19 =	vand.u32 $0x3, v18  }
0x218: {  	v18 =	vshrl.u32 v18, $0x2;
	v19 =	vmul.u32 $0x32, v19  }
0x219: {  	[tilespmem:$0x34D0] =	vst v18  }
0x21a: {  	s8 =	simm.s32 $0x34C0;
	[tilespmem:$0x35D0] =	vst v19  }
0x21b: {  	[tilespmem:s14], [sflag:$0x7] =	stream.indirect.gather [hbm4b:s5+s24], $0xC8, s8, s24, $0xb8;
	[tilespmem:$0x10A80] =	vst v63  }
0x21c: {  	_ =	swait.ge [sflag:s4], $0x1900  }
0x21d: {  	[sflag:s4] =	ssyncset.done $0x0  }
0x21e: {  	[sflag:s4] =	ssyncadd.s32 $0xFFFFE700  }
0x21f: {  	_ =	swait.ge [sflag:s9], $0x640  }
0x220: {  	[sflag:s9] =	ssyncset.done $0x0  }
0x221: {  	[sflag:s9] =	ssyncadd.s32 $0xFFFFF9C0  }
0x222: {  	v18 =	vld [tilespmem:$0x35E0];
	_ =	sdelay $0x4  }
0x223: {  	v19 =	vadd.s32 s16, v18  }
0x224: {  	v19 =	vadd.s32 v10, v19;
	_ =	sdelay $0x3  }
0x225: {  	s8 =	simm.s32 $0x1  }
0x226: {  	s3 =	simm.s32 $0x2;
	v20 =	vadd.s32 s16, v11;
	v21 =	vadd.s32 s8, v18;
	v19 =	vld.idx.msk [tilespmem:v19+s17+$0x0], $0xffff  }
.LBB2_31:
0x227: {  	p0 =	sne.s32 s3, $0x31;
	v21 =	vadd.s32 v10, v21;
	_ =	sdelay $0x1  }
.Ltmp14:
0x228: {  	(pc) =	sbr.rel @p0 .LBB2_31-.Ltmp14, $4  }
0x229: {  	_ = 	snop  }
0x22a: {  	[tilespmem:v20+s25+$0x0] =	vst.idx.msk $0xffff, v19  }
0x22b: {  	v19 =	vld.idx.msk [tilespmem:v21+s17+$0x0], $0xffff  }
0x22c: {  	v20 =	vadd.s32 s8, v11;
	s8 =	smov.u32 s3;
	v21 =	vadd.s32 s3, v18;
	s3 =	sadd.s32 $0x1, s3  }
0x22d: {  	v18 =	vadd.s32 v10, v21;
	_ =	sdelay $0x3  }
0x22e: {  	[tilespmem:v20+s25+$0x0] =	vst.idx.msk $0xffff, v19  }
0x22f: {  	v19 =	vadd.s32 s8, v11;
	v18 =	vld.idx.msk [tilespmem:v18+s17+$0x0], $0xffff;
	_ =	sdelay $0x4  }
0x230: {  	[tilespmem:v19+s25+$0x0] =	vst.idx.msk $0xffff, v18  }
0x231: {  	v18 =	vld [tilespmem:$0x35F0];
	_ =	sdelay $0x3  }
0x232: {  	s16 =	simm.s32 $0x0  }
0x233: {  	v19 =	vadd.s32 s16, v18  }
0x234: {  	v19 =	vadd.s32 v16, v19;
	_ =	sdelay $0x3  }
0x235: {  	s8 =	simm.s32 $0x1  }
0x236: {  	s3 =	simm.s32 $0x2;
	v20 =	vadd.s32 s16, v17;
	v21 =	vadd.s32 s8, v18;
	v19 =	vld.idx.msk [tilespmem:v19+s17+$0x0], $0xffff  }
.LBB2_33:
0x237: {  	p0 =	sne.s32 s3, $0x31;
	v21 =	vadd.s32 v16, v21;
	_ =	sdelay $0x1  }
.Ltmp15:
0x238: {  	(pc) =	sbr.rel @p0 .LBB2_33-.Ltmp15, $4  }
0x239: {  	_ = 	snop  }
0x23a: {  	[tilespmem:v20+s25+$0x0] =	vst.idx.msk $0xffff, v19  }
0x23b: {  	v19 =	vld.idx.msk [tilespmem:v21+s17+$0x0], $0xffff  }
0x23c: {  	v20 =	vadd.s32 s8, v17;
	s8 =	smov.u32 s3;
	v21 =	vadd.s32 s3, v18;
	s3 =	sadd.s32 $0x1, s3  }
0x23d: {  	v18 =	vadd.s32 v16, v21;
	_ =	sdelay $0x3  }
0x23e: {  	[tilespmem:v20+s25+$0x0] =	vst.idx.msk $0xffff, v19  }
0x23f: {  	s3 =	rddreg [dreg:$0x6];
	v19 =	vadd.s32 s8, v17;
	v18 =	vld.idx.msk [tilespmem:v18+s17+$0x0], $0xffff  }
0x240: {  	s3 =	sadd.s32 s7, s3  }
0x241: {  	s16 =	sadd.s32 $0x1E0, s7;
	s3 =	smul.u32 $0x32, s3  }
0x242: {  	v60 =	vor.u32 s16, v0  }
0x243: {  	v61 =	vmulhi.u32 $0x4EC4EC4F, v60;
	s3 =	sshrl.u32 s3, $0x3  }
0x244: {  	s16 =	simm.s32 $0x0;
	s3 =	sadd.s32 s2, s3;
	[tilespmem:v19+s25+$0x0] =	vst.idx.msk $0xffff, v18  }
0x245: {  	v18 =	vshrl.u32 v61, $0x3;
	[hbm4b:s3+s16] =	stream.linear.scatter [tilespmem:s25], [sflag:$0xA], $0x640, $0x38;
	[tilespmem:$0x10A80] =	vst v63  }
0x246: {  	v18 =	vmul.u32 $0x1A, v18;
	v19 =	vld [tilespmem:s7+$0x1E0];
	_ =	sdelay $0x1  }
0x247: {  	v18 =	vsub.s32 v60, v18  }
0x248: {  	v18 =	vmul.u32 $0x186A1, v18;
	_ =	sdelay $0x1  }
0x249: {  	s8 =	sadd.s32 $0x1F0, s7;
	v18 =	vadd.s32 v18, v19  }
0x24a: {  	v62 =	vor.u32 s8, v0;
	v19 =	vand.u32 $0x3, v18  }
0x24b: {  	v63 =	vmulhi.u32 $0x4EC4EC4F, v62;
	v18 =	vshrl.u32 v18, $0x2;
	v19 =	vmul.u32 $0x32, v19  }
0x24c: {  	[tilespmem:$0x34E0] =	vst v18  }
0x24d: {  	v18 =	vshrl.u32 v63, $0x3;
	[tilespmem:$0x35E0] =	vst v19  }
0x24e: {  	v18 =	vmul.u32 $0x1A, v18;
	v19 =	vld [tilespmem:s7+$0x1F0];
	_ =	sdelay $0x1  }
0x24f: {  	v18 =	vsub.s32 v62, v18  }
0x250: {  	v18 =	vmul.u32 $0x186A1, v18  }
0x251: {  	s6 =	sadd.s32 $0x1, s6  }
0x252: {  	p0 =	sne.s32 s6, $0x33;
	v18 =	vadd.s32 v18, v19  }
.Ltmp16:
0x253: {  	v19 =	vand.u32 $0x3, v18;
	(pc) =	sbr.rel @p0 .LBB2_2-.Ltmp16, $4  }
0x254: {  	v18 =	vshrl.u32 v18, $0x2;
	v19 =	vmul.u32 $0x32, v19  }
0x255: {  	[tilespmem:$0x34F0] =	vst v18  }
0x256: {  	s8 =	simm.s32 $0x34E0;
	[tilespmem:$0x35F0] =	vst v19  }
0x257: {  	[tilespmem:s17], [sflag:$0x8] =	stream.indirect.gather [hbm4b:s5+s24], $0xC8, s8, s24, $0xb8;
	[tilespmem:$0x10A80] =	vst v63  }
0x258: {  	_ =	swait.ge [sflag:s20], $0x1900  }
0x259: {  	[sflag:s20] =	ssyncset.done $0x0  }
0x25a: {  	[sflag:s20] =	ssyncadd.s32 $0xFFFFE700  }
0x25b: {  	_ =	swait.ge [sflag:s30], $0x640  }
0x25c: {  	[sflag:s30] =	ssyncset.done $0x0  }
0x25d: {  	[sflag:s30] =	ssyncadd.s32 $0xFFFFF9C0  }
0x25e: {  	v18 =	vld [tilespmem:$0x3500];
	_ =	sdelay $0x3  }
0x25f: {  	s7 =	simm.s32 $0x0  }
0x260: {  	v19 =	vadd.s32 s7, v18  }
0x261: {  	v19 =	vadd.s32 v10, v19;
	_ =	sdelay $0x3  }
0x262: {  	s6 =	simm.s32 $0x1  }
0x263: {  	s3 =	simm.s32 $0x2;
	v20 =	vadd.s32 s7, v11;
	v21 =	vadd.s32 s6, v18;
	v19 =	vld.idx.msk [tilespmem:v19+s26+$0x0], $0xffff  }
.LBB2_36:
0x264: {  	p0 =	sne.s32 s3, $0x31;
	v21 =	vadd.s32 v10, v21;
	_ =	sdelay $0x1  }
.Ltmp17:
0x265: {  	(pc) =	sbr.rel @p0 .LBB2_36-.Ltmp17, $4  }
0x266: {  	_ = 	snop  }
0x267: {  	[tilespmem:v20+s22+$0x0] =	vst.idx.msk $0xffff, v19  }
0x268: {  	v19 =	vld.idx.msk [tilespmem:v21+s26+$0x0], $0xffff  }
0x269: {  	v20 =	vadd.s32 s6, v11;
	s6 =	smov.u32 s3;
	v21 =	vadd.s32 s3, v18;
	s3 =	sadd.s32 $0x1, s3  }
0x26a: {  	v18 =	vadd.s32 v10, v21;
	_ =	sdelay $0x3  }
0x26b: {  	[tilespmem:v20+s22+$0x0] =	vst.idx.msk $0xffff, v19  }
0x26c: {  	v19 =	vadd.s32 s6, v11;
	v18 =	vld.idx.msk [tilespmem:v18+s26+$0x0], $0xffff;
	_ =	sdelay $0x4  }
0x26d: {  	[tilespmem:v19+s22+$0x0] =	vst.idx.msk $0xffff, v18  }
0x26e: {  	v18 =	vld [tilespmem:$0x3510];
	_ =	sdelay $0x3  }
0x26f: {  	s7 =	simm.s32 $0x0  }
0x270: {  	v19 =	vadd.s32 s7, v18  }
0x271: {  	v19 =	vadd.s32 v16, v19;
	_ =	sdelay $0x3  }
0x272: {  	s6 =	simm.s32 $0x1  }
0x273: {  	s3 =	simm.s32 $0x2;
	v20 =	vadd.s32 s7, v17;
	v21 =	vadd.s32 s6, v18;
	v19 =	vld.idx.msk [tilespmem:v19+s26+$0x0], $0xffff  }
.LBB2_38:
0x274: {  	p0 =	sne.s32 s3, $0x31;
	v21 =	vadd.s32 v16, v21;
	_ =	sdelay $0x1  }
.Ltmp18:
0x275: {  	(pc) =	sbr.rel @p0 .LBB2_38-.Ltmp18, $4  }
0x276: {  	_ = 	snop  }
0x277: {  	[tilespmem:v20+s22+$0x0] =	vst.idx.msk $0xffff, v19  }
0x278: {  	v19 =	vld.idx.msk [tilespmem:v21+s26+$0x0], $0xffff  }
0x279: {  	v20 =	vadd.s32 s6, v17;
	s6 =	smov.u32 s3;
	v21 =	vadd.s32 s3, v18;
	s3 =	sadd.s32 $0x1, s3  }
0x27a: {  	v18 =	vadd.s32 v16, v21;
	_ =	sdelay $0x3  }
0x27b: {  	[tilespmem:v20+s22+$0x0] =	vst.idx.msk $0xffff, v19  }
0x27c: {  	v19 =	vadd.s32 s6, v17;
	v18 =	vld.idx.msk [tilespmem:v18+s26+$0x0], $0xffff;
	_ =	sdelay $0x4  }
0x27d: {  	s7 =	simm.s32 $0x0;
	s3 =	rddreg [dreg:$0x7];
	[tilespmem:v19+s22+$0x0] =	vst.idx.msk $0xffff, v18  }
0x27e: {  	[hbm4b:s3+s7] =	stream.linear.scatter [tilespmem:s22], [sflag:$0x9], $0x640, $0x38;
	[tilespmem:$0x10A80] =	vst v63  }
0x27f: {  	_ =	swait.ge [sflag:s23], $0x1900  }
0x280: {  	[sflag:s23] =	ssyncset.done $0x0  }
0x281: {  	[sflag:s23] =	ssyncadd.s32 $0xFFFFE700  }
0x282: {  	_ =	swait.ge [sflag:s9], $0x640  }
0x283: {  	[sflag:s9] =	ssyncset.done $0x0  }
0x284: {  	[sflag:s9] =	ssyncadd.s32 $0xFFFFF9C0  }
0x285: {  	v18 =	vld [tilespmem:$0x3520];
	_ =	sdelay $0x4  }
0x286: {  	v19 =	vadd.s32 s7, v18  }
0x287: {  	v19 =	vadd.s32 v10, v19;
	_ =	sdelay $0x3  }
0x288: {  	s6 =	simm.s32 $0x1  }
0x289: {  	v20 =	vadd.s32 s7, v11;
	s3 =	simm.s32 $0x2;
	v21 =	vadd.s32 s6, v18;
	v19 =	vld.idx.msk [tilespmem:v19+s29+$0x0], $0xffff  }
.LBB2_40:
0x28a: {  	p0 =	sne.s32 s3, $0x31;
	v21 =	vadd.s32 v10, v21;
	_ =	sdelay $0x1  }
.Ltmp19:
0x28b: {  	(pc) =	sbr.rel @p0 .LBB2_40-.Ltmp19, $4  }
0x28c: {  	_ = 	snop  }
0x28d: {  	[tilespmem:v20+s25+$0x0] =	vst.idx.msk $0xffff, v19  }
0x28e: {  	v19 =	vld.idx.msk [tilespmem:v21+s29+$0x0], $0xffff  }
0x28f: {  	v20 =	vadd.s32 s6, v11;
	s6 =	smov.u32 s3;
	v21 =	vadd.s32 s3, v18;
	s3 =	sadd.s32 $0x1, s3  }
0x290: {  	v18 =	vadd.s32 v10, v21;
	_ =	sdelay $0x3  }
0x291: {  	[tilespmem:v20+s25+$0x0] =	vst.idx.msk $0xffff, v19  }
0x292: {  	v19 =	vadd.s32 s6, v11;
	v18 =	vld.idx.msk [tilespmem:v18+s29+$0x0], $0xffff;
	_ =	sdelay $0x4  }
0x293: {  	[tilespmem:v19+s25+$0x0] =	vst.idx.msk $0xffff, v18  }
0x294: {  	v18 =	vld [tilespmem:$0x3530];
	_ =	sdelay $0x3  }
0x295: {  	s7 =	simm.s32 $0x0  }
0x296: {  	v19 =	vadd.s32 s7, v18  }
0x297: {  	v19 =	vadd.s32 v16, v19;
	_ =	sdelay $0x3  }
0x298: {  	s6 =	simm.s32 $0x1  }
0x299: {  	s3 =	simm.s32 $0x2;
	v20 =	vadd.s32 s7, v17;
	v21 =	vadd.s32 s6, v18;
	v19 =	vld.idx.msk [tilespmem:v19+s29+$0x0], $0xffff  }
.LBB2_42:
0x29a: {  	p0 =	sne.s32 s3, $0x31;
	v21 =	vadd.s32 v16, v21;
	_ =	sdelay $0x1  }
.Ltmp20:
0x29b: {  	(pc) =	sbr.rel @p0 .LBB2_42-.Ltmp20, $4  }
0x29c: {  	_ = 	snop  }
0x29d: {  	[tilespmem:v20+s25+$0x0] =	vst.idx.msk $0xffff, v19  }
0x29e: {  	v19 =	vld.idx.msk [tilespmem:v21+s29+$0x0], $0xffff  }
0x29f: {  	v20 =	vadd.s32 s6, v17;
	s6 =	smov.u32 s3;
	v21 =	vadd.s32 s3, v18;
	s3 =	sadd.s32 $0x1, s3  }
0x2a0: {  	v18 =	vadd.s32 v16, v21;
	_ =	sdelay $0x3  }
0x2a1: {  	[tilespmem:v20+s25+$0x0] =	vst.idx.msk $0xffff, v19  }
0x2a2: {  	v19 =	vadd.s32 s6, v17;
	v18 =	vld.idx.msk [tilespmem:v18+s29+$0x0], $0xffff;
	_ =	sdelay $0x4  }
0x2a3: {  	s7 =	simm.s32 $0x0;
	s3 =	rddreg [dreg:$0x8];
	[tilespmem:v19+s25+$0x0] =	vst.idx.msk $0xffff, v18  }
0x2a4: {  	[hbm4b:s3+s7] =	stream.linear.scatter [tilespmem:s25], [sflag:$0xA], $0x640, $0x38;
	[tilespmem:$0x10A80] =	vst v63  }
0x2a5: {  	_ =	swait.ge [sflag:s28], $0x1900  }
0x2a6: {  	[sflag:s28] =	ssyncset.done $0x0  }
0x2a7: {  	[sflag:s28] =	ssyncadd.s32 $0xFFFFE700  }
0x2a8: {  	_ =	swait.ge [sflag:s30], $0x640  }
0x2a9: {  	[sflag:s30] =	ssyncset.done $0x0  }
0x2aa: {  	[sflag:s30] =	ssyncadd.s32 $0xFFFFF9C0  }
0x2ab: {  	v18 =	vld [tilespmem:$0x3540];
	_ =	sdelay $0x4  }
0x2ac: {  	v19 =	vadd.s32 s7, v18  }
0x2ad: {  	v19 =	vadd.s32 v10, v19;
	_ =	sdelay $0x3  }
0x2ae: {  	s6 =	simm.s32 $0x1  }
0x2af: {  	v20 =	vadd.s32 s7, v11;
	s3 =	simm.s32 $0x2;
	v21 =	vadd.s32 s6, v18;
	v19 =	vld.idx.msk [tilespmem:v19+s31+$0x0], $0xffff  }
.LBB2_44:
0x2b0: {  	p0 =	sne.s32 s3, $0x31;
	v21 =	vadd.s32 v10, v21;
	_ =	sdelay $0x1  }
.Ltmp21:
0x2b1: {  	(pc) =	sbr.rel @p0 .LBB2_44-.Ltmp21, $4  }
0x2b2: {  	_ = 	snop  }
0x2b3: {  	[tilespmem:v20+s22+$0x0] =	vst.idx.msk $0xffff, v19  }
0x2b4: {  	v19 =	vld.idx.msk [tilespmem:v21+s31+$0x0], $0xffff  }
0x2b5: {  	v20 =	vadd.s32 s6, v11;
	s6 =	smov.u32 s3;
	v21 =	vadd.s32 s3, v18;
	s3 =	sadd.s32 $0x1, s3  }
0x2b6: {  	v18 =	vadd.s32 v10, v21;
	_ =	sdelay $0x3  }
0x2b7: {  	[tilespmem:v20+s22+$0x0] =	vst.idx.msk $0xffff, v19  }
0x2b8: {  	v19 =	vadd.s32 s6, v11;
	v18 =	vld.idx.msk [tilespmem:v18+s31+$0x0], $0xffff;
	_ =	sdelay $0x4  }
0x2b9: {  	[tilespmem:v19+s22+$0x0] =	vst.idx.msk $0xffff, v18  }
0x2ba: {  	v18 =	vld [tilespmem:$0x3550];
	_ =	sdelay $0x3  }
0x2bb: {  	s7 =	simm.s32 $0x0  }
0x2bc: {  	v19 =	vadd.s32 s7, v18  }
0x2bd: {  	v19 =	vadd.s32 v16, v19;
	_ =	sdelay $0x3  }
0x2be: {  	s6 =	simm.s32 $0x1  }
0x2bf: {  	s3 =	simm.s32 $0x2;
	v20 =	vadd.s32 s7, v17;
	v21 =	vadd.s32 s6, v18;
	v19 =	vld.idx.msk [tilespmem:v19+s31+$0x0], $0xffff  }
.LBB2_46:
0x2c0: {  	p0 =	sne.s32 s3, $0x31;
	v21 =	vadd.s32 v16, v21;
	_ =	sdelay $0x1  }
.Ltmp22:
0x2c1: {  	(pc) =	sbr.rel @p0 .LBB2_46-.Ltmp22, $4  }
0x2c2: {  	_ = 	snop  }
0x2c3: {  	[tilespmem:v20+s22+$0x0] =	vst.idx.msk $0xffff, v19  }
0x2c4: {  	v19 =	vld.idx.msk [tilespmem:v21+s31+$0x0], $0xffff  }
0x2c5: {  	v20 =	vadd.s32 s6, v17;
	s6 =	smov.u32 s3;
	v21 =	vadd.s32 s3, v18;
	s3 =	sadd.s32 $0x1, s3  }
0x2c6: {  	v18 =	vadd.s32 v16, v21;
	_ =	sdelay $0x3  }
0x2c7: {  	[tilespmem:v20+s22+$0x0] =	vst.idx.msk $0xffff, v19  }
0x2c8: {  	v19 =	vadd.s32 s6, v17;
	v18 =	vld.idx.msk [tilespmem:v18+s31+$0x0], $0xffff;
	_ =	sdelay $0x4  }
0x2c9: {  	s7 =	simm.s32 $0x0;
	s3 =	rddreg [dreg:$0x9];
	[tilespmem:v19+s22+$0x0] =	vst.idx.msk $0xffff, v18  }
0x2ca: {  	[hbm4b:s3+s7] =	stream.linear.scatter [tilespmem:s22], [sflag:$0x9], $0x640, $0x38;
	[tilespmem:$0x10A80] =	vst v63  }
0x2cb: {  	_ =	swait.ge [sflag:s1], $0x1900  }
0x2cc: {  	[sflag:s1] =	ssyncset.done $0x0  }
0x2cd: {  	[sflag:s1] =	ssyncadd.s32 $0xFFFFE700  }
0x2ce: {  	_ =	swait.ge [sflag:s9], $0x640  }
0x2cf: {  	[sflag:s9] =	ssyncset.done $0x0  }
0x2d0: {  	[sflag:s9] =	ssyncadd.s32 $0xFFFFF9C0  }
0x2d1: {  	v18 =	vld [tilespmem:$0x3560];
	_ =	sdelay $0x4  }
0x2d2: {  	v19 =	vadd.s32 s7, v18  }
0x2d3: {  	v19 =	vadd.s32 v10, v19;
	_ =	sdelay $0x3  }
0x2d4: {  	s6 =	simm.s32 $0x1  }
0x2d5: {  	v20 =	vadd.s32 s7, v11;
	s3 =	simm.s32 $0x2;
	v21 =	vadd.s32 s6, v18;
	v19 =	vld.idx.msk [tilespmem:v19+s0+$0x0], $0xffff  }
.LBB2_48:
0x2d6: {  	p0 =	sne.s32 s3, $0x31;
	v21 =	vadd.s32 v10, v21;
	_ =	sdelay $0x1  }
.Ltmp23:
0x2d7: {  	(pc) =	sbr.rel @p0 .LBB2_48-.Ltmp23, $4  }
0x2d8: {  	_ = 	snop  }
0x2d9: {  	[tilespmem:v20+s25+$0x0] =	vst.idx.msk $0xffff, v19  }
0x2da: {  	v19 =	vld.idx.msk [tilespmem:v21+s0+$0x0], $0xffff  }
0x2db: {  	v20 =	vadd.s32 s6, v11;
	s6 =	smov.u32 s3;
	v21 =	vadd.s32 s3, v18;
	s3 =	sadd.s32 $0x1, s3  }
0x2dc: {  	v18 =	vadd.s32 v10, v21;
	_ =	sdelay $0x3  }
0x2dd: {  	[tilespmem:v20+s25+$0x0] =	vst.idx.msk $0xffff, v19  }
0x2de: {  	v19 =	vadd.s32 s6, v11;
	v18 =	vld.idx.msk [tilespmem:v18+s0+$0x0], $0xffff;
	_ =	sdelay $0x4  }
0x2df: {  	[tilespmem:v19+s25+$0x0] =	vst.idx.msk $0xffff, v18  }
0x2e0: {  	v18 =	vld [tilespmem:$0x3570];
	_ =	sdelay $0x3  }
0x2e1: {  	s7 =	simm.s32 $0x0  }
0x2e2: {  	v19 =	vadd.s32 s7, v18  }
0x2e3: {  	v19 =	vadd.s32 v16, v19;
	_ =	sdelay $0x3  }
0x2e4: {  	s6 =	simm.s32 $0x1  }
0x2e5: {  	s3 =	simm.s32 $0x2;
	v20 =	vadd.s32 s7, v17;
	v21 =	vadd.s32 s6, v18;
	v19 =	vld.idx.msk [tilespmem:v19+s0+$0x0], $0xffff  }
.LBB2_50:
0x2e6: {  	p0 =	sne.s32 s3, $0x31;
	v21 =	vadd.s32 v16, v21;
	_ =	sdelay $0x1  }
.Ltmp24:
0x2e7: {  	(pc) =	sbr.rel @p0 .LBB2_50-.Ltmp24, $4  }
0x2e8: {  	_ = 	snop  }
0x2e9: {  	[tilespmem:v20+s25+$0x0] =	vst.idx.msk $0xffff, v19  }
0x2ea: {  	v19 =	vld.idx.msk [tilespmem:v21+s0+$0x0], $0xffff  }
0x2eb: {  	v20 =	vadd.s32 s6, v17;
	s6 =	smov.u32 s3;
	v21 =	vadd.s32 s3, v18;
	s3 =	sadd.s32 $0x1, s3  }
0x2ec: {  	v18 =	vadd.s32 v16, v21;
	_ =	sdelay $0x3  }
0x2ed: {  	[tilespmem:v20+s25+$0x0] =	vst.idx.msk $0xffff, v19  }
0x2ee: {  	v19 =	vadd.s32 s6, v17;
	v18 =	vld.idx.msk [tilespmem:v18+s0+$0x0], $0xffff;
	_ =	sdelay $0x4  }
0x2ef: {  	s7 =	simm.s32 $0x0;
	s3 =	rddreg [dreg:$0xa];
	[tilespmem:v19+s25+$0x0] =	vst.idx.msk $0xffff, v18  }
0x2f0: {  	[hbm4b:s3+s7] =	stream.linear.scatter [tilespmem:s25], [sflag:$0xA], $0x640, $0x38;
	[tilespmem:$0x10A80] =	vst v63  }
0x2f1: {  	_ =	swait.ge [sflag:s11], $0x1900  }
0x2f2: {  	[sflag:s11] =	ssyncset.done $0x0  }
0x2f3: {  	[sflag:s11] =	ssyncadd.s32 $0xFFFFE700  }
0x2f4: {  	_ =	swait.ge [sflag:s30], $0x640  }
0x2f5: {  	[sflag:s30] =	ssyncset.done $0x0  }
0x2f6: {  	[sflag:s30] =	ssyncadd.s32 $0xFFFFF9C0  }
0x2f7: {  	v18 =	vld [tilespmem:$0x3580];
	_ =	sdelay $0x4  }
0x2f8: {  	v19 =	vadd.s32 s7, v18  }
0x2f9: {  	v19 =	vadd.s32 v10, v19;
	_ =	sdelay $0x3  }
0x2fa: {  	s6 =	simm.s32 $0x1  }
0x2fb: {  	v20 =	vadd.s32 s7, v11;
	s3 =	simm.s32 $0x2;
	v21 =	vadd.s32 s6, v18;
	v19 =	vld.idx.msk [tilespmem:v19+s10+$0x0], $0xffff  }
.LBB2_52:
0x2fc: {  	p0 =	sne.s32 s3, $0x31;
	v21 =	vadd.s32 v10, v21;
	_ =	sdelay $0x1  }
.Ltmp25:
0x2fd: {  	(pc) =	sbr.rel @p0 .LBB2_52-.Ltmp25, $4  }
0x2fe: {  	_ = 	snop  }
0x2ff: {  	[tilespmem:v20+s22+$0x0] =	vst.idx.msk $0xffff, v19  }
0x300: {  	v19 =	vld.idx.msk [tilespmem:v21+s10+$0x0], $0xffff  }
0x301: {  	v20 =	vadd.s32 s6, v11;
	s6 =	smov.u32 s3;
	v21 =	vadd.s32 s3, v18;
	s3 =	sadd.s32 $0x1, s3  }
0x302: {  	v18 =	vadd.s32 v10, v21;
	_ =	sdelay $0x3  }
0x303: {  	[tilespmem:v20+s22+$0x0] =	vst.idx.msk $0xffff, v19  }
0x304: {  	v19 =	vadd.s32 s6, v11;
	v18 =	vld.idx.msk [tilespmem:v18+s10+$0x0], $0xffff;
	_ =	sdelay $0x4  }
0x305: {  	[tilespmem:v19+s22+$0x0] =	vst.idx.msk $0xffff, v18  }
0x306: {  	v18 =	vld [tilespmem:$0x3590];
	_ =	sdelay $0x3  }
0x307: {  	s7 =	simm.s32 $0x0  }
0x308: {  	v19 =	vadd.s32 s7, v18  }
0x309: {  	v19 =	vadd.s32 v16, v19;
	_ =	sdelay $0x3  }
0x30a: {  	s6 =	simm.s32 $0x1  }
0x30b: {  	s3 =	simm.s32 $0x2;
	v20 =	vadd.s32 s7, v17;
	v21 =	vadd.s32 s6, v18;
	v19 =	vld.idx.msk [tilespmem:v19+s10+$0x0], $0xffff  }
.LBB2_54:
0x30c: {  	p0 =	sne.s32 s3, $0x31;
	v21 =	vadd.s32 v16, v21;
	_ =	sdelay $0x1  }
.Ltmp26:
0x30d: {  	(pc) =	sbr.rel @p0 .LBB2_54-.Ltmp26, $4  }
0x30e: {  	_ = 	snop  }
0x30f: {  	[tilespmem:v20+s22+$0x0] =	vst.idx.msk $0xffff, v19  }
0x310: {  	v19 =	vld.idx.msk [tilespmem:v21+s10+$0x0], $0xffff  }
0x311: {  	v20 =	vadd.s32 s6, v17;
	s6 =	smov.u32 s3;
	v21 =	vadd.s32 s3, v18;
	s3 =	sadd.s32 $0x1, s3  }
0x312: {  	v18 =	vadd.s32 v16, v21;
	_ =	sdelay $0x3  }
0x313: {  	[tilespmem:v20+s22+$0x0] =	vst.idx.msk $0xffff, v19  }
0x314: {  	v19 =	vadd.s32 s6, v17;
	v18 =	vld.idx.msk [tilespmem:v18+s10+$0x0], $0xffff;
	_ =	sdelay $0x4  }
0x315: {  	s7 =	simm.s32 $0x0;
	s3 =	rddreg [dreg:$0xb];
	[tilespmem:v19+s22+$0x0] =	vst.idx.msk $0xffff, v18  }
0x316: {  	[hbm4b:s3+s7] =	stream.linear.scatter [tilespmem:s22], [sflag:$0x9], $0x640, $0x38;
	[tilespmem:$0x10A80] =	vst v63  }
0x317: {  	_ =	swait.ge [sflag:s13], $0x1900  }
0x318: {  	[sflag:s13] =	ssyncset.done $0x0  }
0x319: {  	[sflag:s13] =	ssyncadd.s32 $0xFFFFE700  }
0x31a: {  	_ =	swait.ge [sflag:s9], $0x640  }
0x31b: {  	[sflag:s9] =	ssyncset.done $0x0  }
0x31c: {  	[sflag:s9] =	ssyncadd.s32 $0xFFFFF9C0  }
0x31d: {  	v18 =	vld [tilespmem:$0x35A0];
	_ =	sdelay $0x4  }
0x31e: {  	v19 =	vadd.s32 s7, v18  }
0x31f: {  	v19 =	vadd.s32 v10, v19;
	_ =	sdelay $0x3  }
0x320: {  	s6 =	simm.s32 $0x1  }
0x321: {  	v20 =	vadd.s32 s7, v11;
	s3 =	simm.s32 $0x2;
	v21 =	vadd.s32 s6, v18;
	v19 =	vld.idx.msk [tilespmem:v19+s12+$0x0], $0xffff  }
.LBB2_56:
0x322: {  	p0 =	sne.s32 s3, $0x31;
	v21 =	vadd.s32 v10, v21;
	_ =	sdelay $0x1  }
.Ltmp27:
0x323: {  	(pc) =	sbr.rel @p0 .LBB2_56-.Ltmp27, $4  }
0x324: {  	_ = 	snop  }
0x325: {  	[tilespmem:v20+s25+$0x0] =	vst.idx.msk $0xffff, v19  }
0x326: {  	v19 =	vld.idx.msk [tilespmem:v21+s12+$0x0], $0xffff  }
0x327: {  	v20 =	vadd.s32 s6, v11;
	s6 =	smov.u32 s3;
	v21 =	vadd.s32 s3, v18;
	s3 =	sadd.s32 $0x1, s3  }
0x328: {  	v18 =	vadd.s32 v10, v21;
	_ =	sdelay $0x3  }
0x329: {  	[tilespmem:v20+s25+$0x0] =	vst.idx.msk $0xffff, v19  }
0x32a: {  	v19 =	vadd.s32 s6, v11;
	v18 =	vld.idx.msk [tilespmem:v18+s12+$0x0], $0xffff;
	_ =	sdelay $0x4  }
0x32b: {  	[tilespmem:v19+s25+$0x0] =	vst.idx.msk $0xffff, v18  }
0x32c: {  	v18 =	vld [tilespmem:$0x35B0];
	_ =	sdelay $0x3  }
0x32d: {  	s7 =	simm.s32 $0x0  }
0x32e: {  	v19 =	vadd.s32 s7, v18  }
0x32f: {  	v19 =	vadd.s32 v16, v19;
	_ =	sdelay $0x3  }
0x330: {  	s6 =	simm.s32 $0x1  }
0x331: {  	s3 =	simm.s32 $0x2;
	v20 =	vadd.s32 s7, v17;
	v21 =	vadd.s32 s6, v18;
	v19 =	vld.idx.msk [tilespmem:v19+s12+$0x0], $0xffff  }
.LBB2_58:
0x332: {  	p0 =	sne.s32 s3, $0x31;
	v21 =	vadd.s32 v16, v21;
	_ =	sdelay $0x1  }
.Ltmp28:
0x333: {  	(pc) =	sbr.rel @p0 .LBB2_58-.Ltmp28, $4  }
0x334: {  	_ = 	snop  }
0x335: {  	[tilespmem:v20+s25+$0x0] =	vst.idx.msk $0xffff, v19  }
0x336: {  	v19 =	vld.idx.msk [tilespmem:v21+s12+$0x0], $0xffff  }
0x337: {  	v20 =	vadd.s32 s6, v17;
	s6 =	smov.u32 s3;
	v21 =	vadd.s32 s3, v18;
	s3 =	sadd.s32 $0x1, s3  }
0x338: {  	v18 =	vadd.s32 v16, v21;
	_ =	sdelay $0x3  }
0x339: {  	[tilespmem:v20+s25+$0x0] =	vst.idx.msk $0xffff, v19  }
0x33a: {  	v19 =	vadd.s32 s6, v17;
	v18 =	vld.idx.msk [tilespmem:v18+s12+$0x0], $0xffff;
	_ =	sdelay $0x4  }
0x33b: {  	s7 =	simm.s32 $0x0;
	s3 =	rddreg [dreg:$0xc];
	[tilespmem:v19+s25+$0x0] =	vst.idx.msk $0xffff, v18  }
0x33c: {  	[hbm4b:s3+s7] =	stream.linear.scatter [tilespmem:s25], [sflag:$0xA], $0x640, $0x38;
	[tilespmem:$0x10A80] =	vst v63  }
0x33d: {  	_ =	swait.ge [sflag:s15], $0x1900  }
0x33e: {  	[sflag:s15] =	ssyncset.done $0x0  }
0x33f: {  	[sflag:s15] =	ssyncadd.s32 $0xFFFFE700  }
0x340: {  	_ =	swait.ge [sflag:s30], $0x640  }
0x341: {  	[sflag:s30] =	ssyncset.done $0x0  }
0x342: {  	[sflag:s30] =	ssyncadd.s32 $0xFFFFF9C0  }
0x343: {  	v18 =	vld [tilespmem:$0x35C0];
	_ =	sdelay $0x4  }
0x344: {  	v19 =	vadd.s32 s7, v18  }
0x345: {  	v19 =	vadd.s32 v10, v19;
	_ =	sdelay $0x3  }
0x346: {  	s6 =	simm.s32 $0x1  }
0x347: {  	v20 =	vadd.s32 s7, v11;
	s3 =	simm.s32 $0x2;
	v21 =	vadd.s32 s6, v18;
	v19 =	vld.idx.msk [tilespmem:v19+s14+$0x0], $0xffff  }
.LBB2_60:
0x348: {  	p0 =	sne.s32 s3, $0x31;
	v21 =	vadd.s32 v10, v21;
	_ =	sdelay $0x1  }
.Ltmp29:
0x349: {  	(pc) =	sbr.rel @p0 .LBB2_60-.Ltmp29, $4  }
0x34a: {  	_ = 	snop  }
0x34b: {  	[tilespmem:v20+s22+$0x0] =	vst.idx.msk $0xffff, v19  }
0x34c: {  	v19 =	vld.idx.msk [tilespmem:v21+s14+$0x0], $0xffff  }
0x34d: {  	v20 =	vadd.s32 s6, v11;
	s6 =	smov.u32 s3;
	v21 =	vadd.s32 s3, v18;
	s3 =	sadd.s32 $0x1, s3  }
0x34e: {  	v18 =	vadd.s32 v10, v21;
	_ =	sdelay $0x3  }
0x34f: {  	[tilespmem:v20+s22+$0x0] =	vst.idx.msk $0xffff, v19  }
0x350: {  	v19 =	vadd.s32 s6, v11;
	v18 =	vld.idx.msk [tilespmem:v18+s14+$0x0], $0xffff;
	_ =	sdelay $0x4  }
0x351: {  	[tilespmem:v19+s22+$0x0] =	vst.idx.msk $0xffff, v18  }
0x352: {  	v18 =	vld [tilespmem:$0x35D0];
	_ =	sdelay $0x3  }
0x353: {  	s7 =	simm.s32 $0x0  }
0x354: {  	v19 =	vadd.s32 s7, v18  }
0x355: {  	v19 =	vadd.s32 v16, v19;
	_ =	sdelay $0x3  }
0x356: {  	s6 =	simm.s32 $0x1  }
0x357: {  	s3 =	simm.s32 $0x2;
	v20 =	vadd.s32 s7, v17;
	v21 =	vadd.s32 s6, v18;
	v19 =	vld.idx.msk [tilespmem:v19+s14+$0x0], $0xffff  }
.LBB2_62:
0x358: {  	p0 =	sne.s32 s3, $0x31;
	v21 =	vadd.s32 v16, v21;
	_ =	sdelay $0x1  }
.Ltmp30:
0x359: {  	(pc) =	sbr.rel @p0 .LBB2_62-.Ltmp30, $4  }
0x35a: {  	_ = 	snop  }
0x35b: {  	[tilespmem:v20+s22+$0x0] =	vst.idx.msk $0xffff, v19  }
0x35c: {  	v19 =	vld.idx.msk [tilespmem:v21+s14+$0x0], $0xffff  }
0x35d: {  	v20 =	vadd.s32 s6, v17;
	s6 =	smov.u32 s3;
	v21 =	vadd.s32 s3, v18;
	s3 =	sadd.s32 $0x1, s3  }
0x35e: {  	v18 =	vadd.s32 v16, v21;
	_ =	sdelay $0x3  }
0x35f: {  	[tilespmem:v20+s22+$0x0] =	vst.idx.msk $0xffff, v19  }
0x360: {  	v19 =	vadd.s32 s6, v17;
	v18 =	vld.idx.msk [tilespmem:v18+s14+$0x0], $0xffff;
	_ =	sdelay $0x4  }
0x361: {  	s7 =	simm.s32 $0x0;
	s3 =	rddreg [dreg:$0xf];
	[tilespmem:v19+s22+$0x0] =	vst.idx.msk $0xffff, v18  }
0x362: {  	[hbm4b:s3+s7] =	stream.linear.scatter [tilespmem:s22], [sflag:$0x9], $0x640, $0x38;
	[tilespmem:$0x10A80] =	vst v63  }
0x363: {  	_ =	swait.ge [sflag:s4], $0x1900  }
0x364: {  	[sflag:s4] =	ssyncset.done $0x0  }
0x365: {  	[sflag:s4] =	ssyncadd.s32 $0xFFFFE700  }
0x366: {  	_ =	swait.ge [sflag:s9], $0x640  }
0x367: {  	[sflag:s9] =	ssyncset.done $0x0  }
0x368: {  	[sflag:s9] =	ssyncadd.s32 $0xFFFFF9C0  }
0x369: {  	v18 =	vld [tilespmem:$0x35E0];
	_ =	sdelay $0x4  }
0x36a: {  	v19 =	vadd.s32 s7, v18  }
0x36b: {  	v19 =	vadd.s32 v10, v19;
	_ =	sdelay $0x3  }
0x36c: {  	s6 =	simm.s32 $0x1  }
0x36d: {  	v20 =	vadd.s32 s7, v11;
	s3 =	simm.s32 $0x2;
	v21 =	vadd.s32 s6, v18;
	v19 =	vld.idx.msk [tilespmem:v19+s17+$0x0], $0xffff  }
.LBB2_64:
0x36e: {  	p0 =	sne.s32 s3, $0x31;
	v21 =	vadd.s32 v10, v21;
	_ =	sdelay $0x1  }
.Ltmp31:
0x36f: {  	(pc) =	sbr.rel @p0 .LBB2_64-.Ltmp31, $4  }
0x370: {  	_ = 	snop  }
0x371: {  	[tilespmem:v20+s25+$0x0] =	vst.idx.msk $0xffff, v19  }
0x372: {  	v19 =	vld.idx.msk [tilespmem:v21+s17+$0x0], $0xffff  }
0x373: {  	v20 =	vadd.s32 s6, v11;
	s6 =	smov.u32 s3;
	v21 =	vadd.s32 s3, v18;
	s3 =	sadd.s32 $0x1, s3  }
0x374: {  	v18 =	vadd.s32 v10, v21;
	_ =	sdelay $0x3  }
0x375: {  	[tilespmem:v20+s25+$0x0] =	vst.idx.msk $0xffff, v19  }
0x376: {  	v19 =	vadd.s32 s6, v11;
	v18 =	vld.idx.msk [tilespmem:v18+s17+$0x0], $0xffff;
	_ =	sdelay $0x4  }
0x377: {  	[tilespmem:v19+s25+$0x0] =	vst.idx.msk $0xffff, v18  }
0x378: {  	v18 =	vld [tilespmem:$0x35F0];
	_ =	sdelay $0x3  }
0x379: {  	s7 =	simm.s32 $0x0  }
0x37a: {  	v19 =	vadd.s32 s7, v18  }
0x37b: {  	v19 =	vadd.s32 v16, v19;
	_ =	sdelay $0x3  }
0x37c: {  	s6 =	simm.s32 $0x1  }
0x37d: {  	s3 =	simm.s32 $0x2;
	v20 =	vadd.s32 s7, v17;
	v21 =	vadd.s32 s6, v18;
	v19 =	vld.idx.msk [tilespmem:v19+s17+$0x0], $0xffff  }
.LBB2_66:
0x37e: {  	p0 =	sne.s32 s3, $0x31;
	v21 =	vadd.s32 v16, v21;
	_ =	sdelay $0x1  }
.Ltmp32:
0x37f: {  	(pc) =	sbr.rel @p0 .LBB2_66-.Ltmp32, $4  }
0x380: {  	_ = 	snop  }
0x381: {  	[tilespmem:v20+s25+$0x0] =	vst.idx.msk $0xffff, v19  }
0x382: {  	v19 =	vld.idx.msk [tilespmem:v21+s17+$0x0], $0xffff  }
0x383: {  	v20 =	vadd.s32 s6, v17;
	s6 =	smov.u32 s3;
	v21 =	vadd.s32 s3, v18;
	s3 =	sadd.s32 $0x1, s3  }
0x384: {  	v18 =	vadd.s32 v16, v21;
	_ =	sdelay $0x3  }
0x385: {  	[tilespmem:v20+s25+$0x0] =	vst.idx.msk $0xffff, v19  }
0x386: {  	v19 =	vadd.s32 s6, v17;
	v18 =	vld.idx.msk [tilespmem:v18+s17+$0x0], $0xffff;
	_ =	sdelay $0x4  }
0x387: {  	s3 =	rddreg [dreg:$0x11];
	[tilespmem:v19+s25+$0x0] =	vst.idx.msk $0xffff, v18  }
0x388: {  	[hbm4b:s3+s16] =	stream.linear.scatter [tilespmem:s25], [sflag:$0xA], $0x640, $0x38;
	[tilespmem:$0x10A80] =	vst v63  }
0x389: {  	_ =	swait.ge [sflag:s30], $0x640  }
0x38a: {  	[sflag:s30] =	ssyncset.done $0x0  }
0x38b: {  	[sflag:s30] =	ssyncadd.s32 $0xFFFFF9C0  }
0x38c: {  	_ =	swait.ge [sflag:s9], $0x640  }
0x38d: {  	s7 =	rddreg [dreg:$0x13]  }
0x38e: {  	s8 =	rddreg [dreg:$0x12];
	s6 =	sadd.s32 $0x1, s7  }
0x38f: {  	p0 =	sne.s32 s6, s8  }
.Ltmp33:
0x390: {  	_ = 	snop;
	(pc) =	sbr.rel @p0 .LBB2_1-.Ltmp33, $3  }
0x391: {  	_ =	sdelay $0x1  }
0x392: {  	[sflag:s9] =	ssyncset.done $0x0  }
0x393: {  	[sflag:s9] =	ssyncadd.s32 $0xFFFFF9C0  }
0x394: {  	_ =	sfence.sel $0x180000  }
0x395: {  	[bflag:$0x0] =	sbarrier.arrive $0xFFFF  }
0x396: {  	_ =	strace $0x90000047  }
0x397: {  	s0 =	stileid.u32;
	[bflag:$0x2] =	sbarrier.arrive $0xFFFF  }
0x398: {  	p0 =	sne.s32 s0, $0x0;
	s0 =	rddreg [dreg:$0x3]  }
0x399: {  	s0 =	sadd.s32 @!p0 $0x100000, s0  }
0x39a: {  	[sflag:s0] =	ssyncadd.tile.s32 @!p0 $0x1;
	_ =	shalt  }
.Lfunc_end2:
_tile_overlayer_lowered:
.L_overlay_start_2:
0x39b: {  	(tag) =	ssettag $0x2  }
0x39c: {  	s0 =	rddreg [dreg:$0x0];
	s2 =	stileid.u32  }
0x39d: {  	s1 =	rddreg [dreg:$0x1];
	p0 =	sne.s32 s2, $0x0  }
0x39e: {  	s3 =	rddreg [dreg:$0x2];
	[bflag:$0x3] =	sbarrier.arrive $0xFFFF;
	s2 =	simm.s32 @!p0 $0x1C0B  }
0x39f: {  	[timem:s3], [sflag:s2] =	dma.local @!p0 [hbm:s0], s1  }
0x3a0: {  	s0 =	simm.s32 @!p0 $0xB  }
0x3a1: {  	_ =	swait.ge @!p0 [sflag:s0], s1  }
0x3a2: {  	s1 =	ssub.s32 @!p0 $0x0, s1;
	[sflag:s0] =	ssyncset.done @!p0 $0x0  }
0x3a3: {  	[sflag:s0] =	ssyncadd.s32 @!p0 s1  }
0x3a4: {  	[bflag:$0x3] =	sbarrier.arrive $0xFFFF  }
0x3a5: {  	_ =	shalt  }

</sc_bundles>
